<compile_context>
chip_gen: v7x
topology: tpu7x:2x2x1
jax: 0.10.2.dev20260603
libtpu: 0.0.44.dev20260713+nightly
codegen_flags: <defaults>
</compile_context>

<pallas_src>
import jax
import jax.numpy as jnp
from jax import lax
from jax.experimental import pallas as pl
from jax.experimental.pallas import tpu as pltpu
from jax.experimental.pallas import tpu_sc as plsc

E = 64
TOPK = 2
DMODEL = 1024
DFF = 512
T = 64
FP8_MAX = 448.0
L = 16
NBUF = 3



def _routing_body(gt_hbm, dense_hbm, order_hbm, nu_hbm,
                  gt_v, dense_v, used_v, ord_v, nu_v):
    c = lax.axis_index("c")
    s = lax.axis_index("s")

    @pl.when(jnp.logical_and(c == 0, s == 0))
    def _work():
        pltpu.sync_copy(gt_hbm, gt_v)
        zf = jnp.zeros((L,), jnp.float32)
        zi = jnp.zeros((L,), jnp.int32)

        def _zero_chunk(j, carry):
            for u in range(16):
                dense_v[pl.ds(L * 16 * j + L * u, L)] = zf
            return carry

        lax.fori_loop(0, E * T // (L * 16), _zero_chunk, 0)
        for k in range(E // L):
            used_v[pl.ds(L * k, L)] = zi
            ord_v[pl.ds(L * k, L)] = zi

        ones = jnp.ones((L,), jnp.int32)
        for g in range(T // L):
            def _step(eb, carry):
                m1, i1, m2, i2 = carry
                for u in range(8):
                    e = eb * 8 + u
                    v = gt_v[e, pl.ds(L * g, L)]
                    e_vec = jnp.full((L,), 1, jnp.int32) * e
                    gt1 = v > m1
                    gt2 = jnp.logical_and(jnp.logical_not(gt1), v > m2)
                    m2n = jnp.where(gt1, m1, jnp.where(gt2, v, m2))
                    i2 = jnp.where(gt1, i1, jnp.where(gt2, e_vec, i2))
                    m2 = m2n
                    i1 = jnp.where(gt1, e_vec, i1)
                    m1 = jnp.where(gt1, v, m1)
                return m1, i1, m2, i2

            init = (jnp.full((L,), -jnp.inf, jnp.float32), zi,
                    jnp.full((L,), -jnp.inf, jnp.float32), zi)
            m1, i1, m2, i2 = lax.fori_loop(0, E // 8, _step, init)
            r = jnp.exp(m2 - m1)
            w1v = 1.0 / (1.0 + r)
            w2v = r / (1.0 + r)
            tvec = (lax.iota(jnp.int32, L) + L * g) * E
            plsc.store_scatter(dense_v, [tvec + i1], w1v)
            plsc.store_scatter(dense_v, [tvec + i2], w2v)
            plsc.store_scatter(used_v, [i1], ones)
            plsc.store_scatter(used_v, [i2], ones)

        total = jnp.int32(0)
        for k in range(E // L):
            mk = used_v[pl.ds(L * k, L)] > 0
            inc = jnp.where(mk, 1, 0)
            pos = plsc.cumsum(inc) - 1 + total
            ids = lax.iota(jnp.int32, L) + L * k
            plsc.store_scatter(ord_v, [pos], ids, mask=mk)
            total = total + jnp.sum(inc)
        nu_v[...] = jnp.full((L,), total, jnp.int32)

        pltpu.sync_copy(dense_v, dense_hbm)
        pltpu.sync_copy(ord_v, order_hbm)
        pltpu.sync_copy(nu_v, nu_hbm)


def _routing(gt):
    f = pl.kernel(
        _routing_body,
        out_type=(
            jax.ShapeDtypeStruct((T * E,), jnp.float32),
            jax.ShapeDtypeStruct((E,), jnp.int32),
            jax.ShapeDtypeStruct((L,), jnp.int32),
        ),
        mesh=plsc.VectorSubcoreMesh(core_axis_name="c", subcore_axis_name="s"),
        compiler_params=pltpu.CompilerParams(needs_layout_passes=False),
        scratch_types=[
            pltpu.VMEM((E, T), jnp.float32),
            pltpu.VMEM((T * E,), jnp.float32),
            pltpu.VMEM((E,), jnp.int32),
            pltpu.VMEM((E,), jnp.int32),
            pltpu.VMEM((L,), jnp.int32),
        ],
    )
    return f(gt)



def _moe_body(order_ref, nu_ref, x_ref, dt_ref, s1_ref, s2_ref,
              a1_ref, a2_ref, w1_hbm, w2_hbm, out_ref,
              w1_buf, w2_buf, sem1, sem2):
    nu = nu_ref[0]

    def _issue(i, b):
        e = order_ref[i]
        pltpu.make_async_copy(w1_hbm.at[e], w1_buf.at[b], sem1.at[b]).start()
        pltpu.make_async_copy(w2_hbm.at[e], w2_buf.at[b], sem2.at[b]).start()

    def _wait1(i, b):
        e = order_ref[i]
        pltpu.make_async_copy(w1_hbm.at[e], w1_buf.at[b], sem1.at[b]).wait()

    def _wait2(i, b):
        e = order_ref[i]
        pltpu.make_async_copy(w2_hbm.at[e], w2_buf.at[b], sem2.at[b]).wait()

    for b in range(NBUF):
        @pl.when(b < nu)
        def _prime(b=b):
            _issue(b, b)

    a1 = a1_ref[0]
    a2 = a2_ref[0]
    xq = jnp.clip(x_ref[...] / a1, -FP8_MAX, FP8_MAX)
    dt = dt_ref[...]
    col = lax.broadcasted_iota(jnp.int32, (E, 1), 0)
    out_ref[...] = jnp.zeros_like(out_ref)

    def _super(i_sup, acc):
        base = i_sup * NBUF
        for b in range(NBUF):
            i = base + b

            @pl.when(i < nu)
            def _one(i=i, b=b):
                e = order_ref[i]
                _wait1(i, b)
                h = lax.dot_general(xq, w1_buf[b], (((1,), (1,)), ((), ())),
                                    preferred_element_type=jnp.float32)
                h = h * (a1 * s1_ref[e])
                gate = h[:, :DFF]
                up = h[:, DFF:]
                act = gate * jax.nn.sigmoid(gate) * up
                aq = jnp.clip(act / a2, -FP8_MAX, FP8_MAX)
                _wait2(i, b)
                oe = lax.dot_general(aq, w2_buf[b], (((1,), (1,)), ((), ())),
                                     preferred_element_type=jnp.float32)
                oe = oe * (a2 * s2_ref[e])
                onehot = jnp.where(col == e, 1.0, 0.0)
                wt_col = lax.dot_general(dt, onehot, (((1,), (0,)), ((), ())),
                                         preferred_element_type=jnp.float32)
                out_ref[...] += wt_col * oe

                j = i + NBUF

                @pl.when(j < nu)
                def _next():
                    _issue(j, b)

        return acc

    n_sup = lax.div(nu + (NBUF - 1), NBUF)
    lax.fori_loop(0, n_sup, _super, 0)


def kernel(x, gating_output, w1_q, w2_q, w1_scale, w2_scale, a1_scale,
           a2_scale):
    dense, order, nu = _routing(gating_output.T)
    dt = dense.reshape(T, E)
    s1 = w1_scale.reshape(E)
    s2 = w2_scale.reshape(E)
    a1 = a1_scale.reshape(1)
    a2 = a2_scale.reshape(1)
    return pl.pallas_call(
        _moe_body,
        in_specs=[
            pl.BlockSpec(memory_space=pltpu.SMEM),
            pl.BlockSpec(memory_space=pltpu.SMEM),
            pl.BlockSpec(memory_space=pltpu.VMEM),
            pl.BlockSpec(memory_space=pltpu.VMEM),
            pl.BlockSpec(memory_space=pltpu.SMEM),
            pl.BlockSpec(memory_space=pltpu.SMEM),
            pl.BlockSpec(memory_space=pltpu.SMEM),
            pl.BlockSpec(memory_space=pltpu.SMEM),
            pl.BlockSpec(memory_space=pltpu.MemorySpace.HBM),
            pl.BlockSpec(memory_space=pltpu.MemorySpace.HBM),
        ],
        out_specs=pl.BlockSpec(memory_space=pltpu.VMEM),
        out_shape=jax.ShapeDtypeStruct((T, DMODEL), jnp.float32),
        scratch_shapes=[
            pltpu.VMEM((NBUF, 2 * DFF, DMODEL), jnp.float32),
            pltpu.VMEM((NBUF, DMODEL, DFF), jnp.float32),
            pltpu.SemaphoreType.DMA((NBUF,)),
            pltpu.SemaphoreType.DMA((NBUF,)),
        ],
        compiler_params=pltpu.CompilerParams(
            vmem_limit_bytes=100 * 1024 * 1024),
    )(order, nu, x, dt, s1, s2, a1, a2, w1_q, w2_q)

# --- scband reference (transcript-rebuilt; emitter-appended) ---
"""Pipeline reference for scband-fp8-sparse-mo-elayer-5102421148274 (READ-ONLY COPY).

The authoritative reference and input builder live on the scoring server;
editing this copy changes nothing except your own understanding.
"""

import jax, jax.numpy as jnp
import numpy as np

E = 64
TOPK = 2
DMODEL = 1024
DFF = 512
T = 64
FP8_MAX = 448.0


def _silu(v):
    return v * jax.nn.sigmoid(v)


def setup_inputs(seed: int = 0) -> dict:
    key = jax.random.key(seed)
    ks = jax.random.split(key, 6)
    x = jax.random.normal(ks[0], (T, DMODEL), dtype=jnp.float32)
    gating_output = jax.random.normal(ks[1], (T, E), dtype=jnp.float32)
    w1 = jax.random.normal(ks[2], (E, 2 * DFF, DMODEL), dtype=jnp.float32) * 0.02
    w2 = jax.random.normal(ks[3], (E, DMODEL, DFF), dtype=jnp.float32) * 0.02
    # per-expert scalar fp8 weight scales (w8a8 scheme)
    w1_scale = jnp.max(jnp.abs(w1), axis=(1, 2)) / FP8_MAX
    w2_scale = jnp.max(jnp.abs(w2), axis=(1, 2)) / FP8_MAX
    w1_q = w1 / w1_scale[:, None, None]
    w2_q = w2 / w2_scale[:, None, None]
    a1_scale = jnp.asarray(0.02, dtype=jnp.float32)
    a2_scale = jnp.asarray(0.02, dtype=jnp.float32)
    return {
        "x": x,
        "gating_output": gating_output,
        "w1_q": w1_q,
        "w2_q": w2_q,
        "w1_scale": w1_scale,
        "w2_scale": w2_scale,
        "a1_scale": a1_scale,
        "a2_scale": a2_scale,
    }


def reference(x, gating_output, w1_q, w2_q, w1_scale, w2_scale, a1_scale, a2_scale):
    # softmax scoring + top-k routing + renormalize (fused_moe semantics)
    probs = jax.nn.softmax(gating_output, axis=-1)
    topk_w, topk_ids = jax.lax.top_k(probs, TOPK)
    topk_w = topk_w / jnp.sum(topk_w, axis=-1, keepdims=True)

    flat_ids = topk_ids.reshape(-1)
    token_idx = np.repeat(np.arange(T), TOPK)
    flat_w = topk_w.reshape(-1)

    xe = x[token_idx]
    # simulated fp8 w8a8: quantize activations, int-domain matmul, dequant
    xq = jnp.clip(xe / a1_scale, -FP8_MAX, FP8_MAX)

    out = jnp.zeros_like(x)
    for e in range(E):
        w = jnp.where(flat_ids == e, flat_w, jnp.zeros_like(flat_w))
        h = (xq @ w1_q[e].T) * (a1_scale * w1_scale[e])
        gate, up = h[:, :DFF], h[:, DFF:]
        act = _silu(gate) * up
        aq = jnp.clip(act / a2_scale, -FP8_MAX, FP8_MAX)
        oe = (aq @ w2_q[e].T) * (a2_scale * w2_scale[e])
        out = out.at[token_idx].add(w[:, None] * oe)
    return out

if __name__ == "__main__":
    import jax
    _d = setup_inputs()
    print(jax.jit(kernel)(*tuple(_d.values())))

</pallas_src>

<mosaic_0001>
#map = affine_map<(d0, d1) -> (0, 0)>
#map1 = affine_map<(d0, d1) -> (0)>
module attributes {stable_mosaic.version = 14 : i64} {
  func.func @_routing_body(%arg0: i32, %arg1: i32, %arg2: memref<64x64xf32, #tpu.memory_space<hbm>>, %arg3: memref<4096xf32, #tpu.memory_space<hbm>>, %arg4: memref<64xi32, #tpu.memory_space<hbm>>, %arg5: memref<16xi32, #tpu.memory_space<hbm>>, %arg6: memref<64x64xf32, #tpu.memory_space<vmem>>, %arg7: memref<4096xf32, #tpu.memory_space<vmem>>, %arg8: memref<64xi32, #tpu.memory_space<vmem>>, %arg9: memref<64xi32, #tpu.memory_space<vmem>>, %arg10: memref<16xi32, #tpu.memory_space<vmem>>) attributes {dimension_semantics = [#tpu.dimension_semantics<core_parallel>, #tpu.dimension_semantics<subcore_parallel>], iteration_bounds = array<i64: 2, 16>, scalar_prefetch = 0 : i64, scratch_operands = 5 : i64, tpu.core_type = #tpu.core_type<sc_vector_subcore>, window_params = [{transform_indices = #map}, {transform_indices = #map1}, {transform_indices = #map1}, {transform_indices = #map1}]} {
    %eq3A = arith.constant 0 : i32
    %eq3A_0 = arith.cmpi eq, %arg0, %eq3A : i32
    %eq3A_1 = arith.constant 0 : i32
    %eq3A_2 = arith.cmpi eq, %arg1, %eq3A_1 : i32
    %and3A = arith.andi %eq3A_0, %eq3A_2 : i1
    %convert_element_type3A = arith.extui %and3A : i1 to i32
    %cond3A = arith.constant 0 : i32
    %cond3A_3 = arith.cmpi ne, %convert_element_type3A, %cond3A : i32
    scf.if %cond3A_3 {
      "tpu.region"() ({
        %run_scoped3A = tpu.sem_alloc : memref<!tpu.dma_semaphore, #tpu.memory_space<semaphore_mem>>
        tpu.enqueue_dma source(%arg2 : memref<64x64xf32, #tpu.memory_space<hbm>>) target(%arg6 : memref<64x64xf32, #tpu.memory_space<vmem>>) target_semaphore(%run_scoped3A : memref<!tpu.dma_semaphore, #tpu.memory_space<semaphore_mem>>)
        tpu.wait_dma2 semaphore(%run_scoped3A : memref<!tpu.dma_semaphore, #tpu.memory_space<semaphore_mem>>) src(%arg2 : memref<64x64xf32, #tpu.memory_space<hbm>>) dst(%arg6 : memref<64x64xf32, #tpu.memory_space<vmem>>)
        tpu.yield
      }) : () -> ()
      %broadcast_in_dim3A = arith.constant 0.000000e+00 : f32
      %broadcast_in_dim3A_4 = vector.broadcast %broadcast_in_dim3A : f32 to vector<16xf32>
      %broadcast_in_dim3A_5 = arith.constant 0 : i32
      %broadcast_in_dim3A_6 = vector.broadcast %broadcast_in_dim3A_5 : i32 to vector<16xi32>
      %scan3A = arith.constant 0 : i32
      %scan3A_7 = arith.constant 0 : i32
      %scan3A_8 = arith.constant 16 : i32
      %scan3A_9 = arith.addi %scan3A_7, %scan3A_8 : i32
      %scan3A_10 = arith.constant 1 : i32
      scf.for %scan3A_254 = %scan3A_7 to %scan3A_9 step %scan3A_10  : i32 {
        %mul3A_255 = arith.constant 256 : i32
        %mul3A_256 = arith.muli %mul3A_255, %scan3A_254 : i32
        %add3A_257 = arith.constant 0 : i32
        %add3A_258 = arith.addi %mul3A_256, %add3A_257 : i32
        %swap3A_259 = arith.index_cast %add3A_258 : i32 to index
        %swap3A_260 = tpu.vector_load %arg7[%swap3A_259] {strides = array<i32>} : memref<4096xf32, #tpu.memory_space<vmem>>, vector<16xf32>,
        tpu.vector_store %arg7[%swap3A_259], %broadcast_in_dim3A_4 {strides = array<i32>} : memref<4096xf32, #tpu.memory_space<vmem>>, vector<16xf32>,
        %mul3A_261 = arith.constant 256 : i32
        %mul3A_262 = arith.muli %mul3A_261, %scan3A_254 : i32
        %add3A_263 = arith.constant 16 : i32
        %add3A_264 = arith.addi %mul3A_262, %add3A_263 : i32
        %swap3A_265 = arith.index_cast %add3A_264 : i32 to index
        %swap3A_266 = tpu.vector_load %arg7[%swap3A_265] {strides = array<i32>} : memref<4096xf32, #tpu.memory_space<vmem>>, vector<16xf32>,
        tpu.vector_store %arg7[%swap3A_265], %broadcast_in_dim3A_4 {strides = array<i32>} : memref<4096xf32, #tpu.memory_space<vmem>>, vector<16xf32>,
        %mul3A_267 = arith.constant 256 : i32
        %mul3A_268 = arith.muli %mul3A_267, %scan3A_254 : i32
        %add3A_269 = arith.constant 32 : i32
        %add3A_270 = arith.addi %mul3A_268, %add3A_269 : i32
        %swap3A_271 = arith.index_cast %add3A_270 : i32 to index
        %swap3A_272 = tpu.vector_load %arg7[%swap3A_271] {strides = array<i32>} : memref<4096xf32, #tpu.memory_space<vmem>>, vector<16xf32>,
        tpu.vector_store %arg7[%swap3A_271], %broadcast_in_dim3A_4 {strides = array<i32>} : memref<4096xf32, #tpu.memory_space<vmem>>, vector<16xf32>,
        %mul3A_273 = arith.constant 256 : i32
        %mul3A_274 = arith.muli %mul3A_273, %scan3A_254 : i32
        %add3A_275 = arith.constant 48 : i32
        %add3A_276 = arith.addi %mul3A_274, %add3A_275 : i32
        %swap3A_277 = arith.index_cast %add3A_276 : i32 to index
        %swap3A_278 = tpu.vector_load %arg7[%swap3A_277] {strides = array<i32>} : memref<4096xf32, #tpu.memory_space<vmem>>, vector<16xf32>,
        tpu.vector_store %arg7[%swap3A_277], %broadcast_in_dim3A_4 {strides = array<i32>} : memref<4096xf32, #tpu.memory_space<vmem>>, vector<16xf32>,
        %mul3A_279 = arith.constant 256 : i32
        %mul3A_280 = arith.muli %mul3A_279, %scan3A_254 : i32
        %add3A_281 = arith.constant 64 : i32
        %add3A_282 = arith.addi %mul3A_280, %add3A_281 : i32
        %swap3A_283 = arith.index_cast %add3A_282 : i32 to index
        %swap3A_284 = tpu.vector_load %arg7[%swap3A_283] {strides = array<i32>} : memref<4096xf32, #tpu.memory_space<vmem>>, vector<16xf32>,
        tpu.vector_store %arg7[%swap3A_283], %broadcast_in_dim3A_4 {strides = array<i32>} : memref<4096xf32, #tpu.memory_space<vmem>>, vector<16xf32>,
        %mul3A_285 = arith.constant 256 : i32
        %mul3A_286 = arith.muli %mul3A_285, %scan3A_254 : i32
        %add3A_287 = arith.constant 80 : i32
        %add3A_288 = arith.addi %mul3A_286, %add3A_287 : i32
        %swap3A_289 = arith.index_cast %add3A_288 : i32 to index
        %swap3A_290 = tpu.vector_load %arg7[%swap3A_289] {strides = array<i32>} : memref<4096xf32, #tpu.memory_space<vmem>>, vector<16xf32>,
        tpu.vector_store %arg7[%swap3A_289], %broadcast_in_dim3A_4 {strides = array<i32>} : memref<4096xf32, #tpu.memory_space<vmem>>, vector<16xf32>,
        %mul3A_291 = arith.constant 256 : i32
        %mul3A_292 = arith.muli %mul3A_291, %scan3A_254 : i32
        %add3A_293 = arith.constant 96 : i32
        %add3A_294 = arith.addi %mul3A_292, %add3A_293 : i32
        %swap3A_295 = arith.index_cast %add3A_294 : i32 to index
        %swap3A_296 = tpu.vector_load %arg7[%swap3A_295] {strides = array<i32>} : memref<4096xf32, #tpu.memory_space<vmem>>, vector<16xf32>,
        tpu.vector_store %arg7[%swap3A_295], %broadcast_in_dim3A_4 {strides = array<i32>} : memref<4096xf32, #tpu.memory_space<vmem>>, vector<16xf32>,
        %mul3A_297 = arith.constant 256 : i32
        %mul3A_298 = arith.muli %mul3A_297, %scan3A_254 : i32
        %add3A_299 = arith.constant 112 : i32
        %add3A_300 = arith.addi %mul3A_298, %add3A_299 : i32
        %swap3A_301 = arith.index_cast %add3A_300 : i32 to index
        %swap3A_302 = tpu.vector_load %arg7[%swap3A_301] {strides = array<i32>} : memref<4096xf32, #tpu.memory_space<vmem>>, vector<16xf32>,
        tpu.vector_store %arg7[%swap3A_301], %broadcast_in_dim3A_4 {strides = array<i32>} : memref<4096xf32, #tpu.memory_space<vmem>>, vector<16xf32>,
        %mul3A_303 = arith.constant 256 : i32
        %mul3A_304 = arith.muli %mul3A_303, %scan3A_254 : i32
        %add3A_305 = arith.constant 128 : i32
        %add3A_306 = arith.addi %mul3A_304, %add3A_305 : i32
        %swap3A_307 = arith.index_cast %add3A_306 : i32 to index
        %swap3A_308 = tpu.vector_load %arg7[%swap3A_307] {strides = array<i32>} : memref<4096xf32, #tpu.memory_space<vmem>>, vector<16xf32>,
        tpu.vector_store %arg7[%swap3A_307], %broadcast_in_dim3A_4 {strides = array<i32>} : memref<4096xf32, #tpu.memory_space<vmem>>, vector<16xf32>,
        %mul3A_309 = arith.constant 256 : i32
        %mul3A_310 = arith.muli %mul3A_309, %scan3A_254 : i32
        %add3A_311 = arith.constant 144 : i32
        %add3A_312 = arith.addi %mul3A_310, %add3A_311 : i32
        %swap3A_313 = arith.index_cast %add3A_312 : i32 to index
        %swap3A_314 = tpu.vector_load %arg7[%swap3A_313] {strides = array<i32>} : memref<4096xf32, #tpu.memory_space<vmem>>, vector<16xf32>,
        tpu.vector_store %arg7[%swap3A_313], %broadcast_in_dim3A_4 {strides = array<i32>} : memref<4096xf32, #tpu.memory_space<vmem>>, vector<16xf32>,
        %mul3A_315 = arith.constant 256 : i32
        %mul3A_316 = arith.muli %mul3A_315, %scan3A_254 : i32
        %add3A_317 = arith.constant 160 : i32
        %add3A_318 = arith.addi %mul3A_316, %add3A_317 : i32
        %swap3A_319 = arith.index_cast %add3A_318 : i32 to index
        %swap3A_320 = tpu.vector_load %arg7[%swap3A_319] {strides = array<i32>} : memref<4096xf32, #tpu.memory_space<vmem>>, vector<16xf32>,
        tpu.vector_store %arg7[%swap3A_319], %broadcast_in_dim3A_4 {strides = array<i32>} : memref<4096xf32, #tpu.memory_space<vmem>>, vector<16xf32>,
        %mul3A_321 = arith.constant 256 : i32
        %mul3A_322 = arith.muli %mul3A_321, %scan3A_254 : i32
        %add3A_323 = arith.constant 176 : i32
        %add3A_324 = arith.addi %mul3A_322, %add3A_323 : i32
        %swap3A_325 = arith.index_cast %add3A_324 : i32 to index
        %swap3A_326 = tpu.vector_load %arg7[%swap3A_325] {strides = array<i32>} : memref<4096xf32, #tpu.memory_space<vmem>>, vector<16xf32>,
        tpu.vector_store %arg7[%swap3A_325], %broadcast_in_dim3A_4 {strides = array<i32>} : memref<4096xf32, #tpu.memory_space<vmem>>, vector<16xf32>,
        %mul3A_327 = arith.constant 256 : i32
        %mul3A_328 = arith.muli %mul3A_327, %scan3A_254 : i32
        %add3A_329 = arith.constant 192 : i32
        %add3A_330 = arith.addi %mul3A_328, %add3A_329 : i32
        %swap3A_331 = arith.index_cast %add3A_330 : i32 to index
        %swap3A_332 = tpu.vector_load %arg7[%swap3A_331] {strides = array<i32>} : memref<4096xf32, #tpu.memory_space<vmem>>, vector<16xf32>,
        tpu.vector_store %arg7[%swap3A_331], %broadcast_in_dim3A_4 {strides = array<i32>} : memref<4096xf32, #tpu.memory_space<vmem>>, vector<16xf32>,
        %mul3A_333 = arith.constant 256 : i32
        %mul3A_334 = arith.muli %mul3A_333, %scan3A_254 : i32
        %add3A_335 = arith.constant 208 : i32
        %add3A_336 = arith.addi %mul3A_334, %add3A_335 : i32
        %swap3A_337 = arith.index_cast %add3A_336 : i32 to index
        %swap3A_338 = tpu.vector_load %arg7[%swap3A_337] {strides = array<i32>} : memref<4096xf32, #tpu.memory_space<vmem>>, vector<16xf32>,
        tpu.vector_store %arg7[%swap3A_337], %broadcast_in_dim3A_4 {strides = array<i32>} : memref<4096xf32, #tpu.memory_space<vmem>>, vector<16xf32>,
        %mul3A_339 = arith.constant 256 : i32
        %mul3A_340 = arith.muli %mul3A_339, %scan3A_254 : i32
        %add3A_341 = arith.constant 224 : i32
        %add3A_342 = arith.addi %mul3A_340, %add3A_341 : i32
        %swap3A_343 = arith.index_cast %add3A_342 : i32 to index
        %swap3A_344 = tpu.vector_load %arg7[%swap3A_343] {strides = array<i32>} : memref<4096xf32, #tpu.memory_space<vmem>>, vector<16xf32>,
        tpu.vector_store %arg7[%swap3A_343], %broadcast_in_dim3A_4 {strides = array<i32>} : memref<4096xf32, #tpu.memory_space<vmem>>, vector<16xf32>,
        %mul3A_345 = arith.constant 256 : i32
        %mul3A_346 = arith.muli %mul3A_345, %scan3A_254 : i32
        %add3A_347 = arith.constant 240 : i32
        %add3A_348 = arith.addi %mul3A_346, %add3A_347 : i32
        %swap3A_349 = arith.index_cast %add3A_348 : i32 to index
        %swap3A_350 = tpu.vector_load %arg7[%swap3A_349] {strides = array<i32>} : memref<4096xf32, #tpu.memory_space<vmem>>, vector<16xf32>,
        tpu.vector_store %arg7[%swap3A_349], %broadcast_in_dim3A_4 {strides = array<i32>} : memref<4096xf32, #tpu.memory_space<vmem>>, vector<16xf32>,
      }
      %scan3A_11 = arith.constant 16 : i32
      %swap3A = arith.constant 0 : index
      %swap3A_12 = tpu.vector_load %arg8[%swap3A] {strides = array<i32>} : memref<64xi32, #tpu.memory_space<vmem>>, vector<16xi32>,
      tpu.vector_store %arg8[%swap3A], %broadcast_in_dim3A_6 {strides = array<i32>} : memref<64xi32, #tpu.memory_space<vmem>>, vector<16xi32>,
      %swap3A_13 = arith.constant 0 : index
      %swap3A_14 = tpu.vector_load %arg9[%swap3A_13] {strides = array<i32>} : memref<64xi32, #tpu.memory_space<vmem>>, vector<16xi32>,
      tpu.vector_store %arg9[%swap3A_13], %broadcast_in_dim3A_6 {strides = array<i32>} : memref<64xi32, #tpu.memory_space<vmem>>, vector<16xi32>,
      %swap3A_15 = arith.constant 16 : index
      %swap3A_16 = tpu.vector_load %arg8[%swap3A_15] {strides = array<i32>} : memref<64xi32, #tpu.memory_space<vmem>>, vector<16xi32>,
      tpu.vector_store %arg8[%swap3A_15], %broadcast_in_dim3A_6 {strides = array<i32>} : memref<64xi32, #tpu.memory_space<vmem>>, vector<16xi32>,
      %swap3A_17 = arith.constant 16 : index
      %swap3A_18 = tpu.vector_load %arg9[%swap3A_17] {strides = array<i32>} : memref<64xi32, #tpu.memory_space<vmem>>, vector<16xi32>,
      tpu.vector_store %arg9[%swap3A_17], %broadcast_in_dim3A_6 {strides = array<i32>} : memref<64xi32, #tpu.memory_space<vmem>>, vector<16xi32>,
      %swap3A_19 = arith.constant 32 : index
      %swap3A_20 = tpu.vector_load %arg8[%swap3A_19] {strides = array<i32>} : memref<64xi32, #tpu.memory_space<vmem>>, vector<16xi32>,
      tpu.vector_store %arg8[%swap3A_19], %broadcast_in_dim3A_6 {strides = array<i32>} : memref<64xi32, #tpu.memory_space<vmem>>, vector<16xi32>,
      %swap3A_21 = arith.constant 32 : index
      %swap3A_22 = tpu.vector_load %arg9[%swap3A_21] {strides = array<i32>} : memref<64xi32, #tpu.memory_space<vmem>>, vector<16xi32>,
      tpu.vector_store %arg9[%swap3A_21], %broadcast_in_dim3A_6 {strides = array<i32>} : memref<64xi32, #tpu.memory_space<vmem>>, vector<16xi32>,
      %swap3A_23 = arith.constant 48 : index
      %swap3A_24 = tpu.vector_load %arg8[%swap3A_23] {strides = array<i32>} : memref<64xi32, #tpu.memory_space<vmem>>, vector<16xi32>,
      tpu.vector_store %arg8[%swap3A_23], %broadcast_in_dim3A_6 {strides = array<i32>} : memref<64xi32, #tpu.memory_space<vmem>>, vector<16xi32>,
      %swap3A_25 = arith.constant 48 : index
      %swap3A_26 = tpu.vector_load %arg9[%swap3A_25] {strides = array<i32>} : memref<64xi32, #tpu.memory_space<vmem>>, vector<16xi32>,
      tpu.vector_store %arg9[%swap3A_25], %broadcast_in_dim3A_6 {strides = array<i32>} : memref<64xi32, #tpu.memory_space<vmem>>, vector<16xi32>,
      %broadcast_in_dim3A_27 = arith.constant 1 : i32
      %broadcast_in_dim3A_28 = vector.broadcast %broadcast_in_dim3A_27 : i32 to vector<16xi32>
      %broadcast_in_dim3A_29 = arith.constant 0xFF800000 : f32
      %broadcast_in_dim3A_30 = vector.broadcast %broadcast_in_dim3A_29 : f32 to vector<16xf32>
      %broadcast_in_dim3A_31 = arith.constant 0xFF800000 : f32
      %broadcast_in_dim3A_32 = vector.broadcast %broadcast_in_dim3A_31 : f32 to vector<16xf32>
      %scan3A_33 = arith.constant 0 : i32
      %scan3A_34 = arith.constant 8 : i32
      %scan3A_35 = arith.addi %scan3A_33, %scan3A_34 : i32
      %scan3A_36 = arith.constant 1 : i32
      %scan3A_37:4 = scf.for %scan3A_254 = %scan3A_33 to %scan3A_35 step %scan3A_36 iter_args(%scan3A_255 = %broadcast_in_dim3A_30, %scan3A_256 = %broadcast_in_dim3A_6, %scan3A_257 = %broadcast_in_dim3A_32, %scan3A_258 = %broadcast_in_dim3A_6) -> (vector<16xf32>, vector<16xi32>, vector<16xf32>, vector<16xi32>)  : i32 {
        %mul3A_259 = arith.constant 8 : i32
        %mul3A_260 = arith.muli %scan3A_254, %mul3A_259 : i32
        %add3A_261 = arith.constant 0 : i32
        %add3A_262 = arith.addi %mul3A_260, %add3A_261 : i32
        %get3A_263 = arith.index_cast %add3A_262 : i32 to index
        %get3A_264 = arith.constant 0 : index
        %get3A_265 = tpu.vector_load %arg6[%get3A_263, %get3A_264] {strides = array<i32>} : memref<64x64xf32, #tpu.memory_space<vmem>>, vector<16xf32>,
        %broadcast_in_dim3A_266 = arith.constant 1 : i32
        %broadcast_in_dim3A_267 = vector.broadcast %broadcast_in_dim3A_266 : i32 to vector<16xi32>
        %mul3A_268 = vector.broadcast %add3A_262 : i32 to vector<16xi32>
        %mul3A_269 = arith.muli %broadcast_in_dim3A_267, %mul3A_268 : vector<16xi32>
        %gt3A_270 = arith.cmpf ogt, %get3A_265, %scan3A_255 : vector<16xf32>
        %not3A = arith.constant dense<true> : vector<16xi1>
        %not3A_271 = arith.xori %gt3A_270, %not3A : vector<16xi1>
        %gt3A_272 = arith.cmpf ogt, %get3A_265, %scan3A_257 : vector<16xf32>
        %and3A_273 = arith.andi %not3A_271, %gt3A_272 : vector<16xi1>
        %select_n3A_274 = arith.select %and3A_273, %get3A_265, %scan3A_257 : vector<16xi1>, vector<16xf32>
        %select_n3A_275 = arith.select %gt3A_270, %scan3A_255, %select_n3A_274 : vector<16xi1>, vector<16xf32>
        %select_n3A_276 = arith.select %and3A_273, %mul3A_269, %scan3A_258 : vector<16xi1>, vector<16xi32>
        %select_n3A_277 = arith.select %gt3A_270, %scan3A_256, %select_n3A_276 : vector<16xi1>, vector<16xi32>
        %select_n3A_278 = arith.select %gt3A_270, %mul3A_269, %scan3A_256 : vector<16xi1>, vector<16xi32>
        %select_n3A_279 = arith.select %gt3A_270, %get3A_265, %scan3A_255 : vector<16xi1>, vector<16xf32>
        %mul3A_280 = arith.constant 8 : i32
        %mul3A_281 = arith.muli %scan3A_254, %mul3A_280 : i32
        %add3A_282 = arith.constant 1 : i32
        %add3A_283 = arith.addi %mul3A_281, %add3A_282 : i32
        %get3A_284 = arith.index_cast %add3A_283 : i32 to index
        %get3A_285 = arith.constant 0 : index
        %get3A_286 = tpu.vector_load %arg6[%get3A_284, %get3A_285] {strides = array<i32>} : memref<64x64xf32, #tpu.memory_space<vmem>>, vector<16xf32>,
        %broadcast_in_dim3A_287 = arith.constant 1 : i32
        %broadcast_in_dim3A_288 = vector.broadcast %broadcast_in_dim3A_287 : i32 to vector<16xi32>
        %mul3A_289 = vector.broadcast %add3A_283 : i32 to vector<16xi32>
        %mul3A_290 = arith.muli %broadcast_in_dim3A_288, %mul3A_289 : vector<16xi32>
        %gt3A_291 = arith.cmpf ogt, %get3A_286, %select_n3A_279 : vector<16xf32>
        %not3A_292 = arith.constant dense<true> : vector<16xi1>
        %not3A_293 = arith.xori %gt3A_291, %not3A_292 : vector<16xi1>
        %gt3A_294 = arith.cmpf ogt, %get3A_286, %select_n3A_275 : vector<16xf32>
        %and3A_295 = arith.andi %not3A_293, %gt3A_294 : vector<16xi1>
        %select_n3A_296 = arith.select %and3A_295, %get3A_286, %select_n3A_275 : vector<16xi1>, vector<16xf32>
        %select_n3A_297 = arith.select %gt3A_291, %select_n3A_279, %select_n3A_296 : vector<16xi1>, vector<16xf32>
        %select_n3A_298 = arith.select %and3A_295, %mul3A_290, %select_n3A_277 : vector<16xi1>, vector<16xi32>
        %select_n3A_299 = arith.select %gt3A_291, %select_n3A_278, %select_n3A_298 : vector<16xi1>, vector<16xi32>
        %select_n3A_300 = arith.select %gt3A_291, %mul3A_290, %select_n3A_278 : vector<16xi1>, vector<16xi32>
        %select_n3A_301 = arith.select %gt3A_291, %get3A_286, %select_n3A_279 : vector<16xi1>, vector<16xf32>
        %mul3A_302 = arith.constant 8 : i32
        %mul3A_303 = arith.muli %scan3A_254, %mul3A_302 : i32
        %add3A_304 = arith.constant 2 : i32
        %add3A_305 = arith.addi %mul3A_303, %add3A_304 : i32
        %get3A_306 = arith.index_cast %add3A_305 : i32 to index
        %get3A_307 = arith.constant 0 : index
        %get3A_308 = tpu.vector_load %arg6[%get3A_306, %get3A_307] {strides = array<i32>} : memref<64x64xf32, #tpu.memory_space<vmem>>, vector<16xf32>,
        %broadcast_in_dim3A_309 = arith.constant 1 : i32
        %broadcast_in_dim3A_310 = vector.broadcast %broadcast_in_dim3A_309 : i32 to vector<16xi32>
        %mul3A_311 = vector.broadcast %add3A_305 : i32 to vector<16xi32>
        %mul3A_312 = arith.muli %broadcast_in_dim3A_310, %mul3A_311 : vector<16xi32>
        %gt3A_313 = arith.cmpf ogt, %get3A_308, %select_n3A_301 : vector<16xf32>
        %not3A_314 = arith.constant dense<true> : vector<16xi1>
        %not3A_315 = arith.xori %gt3A_313, %not3A_314 : vector<16xi1>
        %gt3A_316 = arith.cmpf ogt, %get3A_308, %select_n3A_297 : vector<16xf32>
        %and3A_317 = arith.andi %not3A_315, %gt3A_316 : vector<16xi1>
        %select_n3A_318 = arith.select %and3A_317, %get3A_308, %select_n3A_297 : vector<16xi1>, vector<16xf32>
        %select_n3A_319 = arith.select %gt3A_313, %select_n3A_301, %select_n3A_318 : vector<16xi1>, vector<16xf32>
        %select_n3A_320 = arith.select %and3A_317, %mul3A_312, %select_n3A_299 : vector<16xi1>, vector<16xi32>
        %select_n3A_321 = arith.select %gt3A_313, %select_n3A_300, %select_n3A_320 : vector<16xi1>, vector<16xi32>
        %select_n3A_322 = arith.select %gt3A_313, %mul3A_312, %select_n3A_300 : vector<16xi1>, vector<16xi32>
        %select_n3A_323 = arith.select %gt3A_313, %get3A_308, %select_n3A_301 : vector<16xi1>, vector<16xf32>
        %mul3A_324 = arith.constant 8 : i32
        %mul3A_325 = arith.muli %scan3A_254, %mul3A_324 : i32
        %add3A_326 = arith.constant 3 : i32
        %add3A_327 = arith.addi %mul3A_325, %add3A_326 : i32
        %get3A_328 = arith.index_cast %add3A_327 : i32 to index
        %get3A_329 = arith.constant 0 : index
        %get3A_330 = tpu.vector_load %arg6[%get3A_328, %get3A_329] {strides = array<i32>} : memref<64x64xf32, #tpu.memory_space<vmem>>, vector<16xf32>,
        %broadcast_in_dim3A_331 = arith.constant 1 : i32
        %broadcast_in_dim3A_332 = vector.broadcast %broadcast_in_dim3A_331 : i32 to vector<16xi32>
        %mul3A_333 = vector.broadcast %add3A_327 : i32 to vector<16xi32>
        %mul3A_334 = arith.muli %broadcast_in_dim3A_332, %mul3A_333 : vector<16xi32>
        %gt3A_335 = arith.cmpf ogt, %get3A_330, %select_n3A_323 : vector<16xf32>
        %not3A_336 = arith.constant dense<true> : vector<16xi1>
        %not3A_337 = arith.xori %gt3A_335, %not3A_336 : vector<16xi1>
        %gt3A_338 = arith.cmpf ogt, %get3A_330, %select_n3A_319 : vector<16xf32>
        %and3A_339 = arith.andi %not3A_337, %gt3A_338 : vector<16xi1>
        %select_n3A_340 = arith.select %and3A_339, %get3A_330, %select_n3A_319 : vector<16xi1>, vector<16xf32>
        %select_n3A_341 = arith.select %gt3A_335, %select_n3A_323, %select_n3A_340 : vector<16xi1>, vector<16xf32>
        %select_n3A_342 = arith.select %and3A_339, %mul3A_334, %select_n3A_321 : vector<16xi1>, vector<16xi32>
        %select_n3A_343 = arith.select %gt3A_335, %select_n3A_322, %select_n3A_342 : vector<16xi1>, vector<16xi32>
        %select_n3A_344 = arith.select %gt3A_335, %mul3A_334, %select_n3A_322 : vector<16xi1>, vector<16xi32>
        %select_n3A_345 = arith.select %gt3A_335, %get3A_330, %select_n3A_323 : vector<16xi1>, vector<16xf32>
        %mul3A_346 = arith.constant 8 : i32
        %mul3A_347 = arith.muli %scan3A_254, %mul3A_346 : i32
        %add3A_348 = arith.constant 4 : i32
        %add3A_349 = arith.addi %mul3A_347, %add3A_348 : i32
        %get3A_350 = arith.index_cast %add3A_349 : i32 to index
        %get3A_351 = arith.constant 0 : index
        %get3A_352 = tpu.vector_load %arg6[%get3A_350, %get3A_351] {strides = array<i32>} : memref<64x64xf32, #tpu.memory_space<vmem>>, vector<16xf32>,
        %broadcast_in_dim3A_353 = arith.constant 1 : i32
        %broadcast_in_dim3A_354 = vector.broadcast %broadcast_in_dim3A_353 : i32 to vector<16xi32>
        %mul3A_355 = vector.broadcast %add3A_349 : i32 to vector<16xi32>
        %mul3A_356 = arith.muli %broadcast_in_dim3A_354, %mul3A_355 : vector<16xi32>
        %gt3A_357 = arith.cmpf ogt, %get3A_352, %select_n3A_345 : vector<16xf32>
        %not3A_358 = arith.constant dense<true> : vector<16xi1>
        %not3A_359 = arith.xori %gt3A_357, %not3A_358 : vector<16xi1>
        %gt3A_360 = arith.cmpf ogt, %get3A_352, %select_n3A_341 : vector<16xf32>
        %and3A_361 = arith.andi %not3A_359, %gt3A_360 : vector<16xi1>
        %select_n3A_362 = arith.select %and3A_361, %get3A_352, %select_n3A_341 : vector<16xi1>, vector<16xf32>
        %select_n3A_363 = arith.select %gt3A_357, %select_n3A_345, %select_n3A_362 : vector<16xi1>, vector<16xf32>
        %select_n3A_364 = arith.select %and3A_361, %mul3A_356, %select_n3A_343 : vector<16xi1>, vector<16xi32>
        %select_n3A_365 = arith.select %gt3A_357, %select_n3A_344, %select_n3A_364 : vector<16xi1>, vector<16xi32>
        %select_n3A_366 = arith.select %gt3A_357, %mul3A_356, %select_n3A_344 : vector<16xi1>, vector<16xi32>
        %select_n3A_367 = arith.select %gt3A_357, %get3A_352, %select_n3A_345 : vector<16xi1>, vector<16xf32>
        %mul3A_368 = arith.constant 8 : i32
        %mul3A_369 = arith.muli %scan3A_254, %mul3A_368 : i32
        %add3A_370 = arith.constant 5 : i32
        %add3A_371 = arith.addi %mul3A_369, %add3A_370 : i32
        %get3A_372 = arith.index_cast %add3A_371 : i32 to index
        %get3A_373 = arith.constant 0 : index
        %get3A_374 = tpu.vector_load %arg6[%get3A_372, %get3A_373] {strides = array<i32>} : memref<64x64xf32, #tpu.memory_space<vmem>>, vector<16xf32>,
        %broadcast_in_dim3A_375 = arith.constant 1 : i32
        %broadcast_in_dim3A_376 = vector.broadcast %broadcast_in_dim3A_375 : i32 to vector<16xi32>
        %mul3A_377 = vector.broadcast %add3A_371 : i32 to vector<16xi32>
        %mul3A_378 = arith.muli %broadcast_in_dim3A_376, %mul3A_377 : vector<16xi32>
        %gt3A_379 = arith.cmpf ogt, %get3A_374, %select_n3A_367 : vector<16xf32>
        %not3A_380 = arith.constant dense<true> : vector<16xi1>
        %not3A_381 = arith.xori %gt3A_379, %not3A_380 : vector<16xi1>
        %gt3A_382 = arith.cmpf ogt, %get3A_374, %select_n3A_363 : vector<16xf32>
        %and3A_383 = arith.andi %not3A_381, %gt3A_382 : vector<16xi1>
        %select_n3A_384 = arith.select %and3A_383, %get3A_374, %select_n3A_363 : vector<16xi1>, vector<16xf32>
        %select_n3A_385 = arith.select %gt3A_379, %select_n3A_367, %select_n3A_384 : vector<16xi1>, vector<16xf32>
        %select_n3A_386 = arith.select %and3A_383, %mul3A_378, %select_n3A_365 : vector<16xi1>, vector<16xi32>
        %select_n3A_387 = arith.select %gt3A_379, %select_n3A_366, %select_n3A_386 : vector<16xi1>, vector<16xi32>
        %select_n3A_388 = arith.select %gt3A_379, %mul3A_378, %select_n3A_366 : vector<16xi1>, vector<16xi32>
        %select_n3A_389 = arith.select %gt3A_379, %get3A_374, %select_n3A_367 : vector<16xi1>, vector<16xf32>
        %mul3A_390 = arith.constant 8 : i32
        %mul3A_391 = arith.muli %scan3A_254, %mul3A_390 : i32
        %add3A_392 = arith.constant 6 : i32
        %add3A_393 = arith.addi %mul3A_391, %add3A_392 : i32
        %get3A_394 = arith.index_cast %add3A_393 : i32 to index
        %get3A_395 = arith.constant 0 : index
        %get3A_396 = tpu.vector_load %arg6[%get3A_394, %get3A_395] {strides = array<i32>} : memref<64x64xf32, #tpu.memory_space<vmem>>, vector<16xf32>,
        %broadcast_in_dim3A_397 = arith.constant 1 : i32
        %broadcast_in_dim3A_398 = vector.broadcast %broadcast_in_dim3A_397 : i32 to vector<16xi32>
        %mul3A_399 = vector.broadcast %add3A_393 : i32 to vector<16xi32>
        %mul3A_400 = arith.muli %broadcast_in_dim3A_398, %mul3A_399 : vector<16xi32>
        %gt3A_401 = arith.cmpf ogt, %get3A_396, %select_n3A_389 : vector<16xf32>
        %not3A_402 = arith.constant dense<true> : vector<16xi1>
        %not3A_403 = arith.xori %gt3A_401, %not3A_402 : vector<16xi1>
        %gt3A_404 = arith.cmpf ogt, %get3A_396, %select_n3A_385 : vector<16xf32>
        %and3A_405 = arith.andi %not3A_403, %gt3A_404 : vector<16xi1>
        %select_n3A_406 = arith.select %and3A_405, %get3A_396, %select_n3A_385 : vector<16xi1>, vector<16xf32>
        %select_n3A_407 = arith.select %gt3A_401, %select_n3A_389, %select_n3A_406 : vector<16xi1>, vector<16xf32>
        %select_n3A_408 = arith.select %and3A_405, %mul3A_400, %select_n3A_387 : vector<16xi1>, vector<16xi32>
        %select_n3A_409 = arith.select %gt3A_401, %select_n3A_388, %select_n3A_408 : vector<16xi1>, vector<16xi32>
        %select_n3A_410 = arith.select %gt3A_401, %mul3A_400, %select_n3A_388 : vector<16xi1>, vector<16xi32>
        %select_n3A_411 = arith.select %gt3A_401, %get3A_396, %select_n3A_389 : vector<16xi1>, vector<16xf32>
        %mul3A_412 = arith.constant 8 : i32
        %mul3A_413 = arith.muli %scan3A_254, %mul3A_412 : i32
        %add3A_414 = arith.constant 7 : i32
        %add3A_415 = arith.addi %mul3A_413, %add3A_414 : i32
        %get3A_416 = arith.index_cast %add3A_415 : i32 to index
        %get3A_417 = arith.constant 0 : index
        %get3A_418 = tpu.vector_load %arg6[%get3A_416, %get3A_417] {strides = array<i32>} : memref<64x64xf32, #tpu.memory_space<vmem>>, vector<16xf32>,
        %broadcast_in_dim3A_419 = arith.constant 1 : i32
        %broadcast_in_dim3A_420 = vector.broadcast %broadcast_in_dim3A_419 : i32 to vector<16xi32>
        %mul3A_421 = vector.broadcast %add3A_415 : i32 to vector<16xi32>
        %mul3A_422 = arith.muli %broadcast_in_dim3A_420, %mul3A_421 : vector<16xi32>
        %gt3A_423 = arith.cmpf ogt, %get3A_418, %select_n3A_411 : vector<16xf32>
        %not3A_424 = arith.constant dense<true> : vector<16xi1>
        %not3A_425 = arith.xori %gt3A_423, %not3A_424 : vector<16xi1>
        %gt3A_426 = arith.cmpf ogt, %get3A_418, %select_n3A_407 : vector<16xf32>
        %and3A_427 = arith.andi %not3A_425, %gt3A_426 : vector<16xi1>
        %select_n3A_428 = arith.select %and3A_427, %get3A_418, %select_n3A_407 : vector<16xi1>, vector<16xf32>
        %select_n3A_429 = arith.select %gt3A_423, %select_n3A_411, %select_n3A_428 : vector<16xi1>, vector<16xf32>
        %select_n3A_430 = arith.select %and3A_427, %mul3A_422, %select_n3A_409 : vector<16xi1>, vector<16xi32>
        %select_n3A_431 = arith.select %gt3A_423, %select_n3A_410, %select_n3A_430 : vector<16xi1>, vector<16xi32>
        %select_n3A_432 = arith.select %gt3A_423, %mul3A_422, %select_n3A_410 : vector<16xi1>, vector<16xi32>
        %select_n3A_433 = arith.select %gt3A_423, %get3A_418, %select_n3A_411 : vector<16xi1>, vector<16xf32>
        scf.yield %select_n3A_433, %select_n3A_432, %select_n3A_429, %select_n3A_431 : vector<16xf32>, vector<16xi32>, vector<16xf32>, vector<16xi32>
      }
      %scan3A_38 = arith.constant 8 : i32
      %sub3A = arith.subf %scan3A_37#2, %scan3A_37#0 : vector<16xf32>
      %exp3A = math.exp %sub3A : vector<16xf32>
      %add3A = arith.constant 1.000000e+00 : f32
      %add3A_39 = vector.broadcast %add3A : f32 to vector<16xf32>
      %add3A_40 = arith.addf %add3A_39, %exp3A : vector<16xf32>
      %div3A = arith.constant 1.000000e+00 : f32
      %div3A_41 = vector.broadcast %div3A : f32 to vector<16xf32>
      %div3A_42 = arith.divf %div3A_41, %add3A_40 : vector<16xf32>
      %add3A_43 = arith.constant 1.000000e+00 : f32
      %add3A_44 = vector.broadcast %add3A_43 : f32 to vector<16xf32>
      %add3A_45 = arith.addf %add3A_44, %exp3A : vector<16xf32>
      %div3A_46 = arith.divf %exp3A, %add3A_45 : vector<16xf32>
      %iota3A = tpu.iota {dimensions = array<i32: 0>} : vector<16xi32>
      %add3A_47 = arith.constant 0 : i32
      %add3A_48 = vector.broadcast %add3A_47 : i32 to vector<16xi32>
      %add3A_49 = arith.addi %iota3A, %add3A_48 : vector<16xi32>
      %mul3A = arith.constant 64 : i32
      %mul3A_50 = vector.broadcast %mul3A : i32 to vector<16xi32>
      %mul3A_51 = arith.muli %add3A_49, %mul3A_50 : vector<16xi32>
      %add3A_52 = arith.addi %mul3A_51, %scan3A_37#1 : vector<16xi32>
      tpu.vector_store_idx %arg7[%add3A_52], %div3A_42 : memref<4096xf32, #tpu.memory_space<vmem>>[vector<16xi32>], vector<16xf32>,
      %add3A_53 = arith.addi %mul3A_51, %scan3A_37#3 : vector<16xi32>
      tpu.vector_store_idx %arg7[%add3A_53], %div3A_46 : memref<4096xf32, #tpu.memory_space<vmem>>[vector<16xi32>], vector<16xf32>,
      tpu.vector_store_idx %arg8[%scan3A_37#1], %broadcast_in_dim3A_28 : memref<64xi32, #tpu.memory_space<vmem>>[vector<16xi32>], vector<16xi32>,
      tpu.vector_store_idx %arg8[%scan3A_37#3], %broadcast_in_dim3A_28 : memref<64xi32, #tpu.memory_space<vmem>>[vector<16xi32>], vector<16xi32>,
      %broadcast_in_dim3A_54 = arith.constant 0xFF800000 : f32
      %broadcast_in_dim3A_55 = vector.broadcast %broadcast_in_dim3A_54 : f32 to vector<16xf32>
      %broadcast_in_dim3A_56 = arith.constant 0xFF800000 : f32
      %broadcast_in_dim3A_57 = vector.broadcast %broadcast_in_dim3A_56 : f32 to vector<16xf32>
      %scan3A_58 = arith.constant 0 : i32
      %scan3A_59 = arith.constant 8 : i32
      %scan3A_60 = arith.addi %scan3A_58, %scan3A_59 : i32
      %scan3A_61 = arith.constant 1 : i32
      %scan3A_62:4 = scf.for %scan3A_254 = %scan3A_58 to %scan3A_60 step %scan3A_61 iter_args(%scan3A_255 = %broadcast_in_dim3A_55, %scan3A_256 = %broadcast_in_dim3A_6, %scan3A_257 = %broadcast_in_dim3A_57, %scan3A_258 = %broadcast_in_dim3A_6) -> (vector<16xf32>, vector<16xi32>, vector<16xf32>, vector<16xi32>)  : i32 {
        %mul3A_259 = arith.constant 8 : i32
        %mul3A_260 = arith.muli %scan3A_254, %mul3A_259 : i32
        %add3A_261 = arith.constant 0 : i32
        %add3A_262 = arith.addi %mul3A_260, %add3A_261 : i32
        %get3A_263 = arith.index_cast %add3A_262 : i32 to index
        %get3A_264 = arith.constant 16 : index
        %get3A_265 = tpu.vector_load %arg6[%get3A_263, %get3A_264] {strides = array<i32>} : memref<64x64xf32, #tpu.memory_space<vmem>>, vector<16xf32>,
        %broadcast_in_dim3A_266 = arith.constant 1 : i32
        %broadcast_in_dim3A_267 = vector.broadcast %broadcast_in_dim3A_266 : i32 to vector<16xi32>
        %mul3A_268 = vector.broadcast %add3A_262 : i32 to vector<16xi32>
        %mul3A_269 = arith.muli %broadcast_in_dim3A_267, %mul3A_268 : vector<16xi32>
        %gt3A_270 = arith.cmpf ogt, %get3A_265, %scan3A_255 : vector<16xf32>
        %not3A = arith.constant dense<true> : vector<16xi1>
        %not3A_271 = arith.xori %gt3A_270, %not3A : vector<16xi1>
        %gt3A_272 = arith.cmpf ogt, %get3A_265, %scan3A_257 : vector<16xf32>
        %and3A_273 = arith.andi %not3A_271, %gt3A_272 : vector<16xi1>
        %select_n3A_274 = arith.select %and3A_273, %get3A_265, %scan3A_257 : vector<16xi1>, vector<16xf32>
        %select_n3A_275 = arith.select %gt3A_270, %scan3A_255, %select_n3A_274 : vector<16xi1>, vector<16xf32>
        %select_n3A_276 = arith.select %and3A_273, %mul3A_269, %scan3A_258 : vector<16xi1>, vector<16xi32>
        %select_n3A_277 = arith.select %gt3A_270, %scan3A_256, %select_n3A_276 : vector<16xi1>, vector<16xi32>
        %select_n3A_278 = arith.select %gt3A_270, %mul3A_269, %scan3A_256 : vector<16xi1>, vector<16xi32>
        %select_n3A_279 = arith.select %gt3A_270, %get3A_265, %scan3A_255 : vector<16xi1>, vector<16xf32>
        %mul3A_280 = arith.constant 8 : i32
        %mul3A_281 = arith.muli %scan3A_254, %mul3A_280 : i32
        %add3A_282 = arith.constant 1 : i32
        %add3A_283 = arith.addi %mul3A_281, %add3A_282 : i32
        %get3A_284 = arith.index_cast %add3A_283 : i32 to index
        %get3A_285 = arith.constant 16 : index
        %get3A_286 = tpu.vector_load %arg6[%get3A_284, %get3A_285] {strides = array<i32>} : memref<64x64xf32, #tpu.memory_space<vmem>>, vector<16xf32>,
        %broadcast_in_dim3A_287 = arith.constant 1 : i32
        %broadcast_in_dim3A_288 = vector.broadcast %broadcast_in_dim3A_287 : i32 to vector<16xi32>
        %mul3A_289 = vector.broadcast %add3A_283 : i32 to vector<16xi32>
        %mul3A_290 = arith.muli %broadcast_in_dim3A_288, %mul3A_289 : vector<16xi32>
        %gt3A_291 = arith.cmpf ogt, %get3A_286, %select_n3A_279 : vector<16xf32>
        %not3A_292 = arith.constant dense<true> : vector<16xi1>
        %not3A_293 = arith.xori %gt3A_291, %not3A_292 : vector<16xi1>
        %gt3A_294 = arith.cmpf ogt, %get3A_286, %select_n3A_275 : vector<16xf32>
        %and3A_295 = arith.andi %not3A_293, %gt3A_294 : vector<16xi1>
        %select_n3A_296 = arith.select %and3A_295, %get3A_286, %select_n3A_275 : vector<16xi1>, vector<16xf32>
        %select_n3A_297 = arith.select %gt3A_291, %select_n3A_279, %select_n3A_296 : vector<16xi1>, vector<16xf32>
        %select_n3A_298 = arith.select %and3A_295, %mul3A_290, %select_n3A_277 : vector<16xi1>, vector<16xi32>
        %select_n3A_299 = arith.select %gt3A_291, %select_n3A_278, %select_n3A_298 : vector<16xi1>, vector<16xi32>
        %select_n3A_300 = arith.select %gt3A_291, %mul3A_290, %select_n3A_278 : vector<16xi1>, vector<16xi32>
        %select_n3A_301 = arith.select %gt3A_291, %get3A_286, %select_n3A_279 : vector<16xi1>, vector<16xf32>
        %mul3A_302 = arith.constant 8 : i32
        %mul3A_303 = arith.muli %scan3A_254, %mul3A_302 : i32
        %add3A_304 = arith.constant 2 : i32
        %add3A_305 = arith.addi %mul3A_303, %add3A_304 : i32
        %get3A_306 = arith.index_cast %add3A_305 : i32 to index
        %get3A_307 = arith.constant 16 : index
        %get3A_308 = tpu.vector_load %arg6[%get3A_306, %get3A_307] {strides = array<i32>} : memref<64x64xf32, #tpu.memory_space<vmem>>, vector<16xf32>,
        %broadcast_in_dim3A_309 = arith.constant 1 : i32
        %broadcast_in_dim3A_310 = vector.broadcast %broadcast_in_dim3A_309 : i32 to vector<16xi32>
        %mul3A_311 = vector.broadcast %add3A_305 : i32 to vector<16xi32>
        %mul3A_312 = arith.muli %broadcast_in_dim3A_310, %mul3A_311 : vector<16xi32>
        %gt3A_313 = arith.cmpf ogt, %get3A_308, %select_n3A_301 : vector<16xf32>
        %not3A_314 = arith.constant dense<true> : vector<16xi1>
        %not3A_315 = arith.xori %gt3A_313, %not3A_314 : vector<16xi1>
        %gt3A_316 = arith.cmpf ogt, %get3A_308, %select_n3A_297 : vector<16xf32>
        %and3A_317 = arith.andi %not3A_315, %gt3A_316 : vector<16xi1>
        %select_n3A_318 = arith.select %and3A_317, %get3A_308, %select_n3A_297 : vector<16xi1>, vector<16xf32>
        %select_n3A_319 = arith.select %gt3A_313, %select_n3A_301, %select_n3A_318 : vector<16xi1>, vector<16xf32>
        %select_n3A_320 = arith.select %and3A_317, %mul3A_312, %select_n3A_299 : vector<16xi1>, vector<16xi32>
        %select_n3A_321 = arith.select %gt3A_313, %select_n3A_300, %select_n3A_320 : vector<16xi1>, vector<16xi32>
        %select_n3A_322 = arith.select %gt3A_313, %mul3A_312, %select_n3A_300 : vector<16xi1>, vector<16xi32>
        %select_n3A_323 = arith.select %gt3A_313, %get3A_308, %select_n3A_301 : vector<16xi1>, vector<16xf32>
        %mul3A_324 = arith.constant 8 : i32
        %mul3A_325 = arith.muli %scan3A_254, %mul3A_324 : i32
        %add3A_326 = arith.constant 3 : i32
        %add3A_327 = arith.addi %mul3A_325, %add3A_326 : i32
        %get3A_328 = arith.index_cast %add3A_327 : i32 to index
        %get3A_329 = arith.constant 16 : index
        %get3A_330 = tpu.vector_load %arg6[%get3A_328, %get3A_329] {strides = array<i32>} : memref<64x64xf32, #tpu.memory_space<vmem>>, vector<16xf32>,
        %broadcast_in_dim3A_331 = arith.constant 1 : i32
        %broadcast_in_dim3A_332 = vector.broadcast %broadcast_in_dim3A_331 : i32 to vector<16xi32>
        %mul3A_333 = vector.broadcast %add3A_327 : i32 to vector<16xi32>
        %mul3A_334 = arith.muli %broadcast_in_dim3A_332, %mul3A_333 : vector<16xi32>
        %gt3A_335 = arith.cmpf ogt, %get3A_330, %select_n3A_323 : vector<16xf32>
        %not3A_336 = arith.constant dense<true> : vector<16xi1>
        %not3A_337 = arith.xori %gt3A_335, %not3A_336 : vector<16xi1>
        %gt3A_338 = arith.cmpf ogt, %get3A_330, %select_n3A_319 : vector<16xf32>
        %and3A_339 = arith.andi %not3A_337, %gt3A_338 : vector<16xi1>
        %select_n3A_340 = arith.select %and3A_339, %get3A_330, %select_n3A_319 : vector<16xi1>, vector<16xf32>
        %select_n3A_341 = arith.select %gt3A_335, %select_n3A_323, %select_n3A_340 : vector<16xi1>, vector<16xf32>
        %select_n3A_342 = arith.select %and3A_339, %mul3A_334, %select_n3A_321 : vector<16xi1>, vector<16xi32>
        %select_n3A_343 = arith.select %gt3A_335, %select_n3A_322, %select_n3A_342 : vector<16xi1>, vector<16xi32>
        %select_n3A_344 = arith.select %gt3A_335, %mul3A_334, %select_n3A_322 : vector<16xi1>, vector<16xi32>
        %select_n3A_345 = arith.select %gt3A_335, %get3A_330, %select_n3A_323 : vector<16xi1>, vector<16xf32>
        %mul3A_346 = arith.constant 8 : i32
        %mul3A_347 = arith.muli %scan3A_254, %mul3A_346 : i32
        %add3A_348 = arith.constant 4 : i32
        %add3A_349 = arith.addi %mul3A_347, %add3A_348 : i32
        %get3A_350 = arith.index_cast %add3A_349 : i32 to index
        %get3A_351 = arith.constant 16 : index
        %get3A_352 = tpu.vector_load %arg6[%get3A_350, %get3A_351] {strides = array<i32>} : memref<64x64xf32, #tpu.memory_space<vmem>>, vector<16xf32>,
        %broadcast_in_dim3A_353 = arith.constant 1 : i32
        %broadcast_in_dim3A_354 = vector.broadcast %broadcast_in_dim3A_353 : i32 to vector<16xi32>
        %mul3A_355 = vector.broadcast %add3A_349 : i32 to vector<16xi32>
        %mul3A_356 = arith.muli %broadcast_in_dim3A_354, %mul3A_355 : vector<16xi32>
        %gt3A_357 = arith.cmpf ogt, %get3A_352, %select_n3A_345 : vector<16xf32>
        %not3A_358 = arith.constant dense<true> : vector<16xi1>
        %not3A_359 = arith.xori %gt3A_357, %not3A_358 : vector<16xi1>
        %gt3A_360 = arith.cmpf ogt, %get3A_352, %select_n3A_341 : vector<16xf32>
        %and3A_361 = arith.andi %not3A_359, %gt3A_360 : vector<16xi1>
        %select_n3A_362 = arith.select %and3A_361, %get3A_352, %select_n3A_341 : vector<16xi1>, vector<16xf32>
        %select_n3A_363 = arith.select %gt3A_357, %select_n3A_345, %select_n3A_362 : vector<16xi1>, vector<16xf32>
        %select_n3A_364 = arith.select %and3A_361, %mul3A_356, %select_n3A_343 : vector<16xi1>, vector<16xi32>
        %select_n3A_365 = arith.select %gt3A_357, %select_n3A_344, %select_n3A_364 : vector<16xi1>, vector<16xi32>
        %select_n3A_366 = arith.select %gt3A_357, %mul3A_356, %select_n3A_344 : vector<16xi1>, vector<16xi32>
        %select_n3A_367 = arith.select %gt3A_357, %get3A_352, %select_n3A_345 : vector<16xi1>, vector<16xf32>
        %mul3A_368 = arith.constant 8 : i32
        %mul3A_369 = arith.muli %scan3A_254, %mul3A_368 : i32
        %add3A_370 = arith.constant 5 : i32
        %add3A_371 = arith.addi %mul3A_369, %add3A_370 : i32
        %get3A_372 = arith.index_cast %add3A_371 : i32 to index
        %get3A_373 = arith.constant 16 : index
        %get3A_374 = tpu.vector_load %arg6[%get3A_372, %get3A_373] {strides = array<i32>} : memref<64x64xf32, #tpu.memory_space<vmem>>, vector<16xf32>,
        %broadcast_in_dim3A_375 = arith.constant 1 : i32
        %broadcast_in_dim3A_376 = vector.broadcast %broadcast_in_dim3A_375 : i32 to vector<16xi32>
        %mul3A_377 = vector.broadcast %add3A_371 : i32 to vector<16xi32>
        %mul3A_378 = arith.muli %broadcast_in_dim3A_376, %mul3A_377 : vector<16xi32>
        %gt3A_379 = arith.cmpf ogt, %get3A_374, %select_n3A_367 : vector<16xf32>
        %not3A_380 = arith.constant dense<true> : vector<16xi1>
        %not3A_381 = arith.xori %gt3A_379, %not3A_380 : vector<16xi1>
        %gt3A_382 = arith.cmpf ogt, %get3A_374, %select_n3A_363 : vector<16xf32>
        %and3A_383 = arith.andi %not3A_381, %gt3A_382 : vector<16xi1>
        %select_n3A_384 = arith.select %and3A_383, %get3A_374, %select_n3A_363 : vector<16xi1>, vector<16xf32>
        %select_n3A_385 = arith.select %gt3A_379, %select_n3A_367, %select_n3A_384 : vector<16xi1>, vector<16xf32>
        %select_n3A_386 = arith.select %and3A_383, %mul3A_378, %select_n3A_365 : vector<16xi1>, vector<16xi32>
        %select_n3A_387 = arith.select %gt3A_379, %select_n3A_366, %select_n3A_386 : vector<16xi1>, vector<16xi32>
        %select_n3A_388 = arith.select %gt3A_379, %mul3A_378, %select_n3A_366 : vector<16xi1>, vector<16xi32>
        %select_n3A_389 = arith.select %gt3A_379, %get3A_374, %select_n3A_367 : vector<16xi1>, vector<16xf32>
        %mul3A_390 = arith.constant 8 : i32
        %mul3A_391 = arith.muli %scan3A_254, %mul3A_390 : i32
        %add3A_392 = arith.constant 6 : i32
        %add3A_393 = arith.addi %mul3A_391, %add3A_392 : i32
        %get3A_394 = arith.index_cast %add3A_393 : i32 to index
        %get3A_395 = arith.constant 16 : index
        %get3A_396 = tpu.vector_load %arg6[%get3A_394, %get3A_395] {strides = array<i32>} : memref<64x64xf32, #tpu.memory_space<vmem>>, vector<16xf32>,
        %broadcast_in_dim3A_397 = arith.constant 1 : i32
        %broadcast_in_dim3A_398 = vector.broadcast %broadcast_in_dim3A_397 : i32 to vector<16xi32>
        %mul3A_399 = vector.broadcast %add3A_393 : i32 to vector<16xi32>
        %mul3A_400 = arith.muli %broadcast_in_dim3A_398, %mul3A_399 : vector<16xi32>
        %gt3A_401 = arith.cmpf ogt, %get3A_396, %select_n3A_389 : vector<16xf32>
        %not3A_402 = arith.constant dense<true> : vector<16xi1>
        %not3A_403 = arith.xori %gt3A_401, %not3A_402 : vector<16xi1>
        %gt3A_404 = arith.cmpf ogt, %get3A_396, %select_n3A_385 : vector<16xf32>
        %and3A_405 = arith.andi %not3A_403, %gt3A_404 : vector<16xi1>
        %select_n3A_406 = arith.select %and3A_405, %get3A_396, %select_n3A_385 : vector<16xi1>, vector<16xf32>
        %select_n3A_407 = arith.select %gt3A_401, %select_n3A_389, %select_n3A_406 : vector<16xi1>, vector<16xf32>
        %select_n3A_408 = arith.select %and3A_405, %mul3A_400, %select_n3A_387 : vector<16xi1>, vector<16xi32>
        %select_n3A_409 = arith.select %gt3A_401, %select_n3A_388, %select_n3A_408 : vector<16xi1>, vector<16xi32>
        %select_n3A_410 = arith.select %gt3A_401, %mul3A_400, %select_n3A_388 : vector<16xi1>, vector<16xi32>
        %select_n3A_411 = arith.select %gt3A_401, %get3A_396, %select_n3A_389 : vector<16xi1>, vector<16xf32>
        %mul3A_412 = arith.constant 8 : i32
        %mul3A_413 = arith.muli %scan3A_254, %mul3A_412 : i32
        %add3A_414 = arith.constant 7 : i32
        %add3A_415 = arith.addi %mul3A_413, %add3A_414 : i32
        %get3A_416 = arith.index_cast %add3A_415 : i32 to index
        %get3A_417 = arith.constant 16 : index
        %get3A_418 = tpu.vector_load %arg6[%get3A_416, %get3A_417] {strides = array<i32>} : memref<64x64xf32, #tpu.memory_space<vmem>>, vector<16xf32>,
        %broadcast_in_dim3A_419 = arith.constant 1 : i32
        %broadcast_in_dim3A_420 = vector.broadcast %broadcast_in_dim3A_419 : i32 to vector<16xi32>
        %mul3A_421 = vector.broadcast %add3A_415 : i32 to vector<16xi32>
        %mul3A_422 = arith.muli %broadcast_in_dim3A_420, %mul3A_421 : vector<16xi32>
        %gt3A_423 = arith.cmpf ogt, %get3A_418, %select_n3A_411 : vector<16xf32>
        %not3A_424 = arith.constant dense<true> : vector<16xi1>
        %not3A_425 = arith.xori %gt3A_423, %not3A_424 : vector<16xi1>
        %gt3A_426 = arith.cmpf ogt, %get3A_418, %select_n3A_407 : vector<16xf32>
        %and3A_427 = arith.andi %not3A_425, %gt3A_426 : vector<16xi1>
        %select_n3A_428 = arith.select %and3A_427, %get3A_418, %select_n3A_407 : vector<16xi1>, vector<16xf32>
        %select_n3A_429 = arith.select %gt3A_423, %select_n3A_411, %select_n3A_428 : vector<16xi1>, vector<16xf32>
        %select_n3A_430 = arith.select %and3A_427, %mul3A_422, %select_n3A_409 : vector<16xi1>, vector<16xi32>
        %select_n3A_431 = arith.select %gt3A_423, %select_n3A_410, %select_n3A_430 : vector<16xi1>, vector<16xi32>
        %select_n3A_432 = arith.select %gt3A_423, %mul3A_422, %select_n3A_410 : vector<16xi1>, vector<16xi32>
        %select_n3A_433 = arith.select %gt3A_423, %get3A_418, %select_n3A_411 : vector<16xi1>, vector<16xf32>
        scf.yield %select_n3A_433, %select_n3A_432, %select_n3A_429, %select_n3A_431 : vector<16xf32>, vector<16xi32>, vector<16xf32>, vector<16xi32>
      }
      %scan3A_63 = arith.constant 8 : i32
      %sub3A_64 = arith.subf %scan3A_62#2, %scan3A_62#0 : vector<16xf32>
      %exp3A_65 = math.exp %sub3A_64 : vector<16xf32>
      %add3A_66 = arith.constant 1.000000e+00 : f32
      %add3A_67 = vector.broadcast %add3A_66 : f32 to vector<16xf32>
      %add3A_68 = arith.addf %add3A_67, %exp3A_65 : vector<16xf32>
      %div3A_69 = arith.constant 1.000000e+00 : f32
      %div3A_70 = vector.broadcast %div3A_69 : f32 to vector<16xf32>
      %div3A_71 = arith.divf %div3A_70, %add3A_68 : vector<16xf32>
      %add3A_72 = arith.constant 1.000000e+00 : f32
      %add3A_73 = vector.broadcast %add3A_72 : f32 to vector<16xf32>
      %add3A_74 = arith.addf %add3A_73, %exp3A_65 : vector<16xf32>
      %div3A_75 = arith.divf %exp3A_65, %add3A_74 : vector<16xf32>
      %iota3A_76 = tpu.iota {dimensions = array<i32: 0>} : vector<16xi32>
      %add3A_77 = arith.constant 16 : i32
      %add3A_78 = vector.broadcast %add3A_77 : i32 to vector<16xi32>
      %add3A_79 = arith.addi %iota3A_76, %add3A_78 : vector<16xi32>
      %mul3A_80 = arith.constant 64 : i32
      %mul3A_81 = vector.broadcast %mul3A_80 : i32 to vector<16xi32>
      %mul3A_82 = arith.muli %add3A_79, %mul3A_81 : vector<16xi32>
      %add3A_83 = arith.addi %mul3A_82, %scan3A_62#1 : vector<16xi32>
      tpu.vector_store_idx %arg7[%add3A_83], %div3A_71 : memref<4096xf32, #tpu.memory_space<vmem>>[vector<16xi32>], vector<16xf32>,
      %add3A_84 = arith.addi %mul3A_82, %scan3A_62#3 : vector<16xi32>
      tpu.vector_store_idx %arg7[%add3A_84], %div3A_75 : memref<4096xf32, #tpu.memory_space<vmem>>[vector<16xi32>], vector<16xf32>,
      tpu.vector_store_idx %arg8[%scan3A_62#1], %broadcast_in_dim3A_28 : memref<64xi32, #tpu.memory_space<vmem>>[vector<16xi32>], vector<16xi32>,
      tpu.vector_store_idx %arg8[%scan3A_62#3], %broadcast_in_dim3A_28 : memref<64xi32, #tpu.memory_space<vmem>>[vector<16xi32>], vector<16xi32>,
      %broadcast_in_dim3A_85 = arith.constant 0xFF800000 : f32
      %broadcast_in_dim3A_86 = vector.broadcast %broadcast_in_dim3A_85 : f32 to vector<16xf32>
      %broadcast_in_dim3A_87 = arith.constant 0xFF800000 : f32
      %broadcast_in_dim3A_88 = vector.broadcast %broadcast_in_dim3A_87 : f32 to vector<16xf32>
      %scan3A_89 = arith.constant 0 : i32
      %scan3A_90 = arith.constant 8 : i32
      %scan3A_91 = arith.addi %scan3A_89, %scan3A_90 : i32
      %scan3A_92 = arith.constant 1 : i32
      %scan3A_93:4 = scf.for %scan3A_254 = %scan3A_89 to %scan3A_91 step %scan3A_92 iter_args(%scan3A_255 = %broadcast_in_dim3A_86, %scan3A_256 = %broadcast_in_dim3A_6, %scan3A_257 = %broadcast_in_dim3A_88, %scan3A_258 = %broadcast_in_dim3A_6) -> (vector<16xf32>, vector<16xi32>, vector<16xf32>, vector<16xi32>)  : i32 {
        %mul3A_259 = arith.constant 8 : i32
        %mul3A_260 = arith.muli %scan3A_254, %mul3A_259 : i32
        %add3A_261 = arith.constant 0 : i32
        %add3A_262 = arith.addi %mul3A_260, %add3A_261 : i32
        %get3A_263 = arith.index_cast %add3A_262 : i32 to index
        %get3A_264 = arith.constant 32 : index
        %get3A_265 = tpu.vector_load %arg6[%get3A_263, %get3A_264] {strides = array<i32>} : memref<64x64xf32, #tpu.memory_space<vmem>>, vector<16xf32>,
        %broadcast_in_dim3A_266 = arith.constant 1 : i32
        %broadcast_in_dim3A_267 = vector.broadcast %broadcast_in_dim3A_266 : i32 to vector<16xi32>
        %mul3A_268 = vector.broadcast %add3A_262 : i32 to vector<16xi32>
        %mul3A_269 = arith.muli %broadcast_in_dim3A_267, %mul3A_268 : vector<16xi32>
        %gt3A_270 = arith.cmpf ogt, %get3A_265, %scan3A_255 : vector<16xf32>
        %not3A = arith.constant dense<true> : vector<16xi1>
        %not3A_271 = arith.xori %gt3A_270, %not3A : vector<16xi1>
        %gt3A_272 = arith.cmpf ogt, %get3A_265, %scan3A_257 : vector<16xf32>
        %and3A_273 = arith.andi %not3A_271, %gt3A_272 : vector<16xi1>
        %select_n3A_274 = arith.select %and3A_273, %get3A_265, %scan3A_257 : vector<16xi1>, vector<16xf32>
        %select_n3A_275 = arith.select %gt3A_270, %scan3A_255, %select_n3A_274 : vector<16xi1>, vector<16xf32>
        %select_n3A_276 = arith.select %and3A_273, %mul3A_269, %scan3A_258 : vector<16xi1>, vector<16xi32>
        %select_n3A_277 = arith.select %gt3A_270, %scan3A_256, %select_n3A_276 : vector<16xi1>, vector<16xi32>
        %select_n3A_278 = arith.select %gt3A_270, %mul3A_269, %scan3A_256 : vector<16xi1>, vector<16xi32>
        %select_n3A_279 = arith.select %gt3A_270, %get3A_265, %scan3A_255 : vector<16xi1>, vector<16xf32>
        %mul3A_280 = arith.constant 8 : i32
        %mul3A_281 = arith.muli %scan3A_254, %mul3A_280 : i32
        %add3A_282 = arith.constant 1 : i32
        %add3A_283 = arith.addi %mul3A_281, %add3A_282 : i32
        %get3A_284 = arith.index_cast %add3A_283 : i32 to index
        %get3A_285 = arith.constant 32 : index
        %get3A_286 = tpu.vector_load %arg6[%get3A_284, %get3A_285] {strides = array<i32>} : memref<64x64xf32, #tpu.memory_space<vmem>>, vector<16xf32>,
        %broadcast_in_dim3A_287 = arith.constant 1 : i32
        %broadcast_in_dim3A_288 = vector.broadcast %broadcast_in_dim3A_287 : i32 to vector<16xi32>
        %mul3A_289 = vector.broadcast %add3A_283 : i32 to vector<16xi32>
        %mul3A_290 = arith.muli %broadcast_in_dim3A_288, %mul3A_289 : vector<16xi32>
        %gt3A_291 = arith.cmpf ogt, %get3A_286, %select_n3A_279 : vector<16xf32>
        %not3A_292 = arith.constant dense<true> : vector<16xi1>
        %not3A_293 = arith.xori %gt3A_291, %not3A_292 : vector<16xi1>
        %gt3A_294 = arith.cmpf ogt, %get3A_286, %select_n3A_275 : vector<16xf32>
        %and3A_295 = arith.andi %not3A_293, %gt3A_294 : vector<16xi1>
        %select_n3A_296 = arith.select %and3A_295, %get3A_286, %select_n3A_275 : vector<16xi1>, vector<16xf32>
        %select_n3A_297 = arith.select %gt3A_291, %select_n3A_279, %select_n3A_296 : vector<16xi1>, vector<16xf32>
        %select_n3A_298 = arith.select %and3A_295, %mul3A_290, %select_n3A_277 : vector<16xi1>, vector<16xi32>
        %select_n3A_299 = arith.select %gt3A_291, %select_n3A_278, %select_n3A_298 : vector<16xi1>, vector<16xi32>
        %select_n3A_300 = arith.select %gt3A_291, %mul3A_290, %select_n3A_278 : vector<16xi1>, vector<16xi32>
        %select_n3A_301 = arith.select %gt3A_291, %get3A_286, %select_n3A_279 : vector<16xi1>, vector<16xf32>
        %mul3A_302 = arith.constant 8 : i32
        %mul3A_303 = arith.muli %scan3A_254, %mul3A_302 : i32
        %add3A_304 = arith.constant 2 : i32
        %add3A_305 = arith.addi %mul3A_303, %add3A_304 : i32
        %get3A_306 = arith.index_cast %add3A_305 : i32 to index
        %get3A_307 = arith.constant 32 : index
        %get3A_308 = tpu.vector_load %arg6[%get3A_306, %get3A_307] {strides = array<i32>} : memref<64x64xf32, #tpu.memory_space<vmem>>, vector<16xf32>,
        %broadcast_in_dim3A_309 = arith.constant 1 : i32
        %broadcast_in_dim3A_310 = vector.broadcast %broadcast_in_dim3A_309 : i32 to vector<16xi32>
        %mul3A_311 = vector.broadcast %add3A_305 : i32 to vector<16xi32>
        %mul3A_312 = arith.muli %broadcast_in_dim3A_310, %mul3A_311 : vector<16xi32>
        %gt3A_313 = arith.cmpf ogt, %get3A_308, %select_n3A_301 : vector<16xf32>
        %not3A_314 = arith.constant dense<true> : vector<16xi1>
        %not3A_315 = arith.xori %gt3A_313, %not3A_314 : vector<16xi1>
        %gt3A_316 = arith.cmpf ogt, %get3A_308, %select_n3A_297 : vector<16xf32>
        %and3A_317 = arith.andi %not3A_315, %gt3A_316 : vector<16xi1>
        %select_n3A_318 = arith.select %and3A_317, %get3A_308, %select_n3A_297 : vector<16xi1>, vector<16xf32>
        %select_n3A_319 = arith.select %gt3A_313, %select_n3A_301, %select_n3A_318 : vector<16xi1>, vector<16xf32>
        %select_n3A_320 = arith.select %and3A_317, %mul3A_312, %select_n3A_299 : vector<16xi1>, vector<16xi32>
        %select_n3A_321 = arith.select %gt3A_313, %select_n3A_300, %select_n3A_320 : vector<16xi1>, vector<16xi32>
        %select_n3A_322 = arith.select %gt3A_313, %mul3A_312, %select_n3A_300 : vector<16xi1>, vector<16xi32>
        %select_n3A_323 = arith.select %gt3A_313, %get3A_308, %select_n3A_301 : vector<16xi1>, vector<16xf32>
        %mul3A_324 = arith.constant 8 : i32
        %mul3A_325 = arith.muli %scan3A_254, %mul3A_324 : i32
        %add3A_326 = arith.constant 3 : i32
        %add3A_327 = arith.addi %mul3A_325, %add3A_326 : i32
        %get3A_328 = arith.index_cast %add3A_327 : i32 to index
        %get3A_329 = arith.constant 32 : index
        %get3A_330 = tpu.vector_load %arg6[%get3A_328, %get3A_329] {strides = array<i32>} : memref<64x64xf32, #tpu.memory_space<vmem>>, vector<16xf32>,
        %broadcast_in_dim3A_331 = arith.constant 1 : i32
        %broadcast_in_dim3A_332 = vector.broadcast %broadcast_in_dim3A_331 : i32 to vector<16xi32>
        %mul3A_333 = vector.broadcast %add3A_327 : i32 to vector<16xi32>
        %mul3A_334 = arith.muli %broadcast_in_dim3A_332, %mul3A_333 : vector<16xi32>
        %gt3A_335 = arith.cmpf ogt, %get3A_330, %select_n3A_323 : vector<16xf32>
        %not3A_336 = arith.constant dense<true> : vector<16xi1>
        %not3A_337 = arith.xori %gt3A_335, %not3A_336 : vector<16xi1>
        %gt3A_338 = arith.cmpf ogt, %get3A_330, %select_n3A_319 : vector<16xf32>
        %and3A_339 = arith.andi %not3A_337, %gt3A_338 : vector<16xi1>
        %select_n3A_340 = arith.select %and3A_339, %get3A_330, %select_n3A_319 : vector<16xi1>, vector<16xf32>
        %select_n3A_341 = arith.select %gt3A_335, %select_n3A_323, %select_n3A_340 : vector<16xi1>, vector<16xf32>
        %select_n3A_342 = arith.select %and3A_339, %mul3A_334, %select_n3A_321 : vector<16xi1>, vector<16xi32>
        %select_n3A_343 = arith.select %gt3A_335, %select_n3A_322, %select_n3A_342 : vector<16xi1>, vector<16xi32>
        %select_n3A_344 = arith.select %gt3A_335, %mul3A_334, %select_n3A_322 : vector<16xi1>, vector<16xi32>
        %select_n3A_345 = arith.select %gt3A_335, %get3A_330, %select_n3A_323 : vector<16xi1>, vector<16xf32>
        %mul3A_346 = arith.constant 8 : i32
        %mul3A_347 = arith.muli %scan3A_254, %mul3A_346 : i32
        %add3A_348 = arith.constant 4 : i32
        %add3A_349 = arith.addi %mul3A_347, %add3A_348 : i32
        %get3A_350 = arith.index_cast %add3A_349 : i32 to index
        %get3A_351 = arith.constant 32 : index
        %get3A_352 = tpu.vector_load %arg6[%get3A_350, %get3A_351] {strides = array<i32>} : memref<64x64xf32, #tpu.memory_space<vmem>>, vector<16xf32>,
        %broadcast_in_dim3A_353 = arith.constant 1 : i32
        %broadcast_in_dim3A_354 = vector.broadcast %broadcast_in_dim3A_353 : i32 to vector<16xi32>
        %mul3A_355 = vector.broadcast %add3A_349 : i32 to vector<16xi32>
        %mul3A_356 = arith.muli %broadcast_in_dim3A_354, %mul3A_355 : vector<16xi32>
        %gt3A_357 = arith.cmpf ogt, %get3A_352, %select_n3A_345 : vector<16xf32>
        %not3A_358 = arith.constant dense<true> : vector<16xi1>
        %not3A_359 = arith.xori %gt3A_357, %not3A_358 : vector<16xi1>
        %gt3A_360 = arith.cmpf ogt, %get3A_352, %select_n3A_341 : vector<16xf32>
        %and3A_361 = arith.andi %not3A_359, %gt3A_360 : vector<16xi1>
        %select_n3A_362 = arith.select %and3A_361, %get3A_352, %select_n3A_341 : vector<16xi1>, vector<16xf32>
        %select_n3A_363 = arith.select %gt3A_357, %select_n3A_345, %select_n3A_362 : vector<16xi1>, vector<16xf32>
        %select_n3A_364 = arith.select %and3A_361, %mul3A_356, %select_n3A_343 : vector<16xi1>, vector<16xi32>
        %select_n3A_365 = arith.select %gt3A_357, %select_n3A_344, %select_n3A_364 : vector<16xi1>, vector<16xi32>
        %select_n3A_366 = arith.select %gt3A_357, %mul3A_356, %select_n3A_344 : vector<16xi1>, vector<16xi32>
        %select_n3A_367 = arith.select %gt3A_357, %get3A_352, %select_n3A_345 : vector<16xi1>, vector<16xf32>
        %mul3A_368 = arith.constant 8 : i32
        %mul3A_369 = arith.muli %scan3A_254, %mul3A_368 : i32
        %add3A_370 = arith.constant 5 : i32
        %add3A_371 = arith.addi %mul3A_369, %add3A_370 : i32
        %get3A_372 = arith.index_cast %add3A_371 : i32 to index
        %get3A_373 = arith.constant 32 : index
        %get3A_374 = tpu.vector_load %arg6[%get3A_372, %get3A_373] {strides = array<i32>} : memref<64x64xf32, #tpu.memory_space<vmem>>, vector<16xf32>,
        %broadcast_in_dim3A_375 = arith.constant 1 : i32
        %broadcast_in_dim3A_376 = vector.broadcast %broadcast_in_dim3A_375 : i32 to vector<16xi32>
        %mul3A_377 = vector.broadcast %add3A_371 : i32 to vector<16xi32>
        %mul3A_378 = arith.muli %broadcast_in_dim3A_376, %mul3A_377 : vector<16xi32>
        %gt3A_379 = arith.cmpf ogt, %get3A_374, %select_n3A_367 : vector<16xf32>
        %not3A_380 = arith.constant dense<true> : vector<16xi1>
        %not3A_381 = arith.xori %gt3A_379, %not3A_380 : vector<16xi1>
        %gt3A_382 = arith.cmpf ogt, %get3A_374, %select_n3A_363 : vector<16xf32>
        %and3A_383 = arith.andi %not3A_381, %gt3A_382 : vector<16xi1>
        %select_n3A_384 = arith.select %and3A_383, %get3A_374, %select_n3A_363 : vector<16xi1>, vector<16xf32>
        %select_n3A_385 = arith.select %gt3A_379, %select_n3A_367, %select_n3A_384 : vector<16xi1>, vector<16xf32>
        %select_n3A_386 = arith.select %and3A_383, %mul3A_378, %select_n3A_365 : vector<16xi1>, vector<16xi32>
        %select_n3A_387 = arith.select %gt3A_379, %select_n3A_366, %select_n3A_386 : vector<16xi1>, vector<16xi32>
        %select_n3A_388 = arith.select %gt3A_379, %mul3A_378, %select_n3A_366 : vector<16xi1>, vector<16xi32>
        %select_n3A_389 = arith.select %gt3A_379, %get3A_374, %select_n3A_367 : vector<16xi1>, vector<16xf32>
        %mul3A_390 = arith.constant 8 : i32
        %mul3A_391 = arith.muli %scan3A_254, %mul3A_390 : i32
        %add3A_392 = arith.constant 6 : i32
        %add3A_393 = arith.addi %mul3A_391, %add3A_392 : i32
        %get3A_394 = arith.index_cast %add3A_393 : i32 to index
        %get3A_395 = arith.constant 32 : index
        %get3A_396 = tpu.vector_load %arg6[%get3A_394, %get3A_395] {strides = array<i32>} : memref<64x64xf32, #tpu.memory_space<vmem>>, vector<16xf32>,
        %broadcast_in_dim3A_397 = arith.constant 1 : i32
        %broadcast_in_dim3A_398 = vector.broadcast %broadcast_in_dim3A_397 : i32 to vector<16xi32>
        %mul3A_399 = vector.broadcast %add3A_393 : i32 to vector<16xi32>
        %mul3A_400 = arith.muli %broadcast_in_dim3A_398, %mul3A_399 : vector<16xi32>
        %gt3A_401 = arith.cmpf ogt, %get3A_396, %select_n3A_389 : vector<16xf32>
        %not3A_402 = arith.constant dense<true> : vector<16xi1>
        %not3A_403 = arith.xori %gt3A_401, %not3A_402 : vector<16xi1>
        %gt3A_404 = arith.cmpf ogt, %get3A_396, %select_n3A_385 : vector<16xf32>
        %and3A_405 = arith.andi %not3A_403, %gt3A_404 : vector<16xi1>
        %select_n3A_406 = arith.select %and3A_405, %get3A_396, %select_n3A_385 : vector<16xi1>, vector<16xf32>
        %select_n3A_407 = arith.select %gt3A_401, %select_n3A_389, %select_n3A_406 : vector<16xi1>, vector<16xf32>
        %select_n3A_408 = arith.select %and3A_405, %mul3A_400, %select_n3A_387 : vector<16xi1>, vector<16xi32>
        %select_n3A_409 = arith.select %gt3A_401, %select_n3A_388, %select_n3A_408 : vector<16xi1>, vector<16xi32>
        %select_n3A_410 = arith.select %gt3A_401, %mul3A_400, %select_n3A_388 : vector<16xi1>, vector<16xi32>
        %select_n3A_411 = arith.select %gt3A_401, %get3A_396, %select_n3A_389 : vector<16xi1>, vector<16xf32>
        %mul3A_412 = arith.constant 8 : i32
        %mul3A_413 = arith.muli %scan3A_254, %mul3A_412 : i32
        %add3A_414 = arith.constant 7 : i32
        %add3A_415 = arith.addi %mul3A_413, %add3A_414 : i32
        %get3A_416 = arith.index_cast %add3A_415 : i32 to index
        %get3A_417 = arith.constant 32 : index
        %get3A_418 = tpu.vector_load %arg6[%get3A_416, %get3A_417] {strides = array<i32>} : memref<64x64xf32, #tpu.memory_space<vmem>>, vector<16xf32>,
        %broadcast_in_dim3A_419 = arith.constant 1 : i32
        %broadcast_in_dim3A_420 = vector.broadcast %broadcast_in_dim3A_419 : i32 to vector<16xi32>
        %mul3A_421 = vector.broadcast %add3A_415 : i32 to vector<16xi32>
        %mul3A_422 = arith.muli %broadcast_in_dim3A_420, %mul3A_421 : vector<16xi32>
        %gt3A_423 = arith.cmpf ogt, %get3A_418, %select_n3A_411 : vector<16xf32>
        %not3A_424 = arith.constant dense<true> : vector<16xi1>
        %not3A_425 = arith.xori %gt3A_423, %not3A_424 : vector<16xi1>
        %gt3A_426 = arith.cmpf ogt, %get3A_418, %select_n3A_407 : vector<16xf32>
        %and3A_427 = arith.andi %not3A_425, %gt3A_426 : vector<16xi1>
        %select_n3A_428 = arith.select %and3A_427, %get3A_418, %select_n3A_407 : vector<16xi1>, vector<16xf32>
        %select_n3A_429 = arith.select %gt3A_423, %select_n3A_411, %select_n3A_428 : vector<16xi1>, vector<16xf32>
        %select_n3A_430 = arith.select %and3A_427, %mul3A_422, %select_n3A_409 : vector<16xi1>, vector<16xi32>
        %select_n3A_431 = arith.select %gt3A_423, %select_n3A_410, %select_n3A_430 : vector<16xi1>, vector<16xi32>
        %select_n3A_432 = arith.select %gt3A_423, %mul3A_422, %select_n3A_410 : vector<16xi1>, vector<16xi32>
        %select_n3A_433 = arith.select %gt3A_423, %get3A_418, %select_n3A_411 : vector<16xi1>, vector<16xf32>
        scf.yield %select_n3A_433, %select_n3A_432, %select_n3A_429, %select_n3A_431 : vector<16xf32>, vector<16xi32>, vector<16xf32>, vector<16xi32>
      }
      %scan3A_94 = arith.constant 8 : i32
      %sub3A_95 = arith.subf %scan3A_93#2, %scan3A_93#0 : vector<16xf32>
      %exp3A_96 = math.exp %sub3A_95 : vector<16xf32>
      %add3A_97 = arith.constant 1.000000e+00 : f32
      %add3A_98 = vector.broadcast %add3A_97 : f32 to vector<16xf32>
      %add3A_99 = arith.addf %add3A_98, %exp3A_96 : vector<16xf32>
      %div3A_100 = arith.constant 1.000000e+00 : f32
      %div3A_101 = vector.broadcast %div3A_100 : f32 to vector<16xf32>
      %div3A_102 = arith.divf %div3A_101, %add3A_99 : vector<16xf32>
      %add3A_103 = arith.constant 1.000000e+00 : f32
      %add3A_104 = vector.broadcast %add3A_103 : f32 to vector<16xf32>
      %add3A_105 = arith.addf %add3A_104, %exp3A_96 : vector<16xf32>
      %div3A_106 = arith.divf %exp3A_96, %add3A_105 : vector<16xf32>
      %iota3A_107 = tpu.iota {dimensions = array<i32: 0>} : vector<16xi32>
      %add3A_108 = arith.constant 32 : i32
      %add3A_109 = vector.broadcast %add3A_108 : i32 to vector<16xi32>
      %add3A_110 = arith.addi %iota3A_107, %add3A_109 : vector<16xi32>
      %mul3A_111 = arith.constant 64 : i32
      %mul3A_112 = vector.broadcast %mul3A_111 : i32 to vector<16xi32>
      %mul3A_113 = arith.muli %add3A_110, %mul3A_112 : vector<16xi32>
      %add3A_114 = arith.addi %mul3A_113, %scan3A_93#1 : vector<16xi32>
      tpu.vector_store_idx %arg7[%add3A_114], %div3A_102 : memref<4096xf32, #tpu.memory_space<vmem>>[vector<16xi32>], vector<16xf32>,
      %add3A_115 = arith.addi %mul3A_113, %scan3A_93#3 : vector<16xi32>
      tpu.vector_store_idx %arg7[%add3A_115], %div3A_106 : memref<4096xf32, #tpu.memory_space<vmem>>[vector<16xi32>], vector<16xf32>,
      tpu.vector_store_idx %arg8[%scan3A_93#1], %broadcast_in_dim3A_28 : memref<64xi32, #tpu.memory_space<vmem>>[vector<16xi32>], vector<16xi32>,
      tpu.vector_store_idx %arg8[%scan3A_93#3], %broadcast_in_dim3A_28 : memref<64xi32, #tpu.memory_space<vmem>>[vector<16xi32>], vector<16xi32>,
      %broadcast_in_dim3A_116 = arith.constant 0xFF800000 : f32
      %broadcast_in_dim3A_117 = vector.broadcast %broadcast_in_dim3A_116 : f32 to vector<16xf32>
      %broadcast_in_dim3A_118 = arith.constant 0xFF800000 : f32
      %broadcast_in_dim3A_119 = vector.broadcast %broadcast_in_dim3A_118 : f32 to vector<16xf32>
      %scan3A_120 = arith.constant 0 : i32
      %scan3A_121 = arith.constant 8 : i32
      %scan3A_122 = arith.addi %scan3A_120, %scan3A_121 : i32
      %scan3A_123 = arith.constant 1 : i32
      %scan3A_124:4 = scf.for %scan3A_254 = %scan3A_120 to %scan3A_122 step %scan3A_123 iter_args(%scan3A_255 = %broadcast_in_dim3A_117, %scan3A_256 = %broadcast_in_dim3A_6, %scan3A_257 = %broadcast_in_dim3A_119, %scan3A_258 = %broadcast_in_dim3A_6) -> (vector<16xf32>, vector<16xi32>, vector<16xf32>, vector<16xi32>)  : i32 {
        %mul3A_259 = arith.constant 8 : i32
        %mul3A_260 = arith.muli %scan3A_254, %mul3A_259 : i32
        %add3A_261 = arith.constant 0 : i32
        %add3A_262 = arith.addi %mul3A_260, %add3A_261 : i32
        %get3A_263 = arith.index_cast %add3A_262 : i32 to index
        %get3A_264 = arith.constant 48 : index
        %get3A_265 = tpu.vector_load %arg6[%get3A_263, %get3A_264] {strides = array<i32>} : memref<64x64xf32, #tpu.memory_space<vmem>>, vector<16xf32>,
        %broadcast_in_dim3A_266 = arith.constant 1 : i32
        %broadcast_in_dim3A_267 = vector.broadcast %broadcast_in_dim3A_266 : i32 to vector<16xi32>
        %mul3A_268 = vector.broadcast %add3A_262 : i32 to vector<16xi32>
        %mul3A_269 = arith.muli %broadcast_in_dim3A_267, %mul3A_268 : vector<16xi32>
        %gt3A_270 = arith.cmpf ogt, %get3A_265, %scan3A_255 : vector<16xf32>
        %not3A = arith.constant dense<true> : vector<16xi1>
        %not3A_271 = arith.xori %gt3A_270, %not3A : vector<16xi1>
        %gt3A_272 = arith.cmpf ogt, %get3A_265, %scan3A_257 : vector<16xf32>
        %and3A_273 = arith.andi %not3A_271, %gt3A_272 : vector<16xi1>
        %select_n3A_274 = arith.select %and3A_273, %get3A_265, %scan3A_257 : vector<16xi1>, vector<16xf32>
        %select_n3A_275 = arith.select %gt3A_270, %scan3A_255, %select_n3A_274 : vector<16xi1>, vector<16xf32>
        %select_n3A_276 = arith.select %and3A_273, %mul3A_269, %scan3A_258 : vector<16xi1>, vector<16xi32>
        %select_n3A_277 = arith.select %gt3A_270, %scan3A_256, %select_n3A_276 : vector<16xi1>, vector<16xi32>
        %select_n3A_278 = arith.select %gt3A_270, %mul3A_269, %scan3A_256 : vector<16xi1>, vector<16xi32>
        %select_n3A_279 = arith.select %gt3A_270, %get3A_265, %scan3A_255 : vector<16xi1>, vector<16xf32>
        %mul3A_280 = arith.constant 8 : i32
        %mul3A_281 = arith.muli %scan3A_254, %mul3A_280 : i32
        %add3A_282 = arith.constant 1 : i32
        %add3A_283 = arith.addi %mul3A_281, %add3A_282 : i32
        %get3A_284 = arith.index_cast %add3A_283 : i32 to index
        %get3A_285 = arith.constant 48 : index
        %get3A_286 = tpu.vector_load %arg6[%get3A_284, %get3A_285] {strides = array<i32>} : memref<64x64xf32, #tpu.memory_space<vmem>>, vector<16xf32>,
        %broadcast_in_dim3A_287 = arith.constant 1 : i32
        %broadcast_in_dim3A_288 = vector.broadcast %broadcast_in_dim3A_287 : i32 to vector<16xi32>
        %mul3A_289 = vector.broadcast %add3A_283 : i32 to vector<16xi32>
        %mul3A_290 = arith.muli %broadcast_in_dim3A_288, %mul3A_289 : vector<16xi32>
        %gt3A_291 = arith.cmpf ogt, %get3A_286, %select_n3A_279 : vector<16xf32>
        %not3A_292 = arith.constant dense<true> : vector<16xi1>
        %not3A_293 = arith.xori %gt3A_291, %not3A_292 : vector<16xi1>
        %gt3A_294 = arith.cmpf ogt, %get3A_286, %select_n3A_275 : vector<16xf32>
        %and3A_295 = arith.andi %not3A_293, %gt3A_294 : vector<16xi1>
        %select_n3A_296 = arith.select %and3A_295, %get3A_286, %select_n3A_275 : vector<16xi1>, vector<16xf32>
        %select_n3A_297 = arith.select %gt3A_291, %select_n3A_279, %select_n3A_296 : vector<16xi1>, vector<16xf32>
        %select_n3A_298 = arith.select %and3A_295, %mul3A_290, %select_n3A_277 : vector<16xi1>, vector<16xi32>
        %select_n3A_299 = arith.select %gt3A_291, %select_n3A_278, %select_n3A_298 : vector<16xi1>, vector<16xi32>
        %select_n3A_300 = arith.select %gt3A_291, %mul3A_290, %select_n3A_278 : vector<16xi1>, vector<16xi32>
        %select_n3A_301 = arith.select %gt3A_291, %get3A_286, %select_n3A_279 : vector<16xi1>, vector<16xf32>
        %mul3A_302 = arith.constant 8 : i32
        %mul3A_303 = arith.muli %scan3A_254, %mul3A_302 : i32
        %add3A_304 = arith.constant 2 : i32
        %add3A_305 = arith.addi %mul3A_303, %add3A_304 : i32
        %get3A_306 = arith.index_cast %add3A_305 : i32 to index
        %get3A_307 = arith.constant 48 : index
        %get3A_308 = tpu.vector_load %arg6[%get3A_306, %get3A_307] {strides = array<i32>} : memref<64x64xf32, #tpu.memory_space<vmem>>, vector<16xf32>,
        %broadcast_in_dim3A_309 = arith.constant 1 : i32
        %broadcast_in_dim3A_310 = vector.broadcast %broadcast_in_dim3A_309 : i32 to vector<16xi32>
        %mul3A_311 = vector.broadcast %add3A_305 : i32 to vector<16xi32>
        %mul3A_312 = arith.muli %broadcast_in_dim3A_310, %mul3A_311 : vector<16xi32>
        %gt3A_313 = arith.cmpf ogt, %get3A_308, %select_n3A_301 : vector<16xf32>
        %not3A_314 = arith.constant dense<true> : vector<16xi1>
        %not3A_315 = arith.xori %gt3A_313, %not3A_314 : vector<16xi1>
        %gt3A_316 = arith.cmpf ogt, %get3A_308, %select_n3A_297 : vector<16xf32>
        %and3A_317 = arith.andi %not3A_315, %gt3A_316 : vector<16xi1>
        %select_n3A_318 = arith.select %and3A_317, %get3A_308, %select_n3A_297 : vector<16xi1>, vector<16xf32>
        %select_n3A_319 = arith.select %gt3A_313, %select_n3A_301, %select_n3A_318 : vector<16xi1>, vector<16xf32>
        %select_n3A_320 = arith.select %and3A_317, %mul3A_312, %select_n3A_299 : vector<16xi1>, vector<16xi32>
        %select_n3A_321 = arith.select %gt3A_313, %select_n3A_300, %select_n3A_320 : vector<16xi1>, vector<16xi32>
        %select_n3A_322 = arith.select %gt3A_313, %mul3A_312, %select_n3A_300 : vector<16xi1>, vector<16xi32>
        %select_n3A_323 = arith.select %gt3A_313, %get3A_308, %select_n3A_301 : vector<16xi1>, vector<16xf32>
        %mul3A_324 = arith.constant 8 : i32
        %mul3A_325 = arith.muli %scan3A_254, %mul3A_324 : i32
        %add3A_326 = arith.constant 3 : i32
        %add3A_327 = arith.addi %mul3A_325, %add3A_326 : i32
        %get3A_328 = arith.index_cast %add3A_327 : i32 to index
        %get3A_329 = arith.constant 48 : index
        %get3A_330 = tpu.vector_load %arg6[%get3A_328, %get3A_329] {strides = array<i32>} : memref<64x64xf32, #tpu.memory_space<vmem>>, vector<16xf32>,
        %broadcast_in_dim3A_331 = arith.constant 1 : i32
        %broadcast_in_dim3A_332 = vector.broadcast %broadcast_in_dim3A_331 : i32 to vector<16xi32>
        %mul3A_333 = vector.broadcast %add3A_327 : i32 to vector<16xi32>
        %mul3A_334 = arith.muli %broadcast_in_dim3A_332, %mul3A_333 : vector<16xi32>
        %gt3A_335 = arith.cmpf ogt, %get3A_330, %select_n3A_323 : vector<16xf32>
        %not3A_336 = arith.constant dense<true> : vector<16xi1>
        %not3A_337 = arith.xori %gt3A_335, %not3A_336 : vector<16xi1>
        %gt3A_338 = arith.cmpf ogt, %get3A_330, %select_n3A_319 : vector<16xf32>
        %and3A_339 = arith.andi %not3A_337, %gt3A_338 : vector<16xi1>
        %select_n3A_340 = arith.select %and3A_339, %get3A_330, %select_n3A_319 : vector<16xi1>, vector<16xf32>
        %select_n3A_341 = arith.select %gt3A_335, %select_n3A_323, %select_n3A_340 : vector<16xi1>, vector<16xf32>
        %select_n3A_342 = arith.select %and3A_339, %mul3A_334, %select_n3A_321 : vector<16xi1>, vector<16xi32>
        %select_n3A_343 = arith.select %gt3A_335, %select_n3A_322, %select_n3A_342 : vector<16xi1>, vector<16xi32>
        %select_n3A_344 = arith.select %gt3A_335, %mul3A_334, %select_n3A_322 : vector<16xi1>, vector<16xi32>
        %select_n3A_345 = arith.select %gt3A_335, %get3A_330, %select_n3A_323 : vector<16xi1>, vector<16xf32>
        %mul3A_346 = arith.constant 8 : i32
        %mul3A_347 = arith.muli %scan3A_254, %mul3A_346 : i32
        %add3A_348 = arith.constant 4 : i32
        %add3A_349 = arith.addi %mul3A_347, %add3A_348 : i32
        %get3A_350 = arith.index_cast %add3A_349 : i32 to index
        %get3A_351 = arith.constant 48 : index
        %get3A_352 = tpu.vector_load %arg6[%get3A_350, %get3A_351] {strides = array<i32>} : memref<64x64xf32, #tpu.memory_space<vmem>>, vector<16xf32>,
        %broadcast_in_dim3A_353 = arith.constant 1 : i32
        %broadcast_in_dim3A_354 = vector.broadcast %broadcast_in_dim3A_353 : i32 to vector<16xi32>
        %mul3A_355 = vector.broadcast %add3A_349 : i32 to vector<16xi32>
        %mul3A_356 = arith.muli %broadcast_in_dim3A_354, %mul3A_355 : vector<16xi32>
        %gt3A_357 = arith.cmpf ogt, %get3A_352, %select_n3A_345 : vector<16xf32>
        %not3A_358 = arith.constant dense<true> : vector<16xi1>
        %not3A_359 = arith.xori %gt3A_357, %not3A_358 : vector<16xi1>
        %gt3A_360 = arith.cmpf ogt, %get3A_352, %select_n3A_341 : vector<16xf32>
        %and3A_361 = arith.andi %not3A_359, %gt3A_360 : vector<16xi1>
        %select_n3A_362 = arith.select %and3A_361, %get3A_352, %select_n3A_341 : vector<16xi1>, vector<16xf32>
        %select_n3A_363 = arith.select %gt3A_357, %select_n3A_345, %select_n3A_362 : vector<16xi1>, vector<16xf32>
        %select_n3A_364 = arith.select %and3A_361, %mul3A_356, %select_n3A_343 : vector<16xi1>, vector<16xi32>
        %select_n3A_365 = arith.select %gt3A_357, %select_n3A_344, %select_n3A_364 : vector<16xi1>, vector<16xi32>
        %select_n3A_366 = arith.select %gt3A_357, %mul3A_356, %select_n3A_344 : vector<16xi1>, vector<16xi32>
        %select_n3A_367 = arith.select %gt3A_357, %get3A_352, %select_n3A_345 : vector<16xi1>, vector<16xf32>
        %mul3A_368 = arith.constant 8 : i32
        %mul3A_369 = arith.muli %scan3A_254, %mul3A_368 : i32
        %add3A_370 = arith.constant 5 : i32
        %add3A_371 = arith.addi %mul3A_369, %add3A_370 : i32
        %get3A_372 = arith.index_cast %add3A_371 : i32 to index
        %get3A_373 = arith.constant 48 : index
        %get3A_374 = tpu.vector_load %arg6[%get3A_372, %get3A_373] {strides = array<i32>} : memref<64x64xf32, #tpu.memory_space<vmem>>, vector<16xf32>,
        %broadcast_in_dim3A_375 = arith.constant 1 : i32
        %broadcast_in_dim3A_376 = vector.broadcast %broadcast_in_dim3A_375 : i32 to vector<16xi32>
        %mul3A_377 = vector.broadcast %add3A_371 : i32 to vector<16xi32>
        %mul3A_378 = arith.muli %broadcast_in_dim3A_376, %mul3A_377 : vector<16xi32>
        %gt3A_379 = arith.cmpf ogt, %get3A_374, %select_n3A_367 : vector<16xf32>
        %not3A_380 = arith.constant dense<true> : vector<16xi1>
        %not3A_381 = arith.xori %gt3A_379, %not3A_380 : vector<16xi1>
        %gt3A_382 = arith.cmpf ogt, %get3A_374, %select_n3A_363 : vector<16xf32>
        %and3A_383 = arith.andi %not3A_381, %gt3A_382 : vector<16xi1>
        %select_n3A_384 = arith.select %and3A_383, %get3A_374, %select_n3A_363 : vector<16xi1>, vector<16xf32>
        %select_n3A_385 = arith.select %gt3A_379, %select_n3A_367, %select_n3A_384 : vector<16xi1>, vector<16xf32>
        %select_n3A_386 = arith.select %and3A_383, %mul3A_378, %select_n3A_365 : vector<16xi1>, vector<16xi32>
        %select_n3A_387 = arith.select %gt3A_379, %select_n3A_366, %select_n3A_386 : vector<16xi1>, vector<16xi32>
        %select_n3A_388 = arith.select %gt3A_379, %mul3A_378, %select_n3A_366 : vector<16xi1>, vector<16xi32>
        %select_n3A_389 = arith.select %gt3A_379, %get3A_374, %select_n3A_367 : vector<16xi1>, vector<16xf32>
        %mul3A_390 = arith.constant 8 : i32
        %mul3A_391 = arith.muli %scan3A_254, %mul3A_390 : i32
        %add3A_392 = arith.constant 6 : i32
        %add3A_393 = arith.addi %mul3A_391, %add3A_392 : i32
        %get3A_394 = arith.index_cast %add3A_393 : i32 to index
        %get3A_395 = arith.constant 48 : index
        %get3A_396 = tpu.vector_load %arg6[%get3A_394, %get3A_395] {strides = array<i32>} : memref<64x64xf32, #tpu.memory_space<vmem>>, vector<16xf32>,
        %broadcast_in_dim3A_397 = arith.constant 1 : i32
        %broadcast_in_dim3A_398 = vector.broadcast %broadcast_in_dim3A_397 : i32 to vector<16xi32>
        %mul3A_399 = vector.broadcast %add3A_393 : i32 to vector<16xi32>
        %mul3A_400 = arith.muli %broadcast_in_dim3A_398, %mul3A_399 : vector<16xi32>
        %gt3A_401 = arith.cmpf ogt, %get3A_396, %select_n3A_389 : vector<16xf32>
        %not3A_402 = arith.constant dense<true> : vector<16xi1>
        %not3A_403 = arith.xori %gt3A_401, %not3A_402 : vector<16xi1>
        %gt3A_404 = arith.cmpf ogt, %get3A_396, %select_n3A_385 : vector<16xf32>
        %and3A_405 = arith.andi %not3A_403, %gt3A_404 : vector<16xi1>
        %select_n3A_406 = arith.select %and3A_405, %get3A_396, %select_n3A_385 : vector<16xi1>, vector<16xf32>
        %select_n3A_407 = arith.select %gt3A_401, %select_n3A_389, %select_n3A_406 : vector<16xi1>, vector<16xf32>
        %select_n3A_408 = arith.select %and3A_405, %mul3A_400, %select_n3A_387 : vector<16xi1>, vector<16xi32>
        %select_n3A_409 = arith.select %gt3A_401, %select_n3A_388, %select_n3A_408 : vector<16xi1>, vector<16xi32>
        %select_n3A_410 = arith.select %gt3A_401, %mul3A_400, %select_n3A_388 : vector<16xi1>, vector<16xi32>
        %select_n3A_411 = arith.select %gt3A_401, %get3A_396, %select_n3A_389 : vector<16xi1>, vector<16xf32>
        %mul3A_412 = arith.constant 8 : i32
        %mul3A_413 = arith.muli %scan3A_254, %mul3A_412 : i32
        %add3A_414 = arith.constant 7 : i32
        %add3A_415 = arith.addi %mul3A_413, %add3A_414 : i32
        %get3A_416 = arith.index_cast %add3A_415 : i32 to index
        %get3A_417 = arith.constant 48 : index
        %get3A_418 = tpu.vector_load %arg6[%get3A_416, %get3A_417] {strides = array<i32>} : memref<64x64xf32, #tpu.memory_space<vmem>>, vector<16xf32>,
        %broadcast_in_dim3A_419 = arith.constant 1 : i32
        %broadcast_in_dim3A_420 = vector.broadcast %broadcast_in_dim3A_419 : i32 to vector<16xi32>
        %mul3A_421 = vector.broadcast %add3A_415 : i32 to vector<16xi32>
        %mul3A_422 = arith.muli %broadcast_in_dim3A_420, %mul3A_421 : vector<16xi32>
        %gt3A_423 = arith.cmpf ogt, %get3A_418, %select_n3A_411 : vector<16xf32>
        %not3A_424 = arith.constant dense<true> : vector<16xi1>
        %not3A_425 = arith.xori %gt3A_423, %not3A_424 : vector<16xi1>
        %gt3A_426 = arith.cmpf ogt, %get3A_418, %select_n3A_407 : vector<16xf32>
        %and3A_427 = arith.andi %not3A_425, %gt3A_426 : vector<16xi1>
        %select_n3A_428 = arith.select %and3A_427, %get3A_418, %select_n3A_407 : vector<16xi1>, vector<16xf32>
        %select_n3A_429 = arith.select %gt3A_423, %select_n3A_411, %select_n3A_428 : vector<16xi1>, vector<16xf32>
        %select_n3A_430 = arith.select %and3A_427, %mul3A_422, %select_n3A_409 : vector<16xi1>, vector<16xi32>
        %select_n3A_431 = arith.select %gt3A_423, %select_n3A_410, %select_n3A_430 : vector<16xi1>, vector<16xi32>
        %select_n3A_432 = arith.select %gt3A_423, %mul3A_422, %select_n3A_410 : vector<16xi1>, vector<16xi32>
        %select_n3A_433 = arith.select %gt3A_423, %get3A_418, %select_n3A_411 : vector<16xi1>, vector<16xf32>
        scf.yield %select_n3A_433, %select_n3A_432, %select_n3A_429, %select_n3A_431 : vector<16xf32>, vector<16xi32>, vector<16xf32>, vector<16xi32>
      }
      %scan3A_125 = arith.constant 8 : i32
      %sub3A_126 = arith.subf %scan3A_124#2, %scan3A_124#0 : vector<16xf32>
      %exp3A_127 = math.exp %sub3A_126 : vector<16xf32>
      %add3A_128 = arith.constant 1.000000e+00 : f32
      %add3A_129 = vector.broadcast %add3A_128 : f32 to vector<16xf32>
      %add3A_130 = arith.addf %add3A_129, %exp3A_127 : vector<16xf32>
      %div3A_131 = arith.constant 1.000000e+00 : f32
      %div3A_132 = vector.broadcast %div3A_131 : f32 to vector<16xf32>
      %div3A_133 = arith.divf %div3A_132, %add3A_130 : vector<16xf32>
      %add3A_134 = arith.constant 1.000000e+00 : f32
      %add3A_135 = vector.broadcast %add3A_134 : f32 to vector<16xf32>
      %add3A_136 = arith.addf %add3A_135, %exp3A_127 : vector<16xf32>
      %div3A_137 = arith.divf %exp3A_127, %add3A_136 : vector<16xf32>
      %iota3A_138 = tpu.iota {dimensions = array<i32: 0>} : vector<16xi32>
      %add3A_139 = arith.constant 48 : i32
      %add3A_140 = vector.broadcast %add3A_139 : i32 to vector<16xi32>
      %add3A_141 = arith.addi %iota3A_138, %add3A_140 : vector<16xi32>
      %mul3A_142 = arith.constant 64 : i32
      %mul3A_143 = vector.broadcast %mul3A_142 : i32 to vector<16xi32>
      %mul3A_144 = arith.muli %add3A_141, %mul3A_143 : vector<16xi32>
      %add3A_145 = arith.addi %mul3A_144, %scan3A_124#1 : vector<16xi32>
      tpu.vector_store_idx %arg7[%add3A_145], %div3A_133 : memref<4096xf32, #tpu.memory_space<vmem>>[vector<16xi32>], vector<16xf32>,
      %add3A_146 = arith.addi %mul3A_144, %scan3A_124#3 : vector<16xi32>
      tpu.vector_store_idx %arg7[%add3A_146], %div3A_137 : memref<4096xf32, #tpu.memory_space<vmem>>[vector<16xi32>], vector<16xf32>,
      tpu.vector_store_idx %arg8[%scan3A_124#1], %broadcast_in_dim3A_28 : memref<64xi32, #tpu.memory_space<vmem>>[vector<16xi32>], vector<16xi32>,
      tpu.vector_store_idx %arg8[%scan3A_124#3], %broadcast_in_dim3A_28 : memref<64xi32, #tpu.memory_space<vmem>>[vector<16xi32>], vector<16xi32>,
      %get3A = arith.constant 0 : index
      %get3A_147 = tpu.vector_load %arg8[%get3A] {strides = array<i32>} : memref<64xi32, #tpu.memory_space<vmem>>, vector<16xi32>,
      %gt3A = arith.constant 0 : i32
      %gt3A_148 = vector.broadcast %gt3A : i32 to vector<16xi32>
      %gt3A_149 = arith.cmpi sgt, %get3A_147, %gt3A_148 : vector<16xi32>
      %jit3A = arith.constant 1 : i32
      %jit3A_150 = arith.constant 0 : i32
      %broadcast_in_dim3A_151 = vector.broadcast %jit3A : i32 to vector<16xi32>
      %broadcast_in_dim3A_152 = vector.broadcast %jit3A_150 : i32 to vector<16xi32>
      %select_n3A = arith.select %gt3A_149, %broadcast_in_dim3A_151, %broadcast_in_dim3A_152 : vector<16xi1>, vector<16xi32>
      %broadcast_in_dim3A_153 = arith.constant true
      %broadcast_in_dim3A_154 = vector.broadcast %broadcast_in_dim3A_153 : i1 to vector<16xi1>
      %masked_cumsum3A = tpu.scan <sum>, %select_n3A masked %broadcast_in_dim3A_154 : vector<16xi32>, vector<16xi1> -> vector<16xi32>
      %sub3A_155 = arith.constant 1 : i32
      %sub3A_156 = vector.broadcast %sub3A_155 : i32 to vector<16xi32>
      %sub3A_157 = arith.subi %masked_cumsum3A, %sub3A_156 : vector<16xi32>
      %add3A_158 = arith.constant 0 : i32
      %add3A_159 = vector.broadcast %add3A_158 : i32 to vector<16xi32>
      %add3A_160 = arith.addi %sub3A_157, %add3A_159 : vector<16xi32>
      %iota3A_161 = tpu.iota {dimensions = array<i32: 0>} : vector<16xi32>
      %add3A_162 = arith.constant 0 : i32
      %add3A_163 = vector.broadcast %add3A_162 : i32 to vector<16xi32>
      %add3A_164 = arith.addi %iota3A_161, %add3A_163 : vector<16xi32>
      tpu.vector_store_idx %arg9[%add3A_160], %add3A_164 masked %gt3A_149 : memref<64xi32, #tpu.memory_space<vmem>>[vector<16xi32>], vector<16xi32>, vector<16xi1>
      %reduce_sum3A = arith.constant true
      %reduce_sum3A_165 = vector.broadcast %reduce_sum3A : i1 to vector<16xi1>
      %reduce_sum3A_166 = tpu.scan <sum>, %select_n3A masked %reduce_sum3A_165 : vector<16xi32>, vector<16xi1> -> vector<16xi32>
      %reduce_sum3A_167 = vector.extract %reduce_sum3A_166[15] : i32 from vector<16xi32>
      %add3A_168 = arith.constant 0 : i32
      %add3A_169 = arith.addi %add3A_168, %reduce_sum3A_167 : i32
      %get3A_170 = arith.constant 16 : index
      %get3A_171 = tpu.vector_load %arg8[%get3A_170] {strides = array<i32>} : memref<64xi32, #tpu.memory_space<vmem>>, vector<16xi32>,
      %gt3A_172 = arith.constant 0 : i32
      %gt3A_173 = vector.broadcast %gt3A_172 : i32 to vector<16xi32>
      %gt3A_174 = arith.cmpi sgt, %get3A_171, %gt3A_173 : vector<16xi32>
      %jit3A_175 = arith.constant 1 : i32
      %jit3A_176 = arith.constant 0 : i32
      %broadcast_in_dim3A_177 = vector.broadcast %jit3A_175 : i32 to vector<16xi32>
      %broadcast_in_dim3A_178 = vector.broadcast %jit3A_176 : i32 to vector<16xi32>
      %select_n3A_179 = arith.select %gt3A_174, %broadcast_in_dim3A_177, %broadcast_in_dim3A_178 : vector<16xi1>, vector<16xi32>
      %broadcast_in_dim3A_180 = arith.constant true
      %broadcast_in_dim3A_181 = vector.broadcast %broadcast_in_dim3A_180 : i1 to vector<16xi1>
      %masked_cumsum3A_182 = tpu.scan <sum>, %select_n3A_179 masked %broadcast_in_dim3A_181 : vector<16xi32>, vector<16xi1> -> vector<16xi32>
      %sub3A_183 = arith.constant 1 : i32
      %sub3A_184 = vector.broadcast %sub3A_183 : i32 to vector<16xi32>
      %sub3A_185 = arith.subi %masked_cumsum3A_182, %sub3A_184 : vector<16xi32>
      %add3A_186 = vector.broadcast %add3A_169 : i32 to vector<16xi32>
      %add3A_187 = arith.addi %sub3A_185, %add3A_186 : vector<16xi32>
      %iota3A_188 = tpu.iota {dimensions = array<i32: 0>} : vector<16xi32>
      %add3A_189 = arith.constant 16 : i32
      %add3A_190 = vector.broadcast %add3A_189 : i32 to vector<16xi32>
      %add3A_191 = arith.addi %iota3A_188, %add3A_190 : vector<16xi32>
      tpu.vector_store_idx %arg9[%add3A_187], %add3A_191 masked %gt3A_174 : memref<64xi32, #tpu.memory_space<vmem>>[vector<16xi32>], vector<16xi32>, vector<16xi1>
      %reduce_sum3A_192 = arith.constant true
      %reduce_sum3A_193 = vector.broadcast %reduce_sum3A_192 : i1 to vector<16xi1>
      %reduce_sum3A_194 = tpu.scan <sum>, %select_n3A_179 masked %reduce_sum3A_193 : vector<16xi32>, vector<16xi1> -> vector<16xi32>
      %reduce_sum3A_195 = vector.extract %reduce_sum3A_194[15] : i32 from vector<16xi32>
      %add3A_196 = arith.addi %add3A_169, %reduce_sum3A_195 : i32
      %get3A_197 = arith.constant 32 : index
      %get3A_198 = tpu.vector_load %arg8[%get3A_197] {strides = array<i32>} : memref<64xi32, #tpu.memory_space<vmem>>, vector<16xi32>,
      %gt3A_199 = arith.constant 0 : i32
      %gt3A_200 = vector.broadcast %gt3A_199 : i32 to vector<16xi32>
      %gt3A_201 = arith.cmpi sgt, %get3A_198, %gt3A_200 : vector<16xi32>
      %jit3A_202 = arith.constant 1 : i32
      %jit3A_203 = arith.constant 0 : i32
      %broadcast_in_dim3A_204 = vector.broadcast %jit3A_202 : i32 to vector<16xi32>
      %broadcast_in_dim3A_205 = vector.broadcast %jit3A_203 : i32 to vector<16xi32>
      %select_n3A_206 = arith.select %gt3A_201, %broadcast_in_dim3A_204, %broadcast_in_dim3A_205 : vector<16xi1>, vector<16xi32>
      %broadcast_in_dim3A_207 = arith.constant true
      %broadcast_in_dim3A_208 = vector.broadcast %broadcast_in_dim3A_207 : i1 to vector<16xi1>
      %masked_cumsum3A_209 = tpu.scan <sum>, %select_n3A_206 masked %broadcast_in_dim3A_208 : vector<16xi32>, vector<16xi1> -> vector<16xi32>
      %sub3A_210 = arith.constant 1 : i32
      %sub3A_211 = vector.broadcast %sub3A_210 : i32 to vector<16xi32>
      %sub3A_212 = arith.subi %masked_cumsum3A_209, %sub3A_211 : vector<16xi32>
      %add3A_213 = vector.broadcast %add3A_196 : i32 to vector<16xi32>
      %add3A_214 = arith.addi %sub3A_212, %add3A_213 : vector<16xi32>
      %iota3A_215 = tpu.iota {dimensions = array<i32: 0>} : vector<16xi32>
      %add3A_216 = arith.constant 32 : i32
      %add3A_217 = vector.broadcast %add3A_216 : i32 to vector<16xi32>
      %add3A_218 = arith.addi %iota3A_215, %add3A_217 : vector<16xi32>
      tpu.vector_store_idx %arg9[%add3A_214], %add3A_218 masked %gt3A_201 : memref<64xi32, #tpu.memory_space<vmem>>[vector<16xi32>], vector<16xi32>, vector<16xi1>
      %reduce_sum3A_219 = arith.constant true
      %reduce_sum3A_220 = vector.broadcast %reduce_sum3A_219 : i1 to vector<16xi1>
      %reduce_sum3A_221 = tpu.scan <sum>, %select_n3A_206 masked %reduce_sum3A_220 : vector<16xi32>, vector<16xi1> -> vector<16xi32>
      %reduce_sum3A_222 = vector.extract %reduce_sum3A_221[15] : i32 from vector<16xi32>
      %add3A_223 = arith.addi %add3A_196, %reduce_sum3A_222 : i32
      %get3A_224 = arith.constant 48 : index
      %get3A_225 = tpu.vector_load %arg8[%get3A_224] {strides = array<i32>} : memref<64xi32, #tpu.memory_space<vmem>>, vector<16xi32>,
      %gt3A_226 = arith.constant 0 : i32
      %gt3A_227 = vector.broadcast %gt3A_226 : i32 to vector<16xi32>
      %gt3A_228 = arith.cmpi sgt, %get3A_225, %gt3A_227 : vector<16xi32>
      %jit3A_229 = arith.constant 1 : i32
      %jit3A_230 = arith.constant 0 : i32
      %broadcast_in_dim3A_231 = vector.broadcast %jit3A_229 : i32 to vector<16xi32>
      %broadcast_in_dim3A_232 = vector.broadcast %jit3A_230 : i32 to vector<16xi32>
      %select_n3A_233 = arith.select %gt3A_228, %broadcast_in_dim3A_231, %broadcast_in_dim3A_232 : vector<16xi1>, vector<16xi32>
      %broadcast_in_dim3A_234 = arith.constant true
      %broadcast_in_dim3A_235 = vector.broadcast %broadcast_in_dim3A_234 : i1 to vector<16xi1>
      %masked_cumsum3A_236 = tpu.scan <sum>, %select_n3A_233 masked %broadcast_in_dim3A_235 : vector<16xi32>, vector<16xi1> -> vector<16xi32>
      %sub3A_237 = arith.constant 1 : i32
      %sub3A_238 = vector.broadcast %sub3A_237 : i32 to vector<16xi32>
      %sub3A_239 = arith.subi %masked_cumsum3A_236, %sub3A_238 : vector<16xi32>
      %add3A_240 = vector.broadcast %add3A_223 : i32 to vector<16xi32>
      %add3A_241 = arith.addi %sub3A_239, %add3A_240 : vector<16xi32>
      %iota3A_242 = tpu.iota {dimensions = array<i32: 0>} : vector<16xi32>
      %add3A_243 = arith.constant 48 : i32
      %add3A_244 = vector.broadcast %add3A_243 : i32 to vector<16xi32>
      %add3A_245 = arith.addi %iota3A_242, %add3A_244 : vector<16xi32>
      tpu.vector_store_idx %arg9[%add3A_241], %add3A_245 masked %gt3A_228 : memref<64xi32, #tpu.memory_space<vmem>>[vector<16xi32>], vector<16xi32>, vector<16xi1>
      %reduce_sum3A_246 = arith.constant true
      %reduce_sum3A_247 = vector.broadcast %reduce_sum3A_246 : i1 to vector<16xi1>
      %reduce_sum3A_248 = tpu.scan <sum>, %select_n3A_233 masked %reduce_sum3A_247 : vector<16xi32>, vector<16xi1> -> vector<16xi32>
      %reduce_sum3A_249 = vector.extract %reduce_sum3A_248[15] : i32 from vector<16xi32>
      %add3A_250 = arith.addi %add3A_223, %reduce_sum3A_249 : i32
      %broadcast_in_dim3A_251 = vector.broadcast %add3A_250 : i32 to vector<16xi32>
      %swap3A_252 = arith.constant 0 : index
      %swap3A_253 = tpu.vector_load %arg10[%swap3A_252] {strides = array<i32>} : memref<16xi32, #tpu.memory_space<vmem>>, vector<16xi32>,
      tpu.vector_store %arg10[%swap3A_252], %broadcast_in_dim3A_251 {strides = array<i32>} : memref<16xi32, #tpu.memory_space<vmem>>, vector<16xi32>,
      "tpu.region"() ({
        %run_scoped3A = tpu.sem_alloc : memref<!tpu.dma_semaphore, #tpu.memory_space<semaphore_mem>>
        tpu.enqueue_dma source(%arg7 : memref<4096xf32, #tpu.memory_space<vmem>>) target(%arg3 : memref<4096xf32, #tpu.memory_space<hbm>>) target_semaphore(%run_scoped3A : memref<!tpu.dma_semaphore, #tpu.memory_space<semaphore_mem>>)
        tpu.wait_dma2 semaphore(%run_scoped3A : memref<!tpu.dma_semaphore, #tpu.memory_space<semaphore_mem>>) src(%arg7 : memref<4096xf32, #tpu.memory_space<vmem>>) dst(%arg3 : memref<4096xf32, #tpu.memory_space<hbm>>)
        tpu.yield
      }) : () -> ()
      "tpu.region"() ({
        %run_scoped3A = tpu.sem_alloc : memref<!tpu.dma_semaphore, #tpu.memory_space<semaphore_mem>>
        tpu.enqueue_dma source(%arg9 : memref<64xi32, #tpu.memory_space<vmem>>) target(%arg4 : memref<64xi32, #tpu.memory_space<hbm>>) target_semaphore(%run_scoped3A : memref<!tpu.dma_semaphore, #tpu.memory_space<semaphore_mem>>)
        tpu.wait_dma2 semaphore(%run_scoped3A : memref<!tpu.dma_semaphore, #tpu.memory_space<semaphore_mem>>) src(%arg9 : memref<64xi32, #tpu.memory_space<vmem>>) dst(%arg4 : memref<64xi32, #tpu.memory_space<hbm>>)
        tpu.yield
      }) : () -> ()
      "tpu.region"() ({
        %run_scoped3A = tpu.sem_alloc : memref<!tpu.dma_semaphore, #tpu.memory_space<semaphore_mem>>
        tpu.enqueue_dma source(%arg10 : memref<16xi32, #tpu.memory_space<vmem>>) target(%arg5 : memref<16xi32, #tpu.memory_space<hbm>>) target_semaphore(%run_scoped3A : memref<!tpu.dma_semaphore, #tpu.memory_space<semaphore_mem>>)
        tpu.wait_dma2 semaphore(%run_scoped3A : memref<!tpu.dma_semaphore, #tpu.memory_space<semaphore_mem>>) src(%arg10 : memref<16xi32, #tpu.memory_space<vmem>>) dst(%arg5 : memref<16xi32, #tpu.memory_space<hbm>>)
        tpu.yield
      }) : () -> ()
    } else {
    }
    return
  }
}

module attributes {stable_mosaic.version = 14 : i64} {
  func.func @_moe_body(%arg0: memref<64xi32, #tpu.memory_space<smem>>, %arg1: memref<16xi32, #tpu.memory_space<smem>>, %arg2: memref<64x1024xf32, #tpu.memory_space<vmem>>, %arg3: memref<64x64xf32, #tpu.memory_space<vmem>>, %arg4: memref<64xf32, #tpu.memory_space<smem>>, %arg5: memref<64xf32, #tpu.memory_space<smem>>, %arg6: memref<1xf32, #tpu.memory_space<smem>>, %arg7: memref<1xf32, #tpu.memory_space<smem>>, %arg8: memref<64x1024x1024xf32, #tpu.memory_space<hbm>>, %arg9: memref<64x1024x512xf32, #tpu.memory_space<hbm>>, %arg10: memref<64x1024xf32, #tpu.memory_space<vmem>>, %arg11: memref<3x1024x1024xf32, #tpu.memory_space<vmem>>, %arg12: memref<3x1024x512xf32, #tpu.memory_space<vmem>>, %arg13: memref<3x!tpu.dma_semaphore, #tpu.memory_space<semaphore_mem>>, %arg14: memref<3x!tpu.dma_semaphore, #tpu.memory_space<semaphore_mem>>) attributes {dimension_semantics = [], scalar_prefetch = 0 : i64, scratch_operands = 4 : i64, tpu.core_type = #tpu.core_type<tc>} {
    %get3A = arith.constant 0 : index
    %get3A_0 = memref.load %arg1[%get3A] : memref<16xi32, #tpu.memory_space<smem>>
    %gt3A = arith.constant 0 : i32
    %gt3A_1 = arith.cmpi sgt, %get3A_0, %gt3A : i32
    %convert_element_type3A = arith.extui %gt3A_1 : i1 to i32
    %cond3A = arith.constant 0 : i32
    %cond3A_2 = arith.cmpi ne, %convert_element_type3A, %cond3A : i32
    scf.if %cond3A_2 {
      %get3A_42 = arith.constant 0 : index
      %get3A_43 = memref.load %arg0[%get3A_42] : memref<64xi32, #tpu.memory_space<smem>>
      %dma_start3A = arith.constant 0 : i32
      %dma_start3A_44 = arith.constant 0 : i32
      %dma_start3A_45 = tpu.memref_slice %arg13[%dma_start3A_44] : memref<3x!tpu.dma_semaphore, #tpu.memory_space<semaphore_mem>> -> memref<1x!tpu.dma_semaphore, #tpu.memory_space<semaphore_mem>>
      %dma_start3A_46 = tpu.memref_squeeze %dma_start3A_45 : memref<1x!tpu.dma_semaphore, #tpu.memory_space<semaphore_mem>> -> memref<!tpu.dma_semaphore, #tpu.memory_space<semaphore_mem>>
      %dma_start3A_47 = arith.constant 0 : i32
      %dma_start3A_48 = arith.constant 0 : i32
      %dma_start3A_49 = tpu.memref_slice %arg11[%dma_start3A, %dma_start3A_47, %dma_start3A_48] : memref<3x1024x1024xf32, #tpu.memory_space<vmem>> -> memref<1x1024x1024xf32, #tpu.memory_space<vmem>>
      %dma_start3A_50 = tpu.memref_squeeze %dma_start3A_49 : memref<1x1024x1024xf32, #tpu.memory_space<vmem>> -> memref<1024x1024xf32, #tpu.memory_space<vmem>>
      %dma_start3A_51 = arith.constant 0 : i32
      %dma_start3A_52 = arith.constant 0 : i32
      %dma_start3A_53 = tpu.memref_slice %arg8[%get3A_43, %dma_start3A_51, %dma_start3A_52] : memref<64x1024x1024xf32, #tpu.memory_space<hbm>> -> memref<1x1024x1024xf32, #tpu.memory_space<hbm>>
      %dma_start3A_54 = tpu.memref_squeeze %dma_start3A_53 : memref<1x1024x1024xf32, #tpu.memory_space<hbm>> -> memref<1024x1024xf32, #tpu.memory_space<hbm>>
      tpu.enqueue_dma source(%dma_start3A_54 : memref<1024x1024xf32, #tpu.memory_space<hbm>>) target(%dma_start3A_50 : memref<1024x1024xf32, #tpu.memory_space<vmem>>) target_semaphore(%dma_start3A_46 : memref<!tpu.dma_semaphore, #tpu.memory_space<semaphore_mem>>)
      %dma_start3A_55 = arith.constant 0 : i32
      %dma_start3A_56 = arith.constant 0 : i32
      %dma_start3A_57 = tpu.memref_slice %arg14[%dma_start3A_56] : memref<3x!tpu.dma_semaphore, #tpu.memory_space<semaphore_mem>> -> memref<1x!tpu.dma_semaphore, #tpu.memory_space<semaphore_mem>>
      %dma_start3A_58 = tpu.memref_squeeze %dma_start3A_57 : memref<1x!tpu.dma_semaphore, #tpu.memory_space<semaphore_mem>> -> memref<!tpu.dma_semaphore, #tpu.memory_space<semaphore_mem>>
      %dma_start3A_59 = arith.constant 0 : i32
      %dma_start3A_60 = arith.constant 0 : i32
      %dma_start3A_61 = tpu.memref_slice %arg12[%dma_start3A_55, %dma_start3A_59, %dma_start3A_60] : memref<3x1024x512xf32, #tpu.memory_space<vmem>> -> memref<1x1024x512xf32, #tpu.memory_space<vmem>>
      %dma_start3A_62 = tpu.memref_squeeze %dma_start3A_61 : memref<1x1024x512xf32, #tpu.memory_space<vmem>> -> memref<1024x512xf32, #tpu.memory_space<vmem>>
      %dma_start3A_63 = arith.constant 0 : i32
      %dma_start3A_64 = arith.constant 0 : i32
      %dma_start3A_65 = tpu.memref_slice %arg9[%get3A_43, %dma_start3A_63, %dma_start3A_64] : memref<64x1024x512xf32, #tpu.memory_space<hbm>> -> memref<1x1024x512xf32, #tpu.memory_space<hbm>>
      %dma_start3A_66 = tpu.memref_squeeze %dma_start3A_65 : memref<1x1024x512xf32, #tpu.memory_space<hbm>> -> memref<1024x512xf32, #tpu.memory_space<hbm>>
      tpu.enqueue_dma source(%dma_start3A_66 : memref<1024x512xf32, #tpu.memory_space<hbm>>) target(%dma_start3A_62 : memref<1024x512xf32, #tpu.memory_space<vmem>>) target_semaphore(%dma_start3A_58 : memref<!tpu.dma_semaphore, #tpu.memory_space<semaphore_mem>>)
    } else {
    }
    %gt3A_3 = arith.constant 1 : i32
    %gt3A_4 = arith.cmpi sgt, %get3A_0, %gt3A_3 : i32
    %convert_element_type3A_5 = arith.extui %gt3A_4 : i1 to i32
    %cond3A_6 = arith.constant 0 : i32
    %cond3A_7 = arith.cmpi ne, %convert_element_type3A_5, %cond3A_6 : i32
    scf.if %cond3A_7 {
      %get3A_42 = arith.constant 1 : index
      %get3A_43 = memref.load %arg0[%get3A_42] : memref<64xi32, #tpu.memory_space<smem>>
      %dma_start3A = arith.constant 1 : i32
      %dma_start3A_44 = arith.constant 1 : i32
      %dma_start3A_45 = tpu.memref_slice %arg13[%dma_start3A_44] : memref<3x!tpu.dma_semaphore, #tpu.memory_space<semaphore_mem>> -> memref<1x!tpu.dma_semaphore, #tpu.memory_space<semaphore_mem>>
      %dma_start3A_46 = tpu.memref_squeeze %dma_start3A_45 : memref<1x!tpu.dma_semaphore, #tpu.memory_space<semaphore_mem>> -> memref<!tpu.dma_semaphore, #tpu.memory_space<semaphore_mem>>
      %dma_start3A_47 = arith.constant 0 : i32
      %dma_start3A_48 = arith.constant 0 : i32
      %dma_start3A_49 = tpu.memref_slice %arg11[%dma_start3A, %dma_start3A_47, %dma_start3A_48] : memref<3x1024x1024xf32, #tpu.memory_space<vmem>> -> memref<1x1024x1024xf32, #tpu.memory_space<vmem>>
      %dma_start3A_50 = tpu.memref_squeeze %dma_start3A_49 : memref<1x1024x1024xf32, #tpu.memory_space<vmem>> -> memref<1024x1024xf32, #tpu.memory_space<vmem>>
      %dma_start3A_51 = arith.constant 0 : i32
      %dma_start3A_52 = arith.constant 0 : i32
      %dma_start3A_53 = tpu.memref_slice %arg8[%get3A_43, %dma_start3A_51, %dma_start3A_52] : memref<64x1024x1024xf32, #tpu.memory_space<hbm>> -> memref<1x1024x1024xf32, #tpu.memory_space<hbm>>
      %dma_start3A_54 = tpu.memref_squeeze %dma_start3A_53 : memref<1x1024x1024xf32, #tpu.memory_space<hbm>> -> memref<1024x1024xf32, #tpu.memory_space<hbm>>
      tpu.enqueue_dma source(%dma_start3A_54 : memref<1024x1024xf32, #tpu.memory_space<hbm>>) target(%dma_start3A_50 : memref<1024x1024xf32, #tpu.memory_space<vmem>>) target_semaphore(%dma_start3A_46 : memref<!tpu.dma_semaphore, #tpu.memory_space<semaphore_mem>>)
      %dma_start3A_55 = arith.constant 1 : i32
      %dma_start3A_56 = arith.constant 1 : i32
      %dma_start3A_57 = tpu.memref_slice %arg14[%dma_start3A_56] : memref<3x!tpu.dma_semaphore, #tpu.memory_space<semaphore_mem>> -> memref<1x!tpu.dma_semaphore, #tpu.memory_space<semaphore_mem>>
      %dma_start3A_58 = tpu.memref_squeeze %dma_start3A_57 : memref<1x!tpu.dma_semaphore, #tpu.memory_space<semaphore_mem>> -> memref<!tpu.dma_semaphore, #tpu.memory_space<semaphore_mem>>
      %dma_start3A_59 = arith.constant 0 : i32
      %dma_start3A_60 = arith.constant 0 : i32
      %dma_start3A_61 = tpu.memref_slice %arg12[%dma_start3A_55, %dma_start3A_59, %dma_start3A_60] : memref<3x1024x512xf32, #tpu.memory_space<vmem>> -> memref<1x1024x512xf32, #tpu.memory_space<vmem>>
      %dma_start3A_62 = tpu.memref_squeeze %dma_start3A_61 : memref<1x1024x512xf32, #tpu.memory_space<vmem>> -> memref<1024x512xf32, #tpu.memory_space<vmem>>
      %dma_start3A_63 = arith.constant 0 : i32
      %dma_start3A_64 = arith.constant 0 : i32
      %dma_start3A_65 = tpu.memref_slice %arg9[%get3A_43, %dma_start3A_63, %dma_start3A_64] : memref<64x1024x512xf32, #tpu.memory_space<hbm>> -> memref<1x1024x512xf32, #tpu.memory_space<hbm>>
      %dma_start3A_66 = tpu.memref_squeeze %dma_start3A_65 : memref<1x1024x512xf32, #tpu.memory_space<hbm>> -> memref<1024x512xf32, #tpu.memory_space<hbm>>
      tpu.enqueue_dma source(%dma_start3A_66 : memref<1024x512xf32, #tpu.memory_space<hbm>>) target(%dma_start3A_62 : memref<1024x512xf32, #tpu.memory_space<vmem>>) target_semaphore(%dma_start3A_58 : memref<!tpu.dma_semaphore, #tpu.memory_space<semaphore_mem>>)
    } else {
    }
    %gt3A_8 = arith.constant 2 : i32
    %gt3A_9 = arith.cmpi sgt, %get3A_0, %gt3A_8 : i32
    %convert_element_type3A_10 = arith.extui %gt3A_9 : i1 to i32
    %cond3A_11 = arith.constant 0 : i32
    %cond3A_12 = arith.cmpi ne, %convert_element_type3A_10, %cond3A_11 : i32
    scf.if %cond3A_12 {
      %get3A_42 = arith.constant 2 : index
      %get3A_43 = memref.load %arg0[%get3A_42] : memref<64xi32, #tpu.memory_space<smem>>
      %dma_start3A = arith.constant 2 : i32
      %dma_start3A_44 = arith.constant 2 : i32
      %dma_start3A_45 = tpu.memref_slice %arg13[%dma_start3A_44] : memref<3x!tpu.dma_semaphore, #tpu.memory_space<semaphore_mem>> -> memref<1x!tpu.dma_semaphore, #tpu.memory_space<semaphore_mem>>
      %dma_start3A_46 = tpu.memref_squeeze %dma_start3A_45 : memref<1x!tpu.dma_semaphore, #tpu.memory_space<semaphore_mem>> -> memref<!tpu.dma_semaphore, #tpu.memory_space<semaphore_mem>>
      %dma_start3A_47 = arith.constant 0 : i32
      %dma_start3A_48 = arith.constant 0 : i32
      %dma_start3A_49 = tpu.memref_slice %arg11[%dma_start3A, %dma_start3A_47, %dma_start3A_48] : memref<3x1024x1024xf32, #tpu.memory_space<vmem>> -> memref<1x1024x1024xf32, #tpu.memory_space<vmem>>
      %dma_start3A_50 = tpu.memref_squeeze %dma_start3A_49 : memref<1x1024x1024xf32, #tpu.memory_space<vmem>> -> memref<1024x1024xf32, #tpu.memory_space<vmem>>
      %dma_start3A_51 = arith.constant 0 : i32
      %dma_start3A_52 = arith.constant 0 : i32
      %dma_start3A_53 = tpu.memref_slice %arg8[%get3A_43, %dma_start3A_51, %dma_start3A_52] : memref<64x1024x1024xf32, #tpu.memory_space<hbm>> -> memref<1x1024x1024xf32, #tpu.memory_space<hbm>>
      %dma_start3A_54 = tpu.memref_squeeze %dma_start3A_53 : memref<1x1024x1024xf32, #tpu.memory_space<hbm>> -> memref<1024x1024xf32, #tpu.memory_space<hbm>>
      tpu.enqueue_dma source(%dma_start3A_54 : memref<1024x1024xf32, #tpu.memory_space<hbm>>) target(%dma_start3A_50 : memref<1024x1024xf32, #tpu.memory_space<vmem>>) target_semaphore(%dma_start3A_46 : memref<!tpu.dma_semaphore, #tpu.memory_space<semaphore_mem>>)
      %dma_start3A_55 = arith.constant 2 : i32
      %dma_start3A_56 = arith.constant 2 : i32
      %dma_start3A_57 = tpu.memref_slice %arg14[%dma_start3A_56] : memref<3x!tpu.dma_semaphore, #tpu.memory_space<semaphore_mem>> -> memref<1x!tpu.dma_semaphore, #tpu.memory_space<semaphore_mem>>
      %dma_start3A_58 = tpu.memref_squeeze %dma_start3A_57 : memref<1x!tpu.dma_semaphore, #tpu.memory_space<semaphore_mem>> -> memref<!tpu.dma_semaphore, #tpu.memory_space<semaphore_mem>>
      %dma_start3A_59 = arith.constant 0 : i32
      %dma_start3A_60 = arith.constant 0 : i32
      %dma_start3A_61 = tpu.memref_slice %arg12[%dma_start3A_55, %dma_start3A_59, %dma_start3A_60] : memref<3x1024x512xf32, #tpu.memory_space<vmem>> -> memref<1x1024x512xf32, #tpu.memory_space<vmem>>
      %dma_start3A_62 = tpu.memref_squeeze %dma_start3A_61 : memref<1x1024x512xf32, #tpu.memory_space<vmem>> -> memref<1024x512xf32, #tpu.memory_space<vmem>>
      %dma_start3A_63 = arith.constant 0 : i32
      %dma_start3A_64 = arith.constant 0 : i32
      %dma_start3A_65 = tpu.memref_slice %arg9[%get3A_43, %dma_start3A_63, %dma_start3A_64] : memref<64x1024x512xf32, #tpu.memory_space<hbm>> -> memref<1x1024x512xf32, #tpu.memory_space<hbm>>
      %dma_start3A_66 = tpu.memref_squeeze %dma_start3A_65 : memref<1x1024x512xf32, #tpu.memory_space<hbm>> -> memref<1024x512xf32, #tpu.memory_space<hbm>>
      tpu.enqueue_dma source(%dma_start3A_66 : memref<1024x512xf32, #tpu.memory_space<hbm>>) target(%dma_start3A_62 : memref<1024x512xf32, #tpu.memory_space<vmem>>) target_semaphore(%dma_start3A_58 : memref<!tpu.dma_semaphore, #tpu.memory_space<semaphore_mem>>)
    } else {
    }
    %get3A_13 = arith.constant 0 : index
    %get3A_14 = memref.load %arg6[%get3A_13] : memref<1xf32, #tpu.memory_space<smem>>
    %get3A_15 = arith.constant 0 : index
    %get3A_16 = memref.load %arg7[%get3A_15] : memref<1xf32, #tpu.memory_space<smem>>
    %get3A_17 = arith.constant 0 : index
    %get3A_18 = arith.constant 0 : index
    %get3A_19 = vector.load %arg2[%get3A_17, %get3A_18] : memref<64x1024xf32, #tpu.memory_space<vmem>>, vector<64x1024xf32>
    %div3A = vector.broadcast %get3A_14 : f32 to vector<64x1024xf32>
    %div3A_20 = arith.divf %get3A_19, %div3A : vector<64x1024xf32>
    %jit3A = arith.constant -4.480000e+02 : f32
    %jit3A_21 = arith.constant 4.480000e+02 : f32
    %max3A = vector.broadcast %jit3A : f32 to vector<64x1024xf32>
    %max3A_22 = arith.maximumf %max3A, %div3A_20 : vector<64x1024xf32>
    %min3A = vector.broadcast %jit3A_21 : f32 to vector<64x1024xf32>
    %min3A_23 = arith.minimumf %min3A, %max3A_22 : vector<64x1024xf32>
    %get3A_24 = arith.constant 0 : index
    %get3A_25 = arith.constant 0 : index
    %get3A_26 = vector.load %arg3[%get3A_24, %get3A_25] : memref<64x64xf32, #tpu.memory_space<vmem>>, vector<64x64xf32>
    %iota3A = tpu.iota {dimensions = array<i32: 0>} : vector<64x1xi32>
    %broadcast_in_dim3A = arith.constant 0.000000e+00 : f32
    %broadcast_in_dim3A_27 = vector.broadcast %broadcast_in_dim3A : f32 to vector<64x1024xf32>
    %swap3A = arith.constant 0 : index
    %swap3A_28 = arith.constant 0 : index
    %swap3A_29 = vector.load %arg10[%swap3A, %swap3A_28] : memref<64x1024xf32, #tpu.memory_space<vmem>>, vector<64x1024xf32>
    tpu.vector_store %arg10[%swap3A, %swap3A_28], %broadcast_in_dim3A_27 {strides = array<i32>} : memref<64x1024xf32, #tpu.memory_space<vmem>>, vector<64x1024xf32>,
    %add3A = arith.constant 2 : i32
    %add3A_30 = arith.addi %get3A_0, %add3A : i32
    %div3A_31 = arith.constant 3 : i32
    %div3A_32 = arith.divsi %add3A_30, %div3A_31 : i32
    %while3A = arith.constant 0 : i32
    %while3A_33 = arith.constant 0 : i32
    %while3A_34 = arith.subi %div3A_32, %while3A_33 : i32
    %while3A_35 = arith.addi %while3A_33, %while3A_34 : i32
    %while3A_36 = arith.constant 1 : i32
    %while3A_37 = arith.divsi %while3A_34, %while3A_36 : i32
    %while3A_38 = arith.muli %while3A_37, %while3A_36 : i32
    %while3A_39 = arith.addi %while3A_33, %while3A_38 : i32
    %while3A_40 = arith.constant 1 : i32
    scf.for %while3A_42 = %while3A_33 to %while3A_39 step %while3A_40  : i32 {
      %mul3A = arith.constant 3 : i32
      %mul3A_43 = arith.muli %while3A_42, %mul3A : i32
      %add3A_44 = arith.constant 0 : i32
      %add3A_45 = arith.addi %mul3A_43, %add3A_44 : i32
      %lt3A = arith.cmpi slt, %add3A_45, %get3A_0 : i32
      %convert_element_type3A_46 = arith.extui %lt3A : i1 to i32
      %cond3A_47 = arith.constant 0 : i32
      %cond3A_48 = arith.cmpi ne, %convert_element_type3A_46, %cond3A_47 : i32
      scf.if %cond3A_48 {
        %get3A_61 = arith.index_cast %add3A_45 : i32 to index
        %get3A_62 = memref.load %arg0[%get3A_61] : memref<64xi32, #tpu.memory_space<smem>>
        %get3A_63 = arith.index_cast %add3A_45 : i32 to index
        %get3A_64 = memref.load %arg0[%get3A_63] : memref<64xi32, #tpu.memory_space<smem>>
        %dma_wait3A = arith.constant 0 : i32
        %dma_wait3A_65 = arith.constant 0 : i32
        %dma_wait3A_66 = tpu.memref_slice %arg13[%dma_wait3A_65] : memref<3x!tpu.dma_semaphore, #tpu.memory_space<semaphore_mem>> -> memref<1x!tpu.dma_semaphore, #tpu.memory_space<semaphore_mem>>
        %dma_wait3A_67 = tpu.memref_squeeze %dma_wait3A_66 : memref<1x!tpu.dma_semaphore, #tpu.memory_space<semaphore_mem>> -> memref<!tpu.dma_semaphore, #tpu.memory_space<semaphore_mem>>
        %dma_wait3A_68 = arith.constant 0 : i32
        %dma_wait3A_69 = arith.constant 0 : i32
        %dma_wait3A_70 = tpu.memref_slice %arg11[%dma_wait3A, %dma_wait3A_68, %dma_wait3A_69] : memref<3x1024x1024xf32, #tpu.memory_space<vmem>> -> memref<1x1024x1024xf32, #tpu.memory_space<vmem>>
        %dma_wait3A_71 = tpu.memref_squeeze %dma_wait3A_70 : memref<1x1024x1024xf32, #tpu.memory_space<vmem>> -> memref<1024x1024xf32, #tpu.memory_space<vmem>>
        %dma_wait3A_72 = arith.constant 0 : i32
        %dma_wait3A_73 = arith.constant 0 : i32
        %dma_wait3A_74 = tpu.memref_slice %arg8[%get3A_64, %dma_wait3A_72, %dma_wait3A_73] : memref<64x1024x1024xf32, #tpu.memory_space<hbm>> -> memref<1x1024x1024xf32, #tpu.memory_space<hbm>>
        %dma_wait3A_75 = tpu.memref_squeeze %dma_wait3A_74 : memref<1x1024x1024xf32, #tpu.memory_space<hbm>> -> memref<1024x1024xf32, #tpu.memory_space<hbm>>
        tpu.wait_dma2 semaphore(%dma_wait3A_67 : memref<!tpu.dma_semaphore, #tpu.memory_space<semaphore_mem>>) src(%dma_wait3A_75 : memref<1024x1024xf32, #tpu.memory_space<hbm>>) dst(%dma_wait3A_71 : memref<1024x1024xf32, #tpu.memory_space<vmem>>)
        %get3A_76 = arith.constant 0 : index
        %get3A_77 = arith.constant 0 : index
        %get3A_78 = arith.constant 0 : index
        %get3A_79 = vector.load %arg11[%get3A_76, %get3A_77, %get3A_78] : memref<3x1024x1024xf32, #tpu.memory_space<vmem>>, vector<1x1024x1024xf32>
        %get3A_80 = vector.shape_cast %get3A_79 : vector<1x1024x1024xf32> to vector<1024x1024xf32>
        %dot_general3A = arith.constant dense<0.000000e+00> : vector<64x1024xf32>
        %dot_general3A_81 = tpu.matmul %min3A_23, %get3A_80, %dot_general3A {dimension_numbers = #tpu.dot_dimension_numbers<[1], [1], [0], [0], [0, 0, 1, 0], [], []>, transpose_lhs_hint = false} : vector<64x1024xf32>, vector<1024x1024xf32>, vector<64x1024xf32> -> vector<64x1024xf32>
        %get3A_82 = arith.index_cast %get3A_62 : i32 to index
        %get3A_83 = memref.load %arg4[%get3A_82] : memref<64xf32, #tpu.memory_space<smem>>
        %mul3A_84 = arith.mulf %get3A_14, %get3A_83 : f32
        %mul3A_85 = vector.broadcast %mul3A_84 : f32 to vector<64x1024xf32>
        %mul3A_86 = arith.mulf %dot_general3A_81, %mul3A_85 : vector<64x1024xf32>
        %slice3A = vector.extract_strided_slice %mul3A_86 {offsets = [0, 0], sizes = [64, 512], strides = [1, 1]} : vector<64x1024xf32> to vector<64x512xf32>
        %slice3A_87 = vector.extract_strided_slice %mul3A_86 {offsets = [0, 512], sizes = [64, 512], strides = [1, 1]} : vector<64x1024xf32> to vector<64x512xf32>
        %logistic3A = arith.negf %slice3A : vector<64x512xf32>
        %logistic3A_88 = math.exp %logistic3A : vector<64x512xf32>
        %logistic3A_89 = arith.constant 1.000000e+00 : f32
        %logistic3A_90 = vector.broadcast %logistic3A_89 : f32 to vector<64x512xf32>
        %logistic3A_91 = arith.addf %logistic3A_90, %logistic3A_88 : vector<64x512xf32>
        %logistic3A_92 = arith.divf %logistic3A_90, %logistic3A_91 : vector<64x512xf32>
        %mul3A_93 = arith.mulf %slice3A, %logistic3A_92 : vector<64x512xf32>
        %mul3A_94 = arith.mulf %mul3A_93, %slice3A_87 : vector<64x512xf32>
        %div3A_95 = vector.broadcast %get3A_16 : f32 to vector<64x512xf32>
        %div3A_96 = arith.divf %mul3A_94, %div3A_95 : vector<64x512xf32>
        %jit3A_97 = arith.constant -4.480000e+02 : f32
        %jit3A_98 = arith.constant 4.480000e+02 : f32
        %max3A_99 = vector.broadcast %jit3A_97 : f32 to vector<64x512xf32>
        %max3A_100 = arith.maximumf %max3A_99, %div3A_96 : vector<64x512xf32>
        %min3A_101 = vector.broadcast %jit3A_98 : f32 to vector<64x512xf32>
        %min3A_102 = arith.minimumf %min3A_101, %max3A_100 : vector<64x512xf32>
        %get3A_103 = arith.index_cast %add3A_45 : i32 to index
        %get3A_104 = memref.load %arg0[%get3A_103] : memref<64xi32, #tpu.memory_space<smem>>
        %dma_wait3A_105 = arith.constant 0 : i32
        %dma_wait3A_106 = arith.constant 0 : i32
        %dma_wait3A_107 = tpu.memref_slice %arg14[%dma_wait3A_106] : memref<3x!tpu.dma_semaphore, #tpu.memory_space<semaphore_mem>> -> memref<1x!tpu.dma_semaphore, #tpu.memory_space<semaphore_mem>>
        %dma_wait3A_108 = tpu.memref_squeeze %dma_wait3A_107 : memref<1x!tpu.dma_semaphore, #tpu.memory_space<semaphore_mem>> -> memref<!tpu.dma_semaphore, #tpu.memory_space<semaphore_mem>>
        %dma_wait3A_109 = arith.constant 0 : i32
        %dma_wait3A_110 = arith.constant 0 : i32
        %dma_wait3A_111 = tpu.memref_slice %arg12[%dma_wait3A_105, %dma_wait3A_109, %dma_wait3A_110] : memref<3x1024x512xf32, #tpu.memory_space<vmem>> -> memref<1x1024x512xf32, #tpu.memory_space<vmem>>
        %dma_wait3A_112 = tpu.memref_squeeze %dma_wait3A_111 : memref<1x1024x512xf32, #tpu.memory_space<vmem>> -> memref<1024x512xf32, #tpu.memory_space<vmem>>
        %dma_wait3A_113 = arith.constant 0 : i32
        %dma_wait3A_114 = arith.constant 0 : i32
        %dma_wait3A_115 = tpu.memref_slice %arg9[%get3A_104, %dma_wait3A_113, %dma_wait3A_114] : memref<64x1024x512xf32, #tpu.memory_space<hbm>> -> memref<1x1024x512xf32, #tpu.memory_space<hbm>>
        %dma_wait3A_116 = tpu.memref_squeeze %dma_wait3A_115 : memref<1x1024x512xf32, #tpu.memory_space<hbm>> -> memref<1024x512xf32, #tpu.memory_space<hbm>>
        tpu.wait_dma2 semaphore(%dma_wait3A_108 : memref<!tpu.dma_semaphore, #tpu.memory_space<semaphore_mem>>) src(%dma_wait3A_116 : memref<1024x512xf32, #tpu.memory_space<hbm>>) dst(%dma_wait3A_112 : memref<1024x512xf32, #tpu.memory_space<vmem>>)
        %get3A_117 = arith.constant 0 : index
        %get3A_118 = arith.constant 0 : index
        %get3A_119 = arith.constant 0 : index
        %get3A_120 = vector.load %arg12[%get3A_117, %get3A_118, %get3A_119] : memref<3x1024x512xf32, #tpu.memory_space<vmem>>, vector<1x1024x512xf32>
        %get3A_121 = vector.shape_cast %get3A_120 : vector<1x1024x512xf32> to vector<1024x512xf32>
        %dot_general3A_122 = arith.constant dense<0.000000e+00> : vector<64x1024xf32>
        %dot_general3A_123 = tpu.matmul %min3A_102, %get3A_121, %dot_general3A_122 {dimension_numbers = #tpu.dot_dimension_numbers<[1], [1], [0], [0], [0, 0, 1, 0], [], []>, transpose_lhs_hint = false} : vector<64x512xf32>, vector<1024x512xf32>, vector<64x1024xf32> -> vector<64x1024xf32>
        %get3A_124 = arith.index_cast %get3A_62 : i32 to index
        %get3A_125 = memref.load %arg5[%get3A_124] : memref<64xf32, #tpu.memory_space<smem>>
        %mul3A_126 = arith.mulf %get3A_16, %get3A_125 : f32
        %mul3A_127 = vector.broadcast %mul3A_126 : f32 to vector<64x1024xf32>
        %mul3A_128 = arith.mulf %dot_general3A_123, %mul3A_127 : vector<64x1024xf32>
        %eq3A = vector.broadcast %get3A_62 : i32 to vector<64x1xi32>
        %eq3A_129 = arith.cmpi eq, %iota3A, %eq3A : vector<64x1xi32>
        %jit3A_130 = arith.constant 1.000000e+00 : f32
        %jit3A_131 = arith.constant 0.000000e+00 : f32
        %broadcast_in_dim3A_132 = vector.broadcast %jit3A_130 : f32 to vector<64x1xf32>
        %broadcast_in_dim3A_133 = vector.broadcast %jit3A_131 : f32 to vector<64x1xf32>
        %select_n3A = arith.select %eq3A_129, %broadcast_in_dim3A_132, %broadcast_in_dim3A_133 : vector<64x1xi1>, vector<64x1xf32>
        %dot_general3A_134 = arith.constant dense<0.000000e+00> : vector<64x1xf32>
        %dot_general3A_135 = tpu.matmul %get3A_26, %select_n3A, %dot_general3A_134 {dimension_numbers = #tpu.dot_dimension_numbers<[1], [0], [0], [1], [0, 0, 1, 1], [], []>, transpose_lhs_hint = false} : vector<64x64xf32>, vector<64x1xf32>, vector<64x1xf32> -> vector<64x1xf32>
        %get3A_136 = arith.constant 0 : index
        %get3A_137 = arith.constant 0 : index
        %get3A_138 = vector.load %arg10[%get3A_136, %get3A_137] : memref<64x1024xf32, #tpu.memory_space<vmem>>, vector<64x1024xf32>
        %mul3A_139 = vector.broadcast %dot_general3A_135 : vector<64x1xf32> to vector<64x1024xf32>
        %mul3A_140 = arith.mulf %mul3A_139, %mul3A_128 : vector<64x1024xf32>
        %add3A_141 = arith.addf %get3A_138, %mul3A_140 : vector<64x1024xf32>
        %swap3A_142 = arith.constant 0 : index
        %swap3A_143 = arith.constant 0 : index
        %swap3A_144 = vector.load %arg10[%swap3A_142, %swap3A_143] : memref<64x1024xf32, #tpu.memory_space<vmem>>, vector<64x1024xf32>
        tpu.vector_store %arg10[%swap3A_142, %swap3A_143], %add3A_141 {strides = array<i32>} : memref<64x1024xf32, #tpu.memory_space<vmem>>, vector<64x1024xf32>,
        %add3A_145 = arith.constant 3 : i32
        %add3A_146 = arith.addi %add3A_45, %add3A_145 : i32
        %lt3A_147 = arith.cmpi slt, %add3A_146, %get3A_0 : i32
        %convert_element_type3A_148 = arith.extui %lt3A_147 : i1 to i32
        %cond3A_149 = arith.constant 0 : i32
        %cond3A_150 = arith.cmpi ne, %convert_element_type3A_148, %cond3A_149 : i32
        scf.if %cond3A_150 {
          %get3A_151 = arith.index_cast %add3A_146 : i32 to index
          %get3A_152 = memref.load %arg0[%get3A_151] : memref<64xi32, #tpu.memory_space<smem>>
          %dma_start3A = arith.constant 0 : i32
          %dma_start3A_153 = arith.constant 0 : i32
          %dma_start3A_154 = tpu.memref_slice %arg13[%dma_start3A_153] : memref<3x!tpu.dma_semaphore, #tpu.memory_space<semaphore_mem>> -> memref<1x!tpu.dma_semaphore, #tpu.memory_space<semaphore_mem>>
          %dma_start3A_155 = tpu.memref_squeeze %dma_start3A_154 : memref<1x!tpu.dma_semaphore, #tpu.memory_space<semaphore_mem>> -> memref<!tpu.dma_semaphore, #tpu.memory_space<semaphore_mem>>
          %dma_start3A_156 = arith.constant 0 : i32
          %dma_start3A_157 = arith.constant 0 : i32
          %dma_start3A_158 = tpu.memref_slice %arg11[%dma_start3A, %dma_start3A_156, %dma_start3A_157] : memref<3x1024x1024xf32, #tpu.memory_space<vmem>> -> memref<1x1024x1024xf32, #tpu.memory_space<vmem>>
          %dma_start3A_159 = tpu.memref_squeeze %dma_start3A_158 : memref<1x1024x1024xf32, #tpu.memory_space<vmem>> -> memref<1024x1024xf32, #tpu.memory_space<vmem>>
          %dma_start3A_160 = arith.constant 0 : i32
          %dma_start3A_161 = arith.constant 0 : i32
          %dma_start3A_162 = tpu.memref_slice %arg8[%get3A_152, %dma_start3A_160, %dma_start3A_161] : memref<64x1024x1024xf32, #tpu.memory_space<hbm>> -> memref<1x1024x1024xf32, #tpu.memory_space<hbm>>
          %dma_start3A_163 = tpu.memref_squeeze %dma_start3A_162 : memref<1x1024x1024xf32, #tpu.memory_space<hbm>> -> memref<1024x1024xf32, #tpu.memory_space<hbm>>
          tpu.enqueue_dma source(%dma_start3A_163 : memref<1024x1024xf32, #tpu.memory_space<hbm>>) target(%dma_start3A_159 : memref<1024x1024xf32, #tpu.memory_space<vmem>>) target_semaphore(%dma_start3A_155 : memref<!tpu.dma_semaphore, #tpu.memory_space<semaphore_mem>>)
          %dma_start3A_164 = arith.constant 0 : i32
          %dma_start3A_165 = arith.constant 0 : i32
          %dma_start3A_166 = tpu.memref_slice %arg14[%dma_start3A_165] : memref<3x!tpu.dma_semaphore, #tpu.memory_space<semaphore_mem>> -> memref<1x!tpu.dma_semaphore, #tpu.memory_space<semaphore_mem>>
          %dma_start3A_167 = tpu.memref_squeeze %dma_start3A_166 : memref<1x!tpu.dma_semaphore, #tpu.memory_space<semaphore_mem>> -> memref<!tpu.dma_semaphore, #tpu.memory_space<semaphore_mem>>
          %dma_start3A_168 = arith.constant 0 : i32
          %dma_start3A_169 = arith.constant 0 : i32
          %dma_start3A_170 = tpu.memref_slice %arg12[%dma_start3A_164, %dma_start3A_168, %dma_start3A_169] : memref<3x1024x512xf32, #tpu.memory_space<vmem>> -> memref<1x1024x512xf32, #tpu.memory_space<vmem>>
          %dma_start3A_171 = tpu.memref_squeeze %dma_start3A_170 : memref<1x1024x512xf32, #tpu.memory_space<vmem>> -> memref<1024x512xf32, #tpu.memory_space<vmem>>
          %dma_start3A_172 = arith.constant 0 : i32
          %dma_start3A_173 = arith.constant 0 : i32
          %dma_start3A_174 = tpu.memref_slice %arg9[%get3A_152, %dma_start3A_172, %dma_start3A_173] : memref<64x1024x512xf32, #tpu.memory_space<hbm>> -> memref<1x1024x512xf32, #tpu.memory_space<hbm>>
          %dma_start3A_175 = tpu.memref_squeeze %dma_start3A_174 : memref<1x1024x512xf32, #tpu.memory_space<hbm>> -> memref<1024x512xf32, #tpu.memory_space<hbm>>
          tpu.enqueue_dma source(%dma_start3A_175 : memref<1024x512xf32, #tpu.memory_space<hbm>>) target(%dma_start3A_171 : memref<1024x512xf32, #tpu.memory_space<vmem>>) target_semaphore(%dma_start3A_167 : memref<!tpu.dma_semaphore, #tpu.memory_space<semaphore_mem>>)
        } else {
        }
      } else {
      }
      %add3A_49 = arith.constant 1 : i32
      %add3A_50 = arith.addi %mul3A_43, %add3A_49 : i32
      %lt3A_51 = arith.cmpi slt, %add3A_50, %get3A_0 : i32
      %convert_element_type3A_52 = arith.extui %lt3A_51 : i1 to i32
      %cond3A_53 = arith.constant 0 : i32
      %cond3A_54 = arith.cmpi ne, %convert_element_type3A_52, %cond3A_53 : i32
      scf.if %cond3A_54 {
        %get3A_61 = arith.index_cast %add3A_50 : i32 to index
        %get3A_62 = memref.load %arg0[%get3A_61] : memref<64xi32, #tpu.memory_space<smem>>
        %get3A_63 = arith.index_cast %add3A_50 : i32 to index
        %get3A_64 = memref.load %arg0[%get3A_63] : memref<64xi32, #tpu.memory_space<smem>>
        %dma_wait3A = arith.constant 1 : i32
        %dma_wait3A_65 = arith.constant 1 : i32
        %dma_wait3A_66 = tpu.memref_slice %arg13[%dma_wait3A_65] : memref<3x!tpu.dma_semaphore, #tpu.memory_space<semaphore_mem>> -> memref<1x!tpu.dma_semaphore, #tpu.memory_space<semaphore_mem>>
        %dma_wait3A_67 = tpu.memref_squeeze %dma_wait3A_66 : memref<1x!tpu.dma_semaphore, #tpu.memory_space<semaphore_mem>> -> memref<!tpu.dma_semaphore, #tpu.memory_space<semaphore_mem>>
        %dma_wait3A_68 = arith.constant 0 : i32
        %dma_wait3A_69 = arith.constant 0 : i32
        %dma_wait3A_70 = tpu.memref_slice %arg11[%dma_wait3A, %dma_wait3A_68, %dma_wait3A_69] : memref<3x1024x1024xf32, #tpu.memory_space<vmem>> -> memref<1x1024x1024xf32, #tpu.memory_space<vmem>>
        %dma_wait3A_71 = tpu.memref_squeeze %dma_wait3A_70 : memref<1x1024x1024xf32, #tpu.memory_space<vmem>> -> memref<1024x1024xf32, #tpu.memory_space<vmem>>
        %dma_wait3A_72 = arith.constant 0 : i32
        %dma_wait3A_73 = arith.constant 0 : i32
        %dma_wait3A_74 = tpu.memref_slice %arg8[%get3A_64, %dma_wait3A_72, %dma_wait3A_73] : memref<64x1024x1024xf32, #tpu.memory_space<hbm>> -> memref<1x1024x1024xf32, #tpu.memory_space<hbm>>
        %dma_wait3A_75 = tpu.memref_squeeze %dma_wait3A_74 : memref<1x1024x1024xf32, #tpu.memory_space<hbm>> -> memref<1024x1024xf32, #tpu.memory_space<hbm>>
        tpu.wait_dma2 semaphore(%dma_wait3A_67 : memref<!tpu.dma_semaphore, #tpu.memory_space<semaphore_mem>>) src(%dma_wait3A_75 : memref<1024x1024xf32, #tpu.memory_space<hbm>>) dst(%dma_wait3A_71 : memref<1024x1024xf32, #tpu.memory_space<vmem>>)
        %get3A_76 = arith.constant 1 : index
        %get3A_77 = arith.constant 0 : index
        %get3A_78 = arith.constant 0 : index
        %get3A_79 = vector.load %arg11[%get3A_76, %get3A_77, %get3A_78] : memref<3x1024x1024xf32, #tpu.memory_space<vmem>>, vector<1x1024x1024xf32>
        %get3A_80 = vector.shape_cast %get3A_79 : vector<1x1024x1024xf32> to vector<1024x1024xf32>
        %dot_general3A = arith.constant dense<0.000000e+00> : vector<64x1024xf32>
        %dot_general3A_81 = tpu.matmul %min3A_23, %get3A_80, %dot_general3A {dimension_numbers = #tpu.dot_dimension_numbers<[1], [1], [0], [0], [0, 0, 1, 0], [], []>, transpose_lhs_hint = false} : vector<64x1024xf32>, vector<1024x1024xf32>, vector<64x1024xf32> -> vector<64x1024xf32>
        %get3A_82 = arith.index_cast %get3A_62 : i32 to index
        %get3A_83 = memref.load %arg4[%get3A_82] : memref<64xf32, #tpu.memory_space<smem>>
        %mul3A_84 = arith.mulf %get3A_14, %get3A_83 : f32
        %mul3A_85 = vector.broadcast %mul3A_84 : f32 to vector<64x1024xf32>
        %mul3A_86 = arith.mulf %dot_general3A_81, %mul3A_85 : vector<64x1024xf32>
        %slice3A = vector.extract_strided_slice %mul3A_86 {offsets = [0, 0], sizes = [64, 512], strides = [1, 1]} : vector<64x1024xf32> to vector<64x512xf32>
        %slice3A_87 = vector.extract_strided_slice %mul3A_86 {offsets = [0, 512], sizes = [64, 512], strides = [1, 1]} : vector<64x1024xf32> to vector<64x512xf32>
        %logistic3A = arith.negf %slice3A : vector<64x512xf32>
        %logistic3A_88 = math.exp %logistic3A : vector<64x512xf32>
        %logistic3A_89 = arith.constant 1.000000e+00 : f32
        %logistic3A_90 = vector.broadcast %logistic3A_89 : f32 to vector<64x512xf32>
        %logistic3A_91 = arith.addf %logistic3A_90, %logistic3A_88 : vector<64x512xf32>
        %logistic3A_92 = arith.divf %logistic3A_90, %logistic3A_91 : vector<64x512xf32>
        %mul3A_93 = arith.mulf %slice3A, %logistic3A_92 : vector<64x512xf32>
        %mul3A_94 = arith.mulf %mul3A_93, %slice3A_87 : vector<64x512xf32>
        %div3A_95 = vector.broadcast %get3A_16 : f32 to vector<64x512xf32>
        %div3A_96 = arith.divf %mul3A_94, %div3A_95 : vector<64x512xf32>
        %jit3A_97 = arith.constant -4.480000e+02 : f32
        %jit3A_98 = arith.constant 4.480000e+02 : f32
        %max3A_99 = vector.broadcast %jit3A_97 : f32 to vector<64x512xf32>
        %max3A_100 = arith.maximumf %max3A_99, %div3A_96 : vector<64x512xf32>
        %min3A_101 = vector.broadcast %jit3A_98 : f32 to vector<64x512xf32>
        %min3A_102 = arith.minimumf %min3A_101, %max3A_100 : vector<64x512xf32>
        %get3A_103 = arith.index_cast %add3A_50 : i32 to index
        %get3A_104 = memref.load %arg0[%get3A_103] : memref<64xi32, #tpu.memory_space<smem>>
        %dma_wait3A_105 = arith.constant 1 : i32
        %dma_wait3A_106 = arith.constant 1 : i32
        %dma_wait3A_107 = tpu.memref_slice %arg14[%dma_wait3A_106] : memref<3x!tpu.dma_semaphore, #tpu.memory_space<semaphore_mem>> -> memref<1x!tpu.dma_semaphore, #tpu.memory_space<semaphore_mem>>
        %dma_wait3A_108 = tpu.memref_squeeze %dma_wait3A_107 : memref<1x!tpu.dma_semaphore, #tpu.memory_space<semaphore_mem>> -> memref<!tpu.dma_semaphore, #tpu.memory_space<semaphore_mem>>
        %dma_wait3A_109 = arith.constant 0 : i32
        %dma_wait3A_110 = arith.constant 0 : i32
        %dma_wait3A_111 = tpu.memref_slice %arg12[%dma_wait3A_105, %dma_wait3A_109, %dma_wait3A_110] : memref<3x1024x512xf32, #tpu.memory_space<vmem>> -> memref<1x1024x512xf32, #tpu.memory_space<vmem>>
        %dma_wait3A_112 = tpu.memref_squeeze %dma_wait3A_111 : memref<1x1024x512xf32, #tpu.memory_space<vmem>> -> memref<1024x512xf32, #tpu.memory_space<vmem>>
        %dma_wait3A_113 = arith.constant 0 : i32
        %dma_wait3A_114 = arith.constant 0 : i32
        %dma_wait3A_115 = tpu.memref_slice %arg9[%get3A_104, %dma_wait3A_113, %dma_wait3A_114] : memref<64x1024x512xf32, #tpu.memory_space<hbm>> -> memref<1x1024x512xf32, #tpu.memory_space<hbm>>
        %dma_wait3A_116 = tpu.memref_squeeze %dma_wait3A_115 : memref<1x1024x512xf32, #tpu.memory_space<hbm>> -> memref<1024x512xf32, #tpu.memory_space<hbm>>
        tpu.wait_dma2 semaphore(%dma_wait3A_108 : memref<!tpu.dma_semaphore, #tpu.memory_space<semaphore_mem>>) src(%dma_wait3A_116 : memref<1024x512xf32, #tpu.memory_space<hbm>>) dst(%dma_wait3A_112 : memref<1024x512xf32, #tpu.memory_space<vmem>>)
        %get3A_117 = arith.constant 1 : index
        %get3A_118 = arith.constant 0 : index
        %get3A_119 = arith.constant 0 : index
        %get3A_120 = vector.load %arg12[%get3A_117, %get3A_118, %get3A_119] : memref<3x1024x512xf32, #tpu.memory_space<vmem>>, vector<1x1024x512xf32>
        %get3A_121 = vector.shape_cast %get3A_120 : vector<1x1024x512xf32> to vector<1024x512xf32>
        %dot_general3A_122 = arith.constant dense<0.000000e+00> : vector<64x1024xf32>
        %dot_general3A_123 = tpu.matmul %min3A_102, %get3A_121, %dot_general3A_122 {dimension_numbers = #tpu.dot_dimension_numbers<[1], [1], [0], [0], [0, 0, 1, 0], [], []>, transpose_lhs_hint = false} : vector<64x512xf32>, vector<1024x512xf32>, vector<64x1024xf32> -> vector<64x1024xf32>
        %get3A_124 = arith.index_cast %get3A_62 : i32 to index
        %get3A_125 = memref.load %arg5[%get3A_124] : memref<64xf32, #tpu.memory_space<smem>>
        %mul3A_126 = arith.mulf %get3A_16, %get3A_125 : f32
        %mul3A_127 = vector.broadcast %mul3A_126 : f32 to vector<64x1024xf32>
        %mul3A_128 = arith.mulf %dot_general3A_123, %mul3A_127 : vector<64x1024xf32>
        %eq3A = vector.broadcast %get3A_62 : i32 to vector<64x1xi32>
        %eq3A_129 = arith.cmpi eq, %iota3A, %eq3A : vector<64x1xi32>
        %jit3A_130 = arith.constant 1.000000e+00 : f32
        %jit3A_131 = arith.constant 0.000000e+00 : f32
        %broadcast_in_dim3A_132 = vector.broadcast %jit3A_130 : f32 to vector<64x1xf32>
        %broadcast_in_dim3A_133 = vector.broadcast %jit3A_131 : f32 to vector<64x1xf32>
        %select_n3A = arith.select %eq3A_129, %broadcast_in_dim3A_132, %broadcast_in_dim3A_133 : vector<64x1xi1>, vector<64x1xf32>
        %dot_general3A_134 = arith.constant dense<0.000000e+00> : vector<64x1xf32>
        %dot_general3A_135 = tpu.matmul %get3A_26, %select_n3A, %dot_general3A_134 {dimension_numbers = #tpu.dot_dimension_numbers<[1], [0], [0], [1], [0, 0, 1, 1], [], []>, transpose_lhs_hint = false} : vector<64x64xf32>, vector<64x1xf32>, vector<64x1xf32> -> vector<64x1xf32>
        %get3A_136 = arith.constant 0 : index
        %get3A_137 = arith.constant 0 : index
        %get3A_138 = vector.load %arg10[%get3A_136, %get3A_137] : memref<64x1024xf32, #tpu.memory_space<vmem>>, vector<64x1024xf32>
        %mul3A_139 = vector.broadcast %dot_general3A_135 : vector<64x1xf32> to vector<64x1024xf32>
        %mul3A_140 = arith.mulf %mul3A_139, %mul3A_128 : vector<64x1024xf32>
        %add3A_141 = arith.addf %get3A_138, %mul3A_140 : vector<64x1024xf32>
        %swap3A_142 = arith.constant 0 : index
        %swap3A_143 = arith.constant 0 : index
        %swap3A_144 = vector.load %arg10[%swap3A_142, %swap3A_143] : memref<64x1024xf32, #tpu.memory_space<vmem>>, vector<64x1024xf32>
        tpu.vector_store %arg10[%swap3A_142, %swap3A_143], %add3A_141 {strides = array<i32>} : memref<64x1024xf32, #tpu.memory_space<vmem>>, vector<64x1024xf32>,
        %add3A_145 = arith.constant 3 : i32
        %add3A_146 = arith.addi %add3A_50, %add3A_145 : i32
        %lt3A_147 = arith.cmpi slt, %add3A_146, %get3A_0 : i32
        %convert_element_type3A_148 = arith.extui %lt3A_147 : i1 to i32
        %cond3A_149 = arith.constant 0 : i32
        %cond3A_150 = arith.cmpi ne, %convert_element_type3A_148, %cond3A_149 : i32
        scf.if %cond3A_150 {
          %get3A_151 = arith.index_cast %add3A_146 : i32 to index
          %get3A_152 = memref.load %arg0[%get3A_151] : memref<64xi32, #tpu.memory_space<smem>>
          %dma_start3A = arith.constant 1 : i32
          %dma_start3A_153 = arith.constant 1 : i32
          %dma_start3A_154 = tpu.memref_slice %arg13[%dma_start3A_153] : memref<3x!tpu.dma_semaphore, #tpu.memory_space<semaphore_mem>> -> memref<1x!tpu.dma_semaphore, #tpu.memory_space<semaphore_mem>>
          %dma_start3A_155 = tpu.memref_squeeze %dma_start3A_154 : memref<1x!tpu.dma_semaphore, #tpu.memory_space<semaphore_mem>> -> memref<!tpu.dma_semaphore, #tpu.memory_space<semaphore_mem>>
          %dma_start3A_156 = arith.constant 0 : i32
          %dma_start3A_157 = arith.constant 0 : i32
          %dma_start3A_158 = tpu.memref_slice %arg11[%dma_start3A, %dma_start3A_156, %dma_start3A_157] : memref<3x1024x1024xf32, #tpu.memory_space<vmem>> -> memref<1x1024x1024xf32, #tpu.memory_space<vmem>>
          %dma_start3A_159 = tpu.memref_squeeze %dma_start3A_158 : memref<1x1024x1024xf32, #tpu.memory_space<vmem>> -> memref<1024x1024xf32, #tpu.memory_space<vmem>>
          %dma_start3A_160 = arith.constant 0 : i32
          %dma_start3A_161 = arith.constant 0 : i32
          %dma_start3A_162 = tpu.memref_slice %arg8[%get3A_152, %dma_start3A_160, %dma_start3A_161] : memref<64x1024x1024xf32, #tpu.memory_space<hbm>> -> memref<1x1024x1024xf32, #tpu.memory_space<hbm>>
          %dma_start3A_163 = tpu.memref_squeeze %dma_start3A_162 : memref<1x1024x1024xf32, #tpu.memory_space<hbm>> -> memref<1024x1024xf32, #tpu.memory_space<hbm>>
          tpu.enqueue_dma source(%dma_start3A_163 : memref<1024x1024xf32, #tpu.memory_space<hbm>>) target(%dma_start3A_159 : memref<1024x1024xf32, #tpu.memory_space<vmem>>) target_semaphore(%dma_start3A_155 : memref<!tpu.dma_semaphore, #tpu.memory_space<semaphore_mem>>)
          %dma_start3A_164 = arith.constant 1 : i32
          %dma_start3A_165 = arith.constant 1 : i32
          %dma_start3A_166 = tpu.memref_slice %arg14[%dma_start3A_165] : memref<3x!tpu.dma_semaphore, #tpu.memory_space<semaphore_mem>> -> memref<1x!tpu.dma_semaphore, #tpu.memory_space<semaphore_mem>>
          %dma_start3A_167 = tpu.memref_squeeze %dma_start3A_166 : memref<1x!tpu.dma_semaphore, #tpu.memory_space<semaphore_mem>> -> memref<!tpu.dma_semaphore, #tpu.memory_space<semaphore_mem>>
          %dma_start3A_168 = arith.constant 0 : i32
          %dma_start3A_169 = arith.constant 0 : i32
          %dma_start3A_170 = tpu.memref_slice %arg12[%dma_start3A_164, %dma_start3A_168, %dma_start3A_169] : memref<3x1024x512xf32, #tpu.memory_space<vmem>> -> memref<1x1024x512xf32, #tpu.memory_space<vmem>>
          %dma_start3A_171 = tpu.memref_squeeze %dma_start3A_170 : memref<1x1024x512xf32, #tpu.memory_space<vmem>> -> memref<1024x512xf32, #tpu.memory_space<vmem>>
          %dma_start3A_172 = arith.constant 0 : i32
          %dma_start3A_173 = arith.constant 0 : i32
          %dma_start3A_174 = tpu.memref_slice %arg9[%get3A_152, %dma_start3A_172, %dma_start3A_173] : memref<64x1024x512xf32, #tpu.memory_space<hbm>> -> memref<1x1024x512xf32, #tpu.memory_space<hbm>>
          %dma_start3A_175 = tpu.memref_squeeze %dma_start3A_174 : memref<1x1024x512xf32, #tpu.memory_space<hbm>> -> memref<1024x512xf32, #tpu.memory_space<hbm>>
          tpu.enqueue_dma source(%dma_start3A_175 : memref<1024x512xf32, #tpu.memory_space<hbm>>) target(%dma_start3A_171 : memref<1024x512xf32, #tpu.memory_space<vmem>>) target_semaphore(%dma_start3A_167 : memref<!tpu.dma_semaphore, #tpu.memory_space<semaphore_mem>>)
        } else {
        }
      } else {
      }
      %add3A_55 = arith.constant 2 : i32
      %add3A_56 = arith.addi %mul3A_43, %add3A_55 : i32
      %lt3A_57 = arith.cmpi slt, %add3A_56, %get3A_0 : i32
      %convert_element_type3A_58 = arith.extui %lt3A_57 : i1 to i32
      %cond3A_59 = arith.constant 0 : i32
      %cond3A_60 = arith.cmpi ne, %convert_element_type3A_58, %cond3A_59 : i32
      scf.if %cond3A_60 {
        %get3A_61 = arith.index_cast %add3A_56 : i32 to index
        %get3A_62 = memref.load %arg0[%get3A_61] : memref<64xi32, #tpu.memory_space<smem>>
        %get3A_63 = arith.index_cast %add3A_56 : i32 to index
        %get3A_64 = memref.load %arg0[%get3A_63] : memref<64xi32, #tpu.memory_space<smem>>
        %dma_wait3A = arith.constant 2 : i32
        %dma_wait3A_65 = arith.constant 2 : i32
        %dma_wait3A_66 = tpu.memref_slice %arg13[%dma_wait3A_65] : memref<3x!tpu.dma_semaphore, #tpu.memory_space<semaphore_mem>> -> memref<1x!tpu.dma_semaphore, #tpu.memory_space<semaphore_mem>>
        %dma_wait3A_67 = tpu.memref_squeeze %dma_wait3A_66 : memref<1x!tpu.dma_semaphore, #tpu.memory_space<semaphore_mem>> -> memref<!tpu.dma_semaphore, #tpu.memory_space<semaphore_mem>>
        %dma_wait3A_68 = arith.constant 0 : i32
        %dma_wait3A_69 = arith.constant 0 : i32
        %dma_wait3A_70 = tpu.memref_slice %arg11[%dma_wait3A, %dma_wait3A_68, %dma_wait3A_69] : memref<3x1024x1024xf32, #tpu.memory_space<vmem>> -> memref<1x1024x1024xf32, #tpu.memory_space<vmem>>
        %dma_wait3A_71 = tpu.memref_squeeze %dma_wait3A_70 : memref<1x1024x1024xf32, #tpu.memory_space<vmem>> -> memref<1024x1024xf32, #tpu.memory_space<vmem>>
        %dma_wait3A_72 = arith.constant 0 : i32
        %dma_wait3A_73 = arith.constant 0 : i32
        %dma_wait3A_74 = tpu.memref_slice %arg8[%get3A_64, %dma_wait3A_72, %dma_wait3A_73] : memref<64x1024x1024xf32, #tpu.memory_space<hbm>> -> memref<1x1024x1024xf32, #tpu.memory_space<hbm>>
        %dma_wait3A_75 = tpu.memref_squeeze %dma_wait3A_74 : memref<1x1024x1024xf32, #tpu.memory_space<hbm>> -> memref<1024x1024xf32, #tpu.memory_space<hbm>>
        tpu.wait_dma2 semaphore(%dma_wait3A_67 : memref<!tpu.dma_semaphore, #tpu.memory_space<semaphore_mem>>) src(%dma_wait3A_75 : memref<1024x1024xf32, #tpu.memory_space<hbm>>) dst(%dma_wait3A_71 : memref<1024x1024xf32, #tpu.memory_space<vmem>>)
        %get3A_76 = arith.constant 2 : index
        %get3A_77 = arith.constant 0 : index
        %get3A_78 = arith.constant 0 : index
        %get3A_79 = vector.load %arg11[%get3A_76, %get3A_77, %get3A_78] : memref<3x1024x1024xf32, #tpu.memory_space<vmem>>, vector<1x1024x1024xf32>
        %get3A_80 = vector.shape_cast %get3A_79 : vector<1x1024x1024xf32> to vector<1024x1024xf32>
        %dot_general3A = arith.constant dense<0.000000e+00> : vector<64x1024xf32>
        %dot_general3A_81 = tpu.matmul %min3A_23, %get3A_80, %dot_general3A {dimension_numbers = #tpu.dot_dimension_numbers<[1], [1], [0], [0], [0, 0, 1, 0], [], []>, transpose_lhs_hint = false} : vector<64x1024xf32>, vector<1024x1024xf32>, vector<64x1024xf32> -> vector<64x1024xf32>
        %get3A_82 = arith.index_cast %get3A_62 : i32 to index
        %get3A_83 = memref.load %arg4[%get3A_82] : memref<64xf32, #tpu.memory_space<smem>>
        %mul3A_84 = arith.mulf %get3A_14, %get3A_83 : f32
        %mul3A_85 = vector.broadcast %mul3A_84 : f32 to vector<64x1024xf32>
        %mul3A_86 = arith.mulf %dot_general3A_81, %mul3A_85 : vector<64x1024xf32>
        %slice3A = vector.extract_strided_slice %mul3A_86 {offsets = [0, 0], sizes = [64, 512], strides = [1, 1]} : vector<64x1024xf32> to vector<64x512xf32>
        %slice3A_87 = vector.extract_strided_slice %mul3A_86 {offsets = [0, 512], sizes = [64, 512], strides = [1, 1]} : vector<64x1024xf32> to vector<64x512xf32>
        %logistic3A = arith.negf %slice3A : vector<64x512xf32>
        %logistic3A_88 = math.exp %logistic3A : vector<64x512xf32>
        %logistic3A_89 = arith.constant 1.000000e+00 : f32
        %logistic3A_90 = vector.broadcast %logistic3A_89 : f32 to vector<64x512xf32>
        %logistic3A_91 = arith.addf %logistic3A_90, %logistic3A_88 : vector<64x512xf32>
        %logistic3A_92 = arith.divf %logistic3A_90, %logistic3A_91 : vector<64x512xf32>
        %mul3A_93 = arith.mulf %slice3A, %logistic3A_92 : vector<64x512xf32>
        %mul3A_94 = arith.mulf %mul3A_93, %slice3A_87 : vector<64x512xf32>
        %div3A_95 = vector.broadcast %get3A_16 : f32 to vector<64x512xf32>
        %div3A_96 = arith.divf %mul3A_94, %div3A_95 : vector<64x512xf32>
        %jit3A_97 = arith.constant -4.480000e+02 : f32
        %jit3A_98 = arith.constant 4.480000e+02 : f32
        %max3A_99 = vector.broadcast %jit3A_97 : f32 to vector<64x512xf32>
        %max3A_100 = arith.maximumf %max3A_99, %div3A_96 : vector<64x512xf32>
        %min3A_101 = vector.broadcast %jit3A_98 : f32 to vector<64x512xf32>
        %min3A_102 = arith.minimumf %min3A_101, %max3A_100 : vector<64x512xf32>
        %get3A_103 = arith.index_cast %add3A_56 : i32 to index
        %get3A_104 = memref.load %arg0[%get3A_103] : memref<64xi32, #tpu.memory_space<smem>>
        %dma_wait3A_105 = arith.constant 2 : i32
        %dma_wait3A_106 = arith.constant 2 : i32
        %dma_wait3A_107 = tpu.memref_slice %arg14[%dma_wait3A_106] : memref<3x!tpu.dma_semaphore, #tpu.memory_space<semaphore_mem>> -> memref<1x!tpu.dma_semaphore, #tpu.memory_space<semaphore_mem>>
        %dma_wait3A_108 = tpu.memref_squeeze %dma_wait3A_107 : memref<1x!tpu.dma_semaphore, #tpu.memory_space<semaphore_mem>> -> memref<!tpu.dma_semaphore, #tpu.memory_space<semaphore_mem>>
        %dma_wait3A_109 = arith.constant 0 : i32
        %dma_wait3A_110 = arith.constant 0 : i32
        %dma_wait3A_111 = tpu.memref_slice %arg12[%dma_wait3A_105, %dma_wait3A_109, %dma_wait3A_110] : memref<3x1024x512xf32, #tpu.memory_space<vmem>> -> memref<1x1024x512xf32, #tpu.memory_space<vmem>>
        %dma_wait3A_112 = tpu.memref_squeeze %dma_wait3A_111 : memref<1x1024x512xf32, #tpu.memory_space<vmem>> -> memref<1024x512xf32, #tpu.memory_space<vmem>>
        %dma_wait3A_113 = arith.constant 0 : i32
        %dma_wait3A_114 = arith.constant 0 : i32
        %dma_wait3A_115 = tpu.memref_slice %arg9[%get3A_104, %dma_wait3A_113, %dma_wait3A_114] : memref<64x1024x512xf32, #tpu.memory_space<hbm>> -> memref<1x1024x512xf32, #tpu.memory_space<hbm>>
        %dma_wait3A_116 = tpu.memref_squeeze %dma_wait3A_115 : memref<1x1024x512xf32, #tpu.memory_space<hbm>> -> memref<1024x512xf32, #tpu.memory_space<hbm>>
        tpu.wait_dma2 semaphore(%dma_wait3A_108 : memref<!tpu.dma_semaphore, #tpu.memory_space<semaphore_mem>>) src(%dma_wait3A_116 : memref<1024x512xf32, #tpu.memory_space<hbm>>) dst(%dma_wait3A_112 : memref<1024x512xf32, #tpu.memory_space<vmem>>)
        %get3A_117 = arith.constant 2 : index
        %get3A_118 = arith.constant 0 : index
        %get3A_119 = arith.constant 0 : index
        %get3A_120 = vector.load %arg12[%get3A_117, %get3A_118, %get3A_119] : memref<3x1024x512xf32, #tpu.memory_space<vmem>>, vector<1x1024x512xf32>
        %get3A_121 = vector.shape_cast %get3A_120 : vector<1x1024x512xf32> to vector<1024x512xf32>
        %dot_general3A_122 = arith.constant dense<0.000000e+00> : vector<64x1024xf32>
        %dot_general3A_123 = tpu.matmul %min3A_102, %get3A_121, %dot_general3A_122 {dimension_numbers = #tpu.dot_dimension_numbers<[1], [1], [0], [0], [0, 0, 1, 0], [], []>, transpose_lhs_hint = false} : vector<64x512xf32>, vector<1024x512xf32>, vector<64x1024xf32> -> vector<64x1024xf32>
        %get3A_124 = arith.index_cast %get3A_62 : i32 to index
        %get3A_125 = memref.load %arg5[%get3A_124] : memref<64xf32, #tpu.memory_space<smem>>
        %mul3A_126 = arith.mulf %get3A_16, %get3A_125 : f32
        %mul3A_127 = vector.broadcast %mul3A_126 : f32 to vector<64x1024xf32>
        %mul3A_128 = arith.mulf %dot_general3A_123, %mul3A_127 : vector<64x1024xf32>
        %eq3A = vector.broadcast %get3A_62 : i32 to vector<64x1xi32>
        %eq3A_129 = arith.cmpi eq, %iota3A, %eq3A : vector<64x1xi32>
        %jit3A_130 = arith.constant 1.000000e+00 : f32
        %jit3A_131 = arith.constant 0.000000e+00 : f32
        %broadcast_in_dim3A_132 = vector.broadcast %jit3A_130 : f32 to vector<64x1xf32>
        %broadcast_in_dim3A_133 = vector.broadcast %jit3A_131 : f32 to vector<64x1xf32>
        %select_n3A = arith.select %eq3A_129, %broadcast_in_dim3A_132, %broadcast_in_dim3A_133 : vector<64x1xi1>, vector<64x1xf32>
        %dot_general3A_134 = arith.constant dense<0.000000e+00> : vector<64x1xf32>
        %dot_general3A_135 = tpu.matmul %get3A_26, %select_n3A, %dot_general3A_134 {dimension_numbers = #tpu.dot_dimension_numbers<[1], [0], [0], [1], [0, 0, 1, 1], [], []>, transpose_lhs_hint = false} : vector<64x64xf32>, vector<64x1xf32>, vector<64x1xf32> -> vector<64x1xf32>
        %get3A_136 = arith.constant 0 : index
        %get3A_137 = arith.constant 0 : index
        %get3A_138 = vector.load %arg10[%get3A_136, %get3A_137] : memref<64x1024xf32, #tpu.memory_space<vmem>>, vector<64x1024xf32>
        %mul3A_139 = vector.broadcast %dot_general3A_135 : vector<64x1xf32> to vector<64x1024xf32>
        %mul3A_140 = arith.mulf %mul3A_139, %mul3A_128 : vector<64x1024xf32>
        %add3A_141 = arith.addf %get3A_138, %mul3A_140 : vector<64x1024xf32>
        %swap3A_142 = arith.constant 0 : index
        %swap3A_143 = arith.constant 0 : index
        %swap3A_144 = vector.load %arg10[%swap3A_142, %swap3A_143] : memref<64x1024xf32, #tpu.memory_space<vmem>>, vector<64x1024xf32>
        tpu.vector_store %arg10[%swap3A_142, %swap3A_143], %add3A_141 {strides = array<i32>} : memref<64x1024xf32, #tpu.memory_space<vmem>>, vector<64x1024xf32>,
        %add3A_145 = arith.constant 3 : i32
        %add3A_146 = arith.addi %add3A_56, %add3A_145 : i32
        %lt3A_147 = arith.cmpi slt, %add3A_146, %get3A_0 : i32
        %convert_element_type3A_148 = arith.extui %lt3A_147 : i1 to i32
        %cond3A_149 = arith.constant 0 : i32
        %cond3A_150 = arith.cmpi ne, %convert_element_type3A_148, %cond3A_149 : i32
        scf.if %cond3A_150 {
          %get3A_151 = arith.index_cast %add3A_146 : i32 to index
          %get3A_152 = memref.load %arg0[%get3A_151] : memref<64xi32, #tpu.memory_space<smem>>
          %dma_start3A = arith.constant 2 : i32
          %dma_start3A_153 = arith.constant 2 : i32
          %dma_start3A_154 = tpu.memref_slice %arg13[%dma_start3A_153] : memref<3x!tpu.dma_semaphore, #tpu.memory_space<semaphore_mem>> -> memref<1x!tpu.dma_semaphore, #tpu.memory_space<semaphore_mem>>
          %dma_start3A_155 = tpu.memref_squeeze %dma_start3A_154 : memref<1x!tpu.dma_semaphore, #tpu.memory_space<semaphore_mem>> -> memref<!tpu.dma_semaphore, #tpu.memory_space<semaphore_mem>>
          %dma_start3A_156 = arith.constant 0 : i32
          %dma_start3A_157 = arith.constant 0 : i32
          %dma_start3A_158 = tpu.memref_slice %arg11[%dma_start3A, %dma_start3A_156, %dma_start3A_157] : memref<3x1024x1024xf32, #tpu.memory_space<vmem>> -> memref<1x1024x1024xf32, #tpu.memory_space<vmem>>
          %dma_start3A_159 = tpu.memref_squeeze %dma_start3A_158 : memref<1x1024x1024xf32, #tpu.memory_space<vmem>> -> memref<1024x1024xf32, #tpu.memory_space<vmem>>
          %dma_start3A_160 = arith.constant 0 : i32
          %dma_start3A_161 = arith.constant 0 : i32
          %dma_start3A_162 = tpu.memref_slice %arg8[%get3A_152, %dma_start3A_160, %dma_start3A_161] : memref<64x1024x1024xf32, #tpu.memory_space<hbm>> -> memref<1x1024x1024xf32, #tpu.memory_space<hbm>>
          %dma_start3A_163 = tpu.memref_squeeze %dma_start3A_162 : memref<1x1024x1024xf32, #tpu.memory_space<hbm>> -> memref<1024x1024xf32, #tpu.memory_space<hbm>>
          tpu.enqueue_dma source(%dma_start3A_163 : memref<1024x1024xf32, #tpu.memory_space<hbm>>) target(%dma_start3A_159 : memref<1024x1024xf32, #tpu.memory_space<vmem>>) target_semaphore(%dma_start3A_155 : memref<!tpu.dma_semaphore, #tpu.memory_space<semaphore_mem>>)
          %dma_start3A_164 = arith.constant 2 : i32
          %dma_start3A_165 = arith.constant 2 : i32
          %dma_start3A_166 = tpu.memref_slice %arg14[%dma_start3A_165] : memref<3x!tpu.dma_semaphore, #tpu.memory_space<semaphore_mem>> -> memref<1x!tpu.dma_semaphore, #tpu.memory_space<semaphore_mem>>
          %dma_start3A_167 = tpu.memref_squeeze %dma_start3A_166 : memref<1x!tpu.dma_semaphore, #tpu.memory_space<semaphore_mem>> -> memref<!tpu.dma_semaphore, #tpu.memory_space<semaphore_mem>>
          %dma_start3A_168 = arith.constant 0 : i32
          %dma_start3A_169 = arith.constant 0 : i32
          %dma_start3A_170 = tpu.memref_slice %arg12[%dma_start3A_164, %dma_start3A_168, %dma_start3A_169] : memref<3x1024x512xf32, #tpu.memory_space<vmem>> -> memref<1x1024x512xf32, #tpu.memory_space<vmem>>
          %dma_start3A_171 = tpu.memref_squeeze %dma_start3A_170 : memref<1x1024x512xf32, #tpu.memory_space<vmem>> -> memref<1024x512xf32, #tpu.memory_space<vmem>>
          %dma_start3A_172 = arith.constant 0 : i32
          %dma_start3A_173 = arith.constant 0 : i32
          %dma_start3A_174 = tpu.memref_slice %arg9[%get3A_152, %dma_start3A_172, %dma_start3A_173] : memref<64x1024x512xf32, #tpu.memory_space<hbm>> -> memref<1x1024x512xf32, #tpu.memory_space<hbm>>
          %dma_start3A_175 = tpu.memref_squeeze %dma_start3A_174 : memref<1x1024x512xf32, #tpu.memory_space<hbm>> -> memref<1024x512xf32, #tpu.memory_space<hbm>>
          tpu.enqueue_dma source(%dma_start3A_175 : memref<1024x512xf32, #tpu.memory_space<hbm>>) target(%dma_start3A_171 : memref<1024x512xf32, #tpu.memory_space<vmem>>) target_semaphore(%dma_start3A_167 : memref<!tpu.dma_semaphore, #tpu.memory_space<semaphore_mem>>)
        } else {
        }
      } else {
      }
    }
    %while3A_41 = arith.constant 1 : i32
    scf.for %while3A_42 = %while3A_39 to %while3A_35 step %while3A_41  : i32 {
      %mul3A = arith.constant 3 : i32
      %mul3A_43 = arith.muli %while3A_42, %mul3A : i32
      %add3A_44 = arith.constant 0 : i32
      %add3A_45 = arith.addi %mul3A_43, %add3A_44 : i32
      %lt3A = arith.cmpi slt, %add3A_45, %get3A_0 : i32
      %convert_element_type3A_46 = arith.extui %lt3A : i1 to i32
      %cond3A_47 = arith.constant 0 : i32
      %cond3A_48 = arith.cmpi ne, %convert_element_type3A_46, %cond3A_47 : i32
      scf.if %cond3A_48 {
        %get3A_61 = arith.index_cast %add3A_45 : i32 to index
        %get3A_62 = memref.load %arg0[%get3A_61] : memref<64xi32, #tpu.memory_space<smem>>
        %get3A_63 = arith.index_cast %add3A_45 : i32 to index
        %get3A_64 = memref.load %arg0[%get3A_63] : memref<64xi32, #tpu.memory_space<smem>>
        %dma_wait3A = arith.constant 0 : i32
        %dma_wait3A_65 = arith.constant 0 : i32
        %dma_wait3A_66 = tpu.memref_slice %arg13[%dma_wait3A_65] : memref<3x!tpu.dma_semaphore, #tpu.memory_space<semaphore_mem>> -> memref<1x!tpu.dma_semaphore, #tpu.memory_space<semaphore_mem>>
        %dma_wait3A_67 = tpu.memref_squeeze %dma_wait3A_66 : memref<1x!tpu.dma_semaphore, #tpu.memory_space<semaphore_mem>> -> memref<!tpu.dma_semaphore, #tpu.memory_space<semaphore_mem>>
        %dma_wait3A_68 = arith.constant 0 : i32
        %dma_wait3A_69 = arith.constant 0 : i32
        %dma_wait3A_70 = tpu.memref_slice %arg11[%dma_wait3A, %dma_wait3A_68, %dma_wait3A_69] : memref<3x1024x1024xf32, #tpu.memory_space<vmem>> -> memref<1x1024x1024xf32, #tpu.memory_space<vmem>>
        %dma_wait3A_71 = tpu.memref_squeeze %dma_wait3A_70 : memref<1x1024x1024xf32, #tpu.memory_space<vmem>> -> memref<1024x1024xf32, #tpu.memory_space<vmem>>
        %dma_wait3A_72 = arith.constant 0 : i32
        %dma_wait3A_73 = arith.constant 0 : i32
        %dma_wait3A_74 = tpu.memref_slice %arg8[%get3A_64, %dma_wait3A_72, %dma_wait3A_73] : memref<64x1024x1024xf32, #tpu.memory_space<hbm>> -> memref<1x1024x1024xf32, #tpu.memory_space<hbm>>
        %dma_wait3A_75 = tpu.memref_squeeze %dma_wait3A_74 : memref<1x1024x1024xf32, #tpu.memory_space<hbm>> -> memref<1024x1024xf32, #tpu.memory_space<hbm>>
        tpu.wait_dma2 semaphore(%dma_wait3A_67 : memref<!tpu.dma_semaphore, #tpu.memory_space<semaphore_mem>>) src(%dma_wait3A_75 : memref<1024x1024xf32, #tpu.memory_space<hbm>>) dst(%dma_wait3A_71 : memref<1024x1024xf32, #tpu.memory_space<vmem>>)
        %get3A_76 = arith.constant 0 : index
        %get3A_77 = arith.constant 0 : index
        %get3A_78 = arith.constant 0 : index
        %get3A_79 = vector.load %arg11[%get3A_76, %get3A_77, %get3A_78] : memref<3x1024x1024xf32, #tpu.memory_space<vmem>>, vector<1x1024x1024xf32>
        %get3A_80 = vector.shape_cast %get3A_79 : vector<1x1024x1024xf32> to vector<1024x1024xf32>
        %dot_general3A = arith.constant dense<0.000000e+00> : vector<64x1024xf32>
        %dot_general3A_81 = tpu.matmul %min3A_23, %get3A_80, %dot_general3A {dimension_numbers = #tpu.dot_dimension_numbers<[1], [1], [0], [0], [0, 0, 1, 0], [], []>, transpose_lhs_hint = false} : vector<64x1024xf32>, vector<1024x1024xf32>, vector<64x1024xf32> -> vector<64x1024xf32>
        %get3A_82 = arith.index_cast %get3A_62 : i32 to index
        %get3A_83 = memref.load %arg4[%get3A_82] : memref<64xf32, #tpu.memory_space<smem>>
        %mul3A_84 = arith.mulf %get3A_14, %get3A_83 : f32
        %mul3A_85 = vector.broadcast %mul3A_84 : f32 to vector<64x1024xf32>
        %mul3A_86 = arith.mulf %dot_general3A_81, %mul3A_85 : vector<64x1024xf32>
        %slice3A = vector.extract_strided_slice %mul3A_86 {offsets = [0, 0], sizes = [64, 512], strides = [1, 1]} : vector<64x1024xf32> to vector<64x512xf32>
        %slice3A_87 = vector.extract_strided_slice %mul3A_86 {offsets = [0, 512], sizes = [64, 512], strides = [1, 1]} : vector<64x1024xf32> to vector<64x512xf32>
        %logistic3A = arith.negf %slice3A : vector<64x512xf32>
        %logistic3A_88 = math.exp %logistic3A : vector<64x512xf32>
        %logistic3A_89 = arith.constant 1.000000e+00 : f32
        %logistic3A_90 = vector.broadcast %logistic3A_89 : f32 to vector<64x512xf32>
        %logistic3A_91 = arith.addf %logistic3A_90, %logistic3A_88 : vector<64x512xf32>
        %logistic3A_92 = arith.divf %logistic3A_90, %logistic3A_91 : vector<64x512xf32>
        %mul3A_93 = arith.mulf %slice3A, %logistic3A_92 : vector<64x512xf32>
        %mul3A_94 = arith.mulf %mul3A_93, %slice3A_87 : vector<64x512xf32>
        %div3A_95 = vector.broadcast %get3A_16 : f32 to vector<64x512xf32>
        %div3A_96 = arith.divf %mul3A_94, %div3A_95 : vector<64x512xf32>
        %jit3A_97 = arith.constant -4.480000e+02 : f32
        %jit3A_98 = arith.constant 4.480000e+02 : f32
        %max3A_99 = vector.broadcast %jit3A_97 : f32 to vector<64x512xf32>
        %max3A_100 = arith.maximumf %max3A_99, %div3A_96 : vector<64x512xf32>
        %min3A_101 = vector.broadcast %jit3A_98 : f32 to vector<64x512xf32>
        %min3A_102 = arith.minimumf %min3A_101, %max3A_100 : vector<64x512xf32>
        %get3A_103 = arith.index_cast %add3A_45 : i32 to index
        %get3A_104 = memref.load %arg0[%get3A_103] : memref<64xi32, #tpu.memory_space<smem>>
        %dma_wait3A_105 = arith.constant 0 : i32
        %dma_wait3A_106 = arith.constant 0 : i32
        %dma_wait3A_107 = tpu.memref_slice %arg14[%dma_wait3A_106] : memref<3x!tpu.dma_semaphore, #tpu.memory_space<semaphore_mem>> -> memref<1x!tpu.dma_semaphore, #tpu.memory_space<semaphore_mem>>
        %dma_wait3A_108 = tpu.memref_squeeze %dma_wait3A_107 : memref<1x!tpu.dma_semaphore, #tpu.memory_space<semaphore_mem>> -> memref<!tpu.dma_semaphore, #tpu.memory_space<semaphore_mem>>
        %dma_wait3A_109 = arith.constant 0 : i32
        %dma_wait3A_110 = arith.constant 0 : i32
        %dma_wait3A_111 = tpu.memref_slice %arg12[%dma_wait3A_105, %dma_wait3A_109, %dma_wait3A_110] : memref<3x1024x512xf32, #tpu.memory_space<vmem>> -> memref<1x1024x512xf32, #tpu.memory_space<vmem>>
        %dma_wait3A_112 = tpu.memref_squeeze %dma_wait3A_111 : memref<1x1024x512xf32, #tpu.memory_space<vmem>> -> memref<1024x512xf32, #tpu.memory_space<vmem>>
        %dma_wait3A_113 = arith.constant 0 : i32
        %dma_wait3A_114 = arith.constant 0 : i32
        %dma_wait3A_115 = tpu.memref_slice %arg9[%get3A_104, %dma_wait3A_113, %dma_wait3A_114] : memref<64x1024x512xf32, #tpu.memory_space<hbm>> -> memref<1x1024x512xf32, #tpu.memory_space<hbm>>
        %dma_wait3A_116 = tpu.memref_squeeze %dma_wait3A_115 : memref<1x1024x512xf32, #tpu.memory_space<hbm>> -> memref<1024x512xf32, #tpu.memory_space<hbm>>
        tpu.wait_dma2 semaphore(%dma_wait3A_108 : memref<!tpu.dma_semaphore, #tpu.memory_space<semaphore_mem>>) src(%dma_wait3A_116 : memref<1024x512xf32, #tpu.memory_space<hbm>>) dst(%dma_wait3A_112 : memref<1024x512xf32, #tpu.memory_space<vmem>>)
        %get3A_117 = arith.constant 0 : index
        %get3A_118 = arith.constant 0 : index
        %get3A_119 = arith.constant 0 : index
        %get3A_120 = vector.load %arg12[%get3A_117, %get3A_118, %get3A_119] : memref<3x1024x512xf32, #tpu.memory_space<vmem>>, vector<1x1024x512xf32>
        %get3A_121 = vector.shape_cast %get3A_120 : vector<1x1024x512xf32> to vector<1024x512xf32>
        %dot_general3A_122 = arith.constant dense<0.000000e+00> : vector<64x1024xf32>
        %dot_general3A_123 = tpu.matmul %min3A_102, %get3A_121, %dot_general3A_122 {dimension_numbers = #tpu.dot_dimension_numbers<[1], [1], [0], [0], [0, 0, 1, 0], [], []>, transpose_lhs_hint = false} : vector<64x512xf32>, vector<1024x512xf32>, vector<64x1024xf32> -> vector<64x1024xf32>
        %get3A_124 = arith.index_cast %get3A_62 : i32 to index
        %get3A_125 = memref.load %arg5[%get3A_124] : memref<64xf32, #tpu.memory_space<smem>>
        %mul3A_126 = arith.mulf %get3A_16, %get3A_125 : f32
        %mul3A_127 = vector.broadcast %mul3A_126 : f32 to vector<64x1024xf32>
        %mul3A_128 = arith.mulf %dot_general3A_123, %mul3A_127 : vector<64x1024xf32>
        %eq3A = vector.broadcast %get3A_62 : i32 to vector<64x1xi32>
        %eq3A_129 = arith.cmpi eq, %iota3A, %eq3A : vector<64x1xi32>
        %jit3A_130 = arith.constant 1.000000e+00 : f32
        %jit3A_131 = arith.constant 0.000000e+00 : f32
        %broadcast_in_dim3A_132 = vector.broadcast %jit3A_130 : f32 to vector<64x1xf32>
        %broadcast_in_dim3A_133 = vector.broadcast %jit3A_131 : f32 to vector<64x1xf32>
        %select_n3A = arith.select %eq3A_129, %broadcast_in_dim3A_132, %broadcast_in_dim3A_133 : vector<64x1xi1>, vector<64x1xf32>
        %dot_general3A_134 = arith.constant dense<0.000000e+00> : vector<64x1xf32>
        %dot_general3A_135 = tpu.matmul %get3A_26, %select_n3A, %dot_general3A_134 {dimension_numbers = #tpu.dot_dimension_numbers<[1], [0], [0], [1], [0, 0, 1, 1], [], []>, transpose_lhs_hint = false} : vector<64x64xf32>, vector<64x1xf32>, vector<64x1xf32> -> vector<64x1xf32>
        %get3A_136 = arith.constant 0 : index
        %get3A_137 = arith.constant 0 : index
        %get3A_138 = vector.load %arg10[%get3A_136, %get3A_137] : memref<64x1024xf32, #tpu.memory_space<vmem>>, vector<64x1024xf32>
        %mul3A_139 = vector.broadcast %dot_general3A_135 : vector<64x1xf32> to vector<64x1024xf32>
        %mul3A_140 = arith.mulf %mul3A_139, %mul3A_128 : vector<64x1024xf32>
        %add3A_141 = arith.addf %get3A_138, %mul3A_140 : vector<64x1024xf32>
        %swap3A_142 = arith.constant 0 : index
        %swap3A_143 = arith.constant 0 : index
        %swap3A_144 = vector.load %arg10[%swap3A_142, %swap3A_143] : memref<64x1024xf32, #tpu.memory_space<vmem>>, vector<64x1024xf32>
        tpu.vector_store %arg10[%swap3A_142, %swap3A_143], %add3A_141 {strides = array<i32>} : memref<64x1024xf32, #tpu.memory_space<vmem>>, vector<64x1024xf32>,
        %add3A_145 = arith.constant 3 : i32
        %add3A_146 = arith.addi %add3A_45, %add3A_145 : i32
        %lt3A_147 = arith.cmpi slt, %add3A_146, %get3A_0 : i32
        %convert_element_type3A_148 = arith.extui %lt3A_147 : i1 to i32
        %cond3A_149 = arith.constant 0 : i32
        %cond3A_150 = arith.cmpi ne, %convert_element_type3A_148, %cond3A_149 : i32
        scf.if %cond3A_150 {
          %get3A_151 = arith.index_cast %add3A_146 : i32 to index
          %get3A_152 = memref.load %arg0[%get3A_151] : memref<64xi32, #tpu.memory_space<smem>>
          %dma_start3A = arith.constant 0 : i32
          %dma_start3A_153 = arith.constant 0 : i32
          %dma_start3A_154 = tpu.memref_slice %arg13[%dma_start3A_153] : memref<3x!tpu.dma_semaphore, #tpu.memory_space<semaphore_mem>> -> memref<1x!tpu.dma_semaphore, #tpu.memory_space<semaphore_mem>>
          %dma_start3A_155 = tpu.memref_squeeze %dma_start3A_154 : memref<1x!tpu.dma_semaphore, #tpu.memory_space<semaphore_mem>> -> memref<!tpu.dma_semaphore, #tpu.memory_space<semaphore_mem>>
          %dma_start3A_156 = arith.constant 0 : i32
          %dma_start3A_157 = arith.constant 0 : i32
          %dma_start3A_158 = tpu.memref_slice %arg11[%dma_start3A, %dma_start3A_156, %dma_start3A_157] : memref<3x1024x1024xf32, #tpu.memory_space<vmem>> -> memref<1x1024x1024xf32, #tpu.memory_space<vmem>>
          %dma_start3A_159 = tpu.memref_squeeze %dma_start3A_158 : memref<1x1024x1024xf32, #tpu.memory_space<vmem>> -> memref<1024x1024xf32, #tpu.memory_space<vmem>>
          %dma_start3A_160 = arith.constant 0 : i32
          %dma_start3A_161 = arith.constant 0 : i32
          %dma_start3A_162 = tpu.memref_slice %arg8[%get3A_152, %dma_start3A_160, %dma_start3A_161] : memref<64x1024x1024xf32, #tpu.memory_space<hbm>> -> memref<1x1024x1024xf32, #tpu.memory_space<hbm>>
          %dma_start3A_163 = tpu.memref_squeeze %dma_start3A_162 : memref<1x1024x1024xf32, #tpu.memory_space<hbm>> -> memref<1024x1024xf32, #tpu.memory_space<hbm>>
          tpu.enqueue_dma source(%dma_start3A_163 : memref<1024x1024xf32, #tpu.memory_space<hbm>>) target(%dma_start3A_159 : memref<1024x1024xf32, #tpu.memory_space<vmem>>) target_semaphore(%dma_start3A_155 : memref<!tpu.dma_semaphore, #tpu.memory_space<semaphore_mem>>)
          %dma_start3A_164 = arith.constant 0 : i32
          %dma_start3A_165 = arith.constant 0 : i32
          %dma_start3A_166 = tpu.memref_slice %arg14[%dma_start3A_165] : memref<3x!tpu.dma_semaphore, #tpu.memory_space<semaphore_mem>> -> memref<1x!tpu.dma_semaphore, #tpu.memory_space<semaphore_mem>>
          %dma_start3A_167 = tpu.memref_squeeze %dma_start3A_166 : memref<1x!tpu.dma_semaphore, #tpu.memory_space<semaphore_mem>> -> memref<!tpu.dma_semaphore, #tpu.memory_space<semaphore_mem>>
          %dma_start3A_168 = arith.constant 0 : i32
          %dma_start3A_169 = arith.constant 0 : i32
          %dma_start3A_170 = tpu.memref_slice %arg12[%dma_start3A_164, %dma_start3A_168, %dma_start3A_169] : memref<3x1024x512xf32, #tpu.memory_space<vmem>> -> memref<1x1024x512xf32, #tpu.memory_space<vmem>>
          %dma_start3A_171 = tpu.memref_squeeze %dma_start3A_170 : memref<1x1024x512xf32, #tpu.memory_space<vmem>> -> memref<1024x512xf32, #tpu.memory_space<vmem>>
          %dma_start3A_172 = arith.constant 0 : i32
          %dma_start3A_173 = arith.constant 0 : i32
          %dma_start3A_174 = tpu.memref_slice %arg9[%get3A_152, %dma_start3A_172, %dma_start3A_173] : memref<64x1024x512xf32, #tpu.memory_space<hbm>> -> memref<1x1024x512xf32, #tpu.memory_space<hbm>>
          %dma_start3A_175 = tpu.memref_squeeze %dma_start3A_174 : memref<1x1024x512xf32, #tpu.memory_space<hbm>> -> memref<1024x512xf32, #tpu.memory_space<hbm>>
          tpu.enqueue_dma source(%dma_start3A_175 : memref<1024x512xf32, #tpu.memory_space<hbm>>) target(%dma_start3A_171 : memref<1024x512xf32, #tpu.memory_space<vmem>>) target_semaphore(%dma_start3A_167 : memref<!tpu.dma_semaphore, #tpu.memory_space<semaphore_mem>>)
        } else {
        }
      } else {
      }
      %add3A_49 = arith.constant 1 : i32
      %add3A_50 = arith.addi %mul3A_43, %add3A_49 : i32
      %lt3A_51 = arith.cmpi slt, %add3A_50, %get3A_0 : i32
      %convert_element_type3A_52 = arith.extui %lt3A_51 : i1 to i32
      %cond3A_53 = arith.constant 0 : i32
      %cond3A_54 = arith.cmpi ne, %convert_element_type3A_52, %cond3A_53 : i32
      scf.if %cond3A_54 {
        %get3A_61 = arith.index_cast %add3A_50 : i32 to index
        %get3A_62 = memref.load %arg0[%get3A_61] : memref<64xi32, #tpu.memory_space<smem>>
        %get3A_63 = arith.index_cast %add3A_50 : i32 to index
        %get3A_64 = memref.load %arg0[%get3A_63] : memref<64xi32, #tpu.memory_space<smem>>
        %dma_wait3A = arith.constant 1 : i32
        %dma_wait3A_65 = arith.constant 1 : i32
        %dma_wait3A_66 = tpu.memref_slice %arg13[%dma_wait3A_65] : memref<3x!tpu.dma_semaphore, #tpu.memory_space<semaphore_mem>> -> memref<1x!tpu.dma_semaphore, #tpu.memory_space<semaphore_mem>>
        %dma_wait3A_67 = tpu.memref_squeeze %dma_wait3A_66 : memref<1x!tpu.dma_semaphore, #tpu.memory_space<semaphore_mem>> -> memref<!tpu.dma_semaphore, #tpu.memory_space<semaphore_mem>>
        %dma_wait3A_68 = arith.constant 0 : i32
        %dma_wait3A_69 = arith.constant 0 : i32
        %dma_wait3A_70 = tpu.memref_slice %arg11[%dma_wait3A, %dma_wait3A_68, %dma_wait3A_69] : memref<3x1024x1024xf32, #tpu.memory_space<vmem>> -> memref<1x1024x1024xf32, #tpu.memory_space<vmem>>
        %dma_wait3A_71 = tpu.memref_squeeze %dma_wait3A_70 : memref<1x1024x1024xf32, #tpu.memory_space<vmem>> -> memref<1024x1024xf32, #tpu.memory_space<vmem>>
        %dma_wait3A_72 = arith.constant 0 : i32
        %dma_wait3A_73 = arith.constant 0 : i32
        %dma_wait3A_74 = tpu.memref_slice %arg8[%get3A_64, %dma_wait3A_72, %dma_wait3A_73] : memref<64x1024x1024xf32, #tpu.memory_space<hbm>> -> memref<1x1024x1024xf32, #tpu.memory_space<hbm>>
        %dma_wait3A_75 = tpu.memref_squeeze %dma_wait3A_74 : memref<1x1024x1024xf32, #tpu.memory_space<hbm>> -> memref<1024x1024xf32, #tpu.memory_space<hbm>>
        tpu.wait_dma2 semaphore(%dma_wait3A_67 : memref<!tpu.dma_semaphore, #tpu.memory_space<semaphore_mem>>) src(%dma_wait3A_75 : memref<1024x1024xf32, #tpu.memory_space<hbm>>) dst(%dma_wait3A_71 : memref<1024x1024xf32, #tpu.memory_space<vmem>>)
        %get3A_76 = arith.constant 1 : index
        %get3A_77 = arith.constant 0 : index
        %get3A_78 = arith.constant 0 : index
        %get3A_79 = vector.load %arg11[%get3A_76, %get3A_77, %get3A_78] : memref<3x1024x1024xf32, #tpu.memory_space<vmem>>, vector<1x1024x1024xf32>
        %get3A_80 = vector.shape_cast %get3A_79 : vector<1x1024x1024xf32> to vector<1024x1024xf32>
        %dot_general3A = arith.constant dense<0.000000e+00> : vector<64x1024xf32>
        %dot_general3A_81 = tpu.matmul %min3A_23, %get3A_80, %dot_general3A {dimension_numbers = #tpu.dot_dimension_numbers<[1], [1], [0], [0], [0, 0, 1, 0], [], []>, transpose_lhs_hint = false} : vector<64x1024xf32>, vector<1024x1024xf32>, vector<64x1024xf32> -> vector<64x1024xf32>
        %get3A_82 = arith.index_cast %get3A_62 : i32 to index
        %get3A_83 = memref.load %arg4[%get3A_82] : memref<64xf32, #tpu.memory_space<smem>>
        %mul3A_84 = arith.mulf %get3A_14, %get3A_83 : f32
        %mul3A_85 = vector.broadcast %mul3A_84 : f32 to vector<64x1024xf32>
        %mul3A_86 = arith.mulf %dot_general3A_81, %mul3A_85 : vector<64x1024xf32>
        %slice3A = vector.extract_strided_slice %mul3A_86 {offsets = [0, 0], sizes = [64, 512], strides = [1, 1]} : vector<64x1024xf32> to vector<64x512xf32>
        %slice3A_87 = vector.extract_strided_slice %mul3A_86 {offsets = [0, 512], sizes = [64, 512], strides = [1, 1]} : vector<64x1024xf32> to vector<64x512xf32>
        %logistic3A = arith.negf %slice3A : vector<64x512xf32>
        %logistic3A_88 = math.exp %logistic3A : vector<64x512xf32>
        %logistic3A_89 = arith.constant 1.000000e+00 : f32
        %logistic3A_90 = vector.broadcast %logistic3A_89 : f32 to vector<64x512xf32>
        %logistic3A_91 = arith.addf %logistic3A_90, %logistic3A_88 : vector<64x512xf32>
        %logistic3A_92 = arith.divf %logistic3A_90, %logistic3A_91 : vector<64x512xf32>
        %mul3A_93 = arith.mulf %slice3A, %logistic3A_92 : vector<64x512xf32>
        %mul3A_94 = arith.mulf %mul3A_93, %slice3A_87 : vector<64x512xf32>
        %div3A_95 = vector.broadcast %get3A_16 : f32 to vector<64x512xf32>
        %div3A_96 = arith.divf %mul3A_94, %div3A_95 : vector<64x512xf32>
        %jit3A_97 = arith.constant -4.480000e+02 : f32
        %jit3A_98 = arith.constant 4.480000e+02 : f32
        %max3A_99 = vector.broadcast %jit3A_97 : f32 to vector<64x512xf32>
        %max3A_100 = arith.maximumf %max3A_99, %div3A_96 : vector<64x512xf32>
        %min3A_101 = vector.broadcast %jit3A_98 : f32 to vector<64x512xf32>
        %min3A_102 = arith.minimumf %min3A_101, %max3A_100 : vector<64x512xf32>
        %get3A_103 = arith.index_cast %add3A_50 : i32 to index
        %get3A_104 = memref.load %arg0[%get3A_103] : memref<64xi32, #tpu.memory_space<smem>>
        %dma_wait3A_105 = arith.constant 1 : i32
        %dma_wait3A_106 = arith.constant 1 : i32
        %dma_wait3A_107 = tpu.memref_slice %arg14[%dma_wait3A_106] : memref<3x!tpu.dma_semaphore, #tpu.memory_space<semaphore_mem>> -> memref<1x!tpu.dma_semaphore, #tpu.memory_space<semaphore_mem>>
        %dma_wait3A_108 = tpu.memref_squeeze %dma_wait3A_107 : memref<1x!tpu.dma_semaphore, #tpu.memory_space<semaphore_mem>> -> memref<!tpu.dma_semaphore, #tpu.memory_space<semaphore_mem>>
        %dma_wait3A_109 = arith.constant 0 : i32
        %dma_wait3A_110 = arith.constant 0 : i32
        %dma_wait3A_111 = tpu.memref_slice %arg12[%dma_wait3A_105, %dma_wait3A_109, %dma_wait3A_110] : memref<3x1024x512xf32, #tpu.memory_space<vmem>> -> memref<1x1024x512xf32, #tpu.memory_space<vmem>>
        %dma_wait3A_112 = tpu.memref_squeeze %dma_wait3A_111 : memref<1x1024x512xf32, #tpu.memory_space<vmem>> -> memref<1024x512xf32, #tpu.memory_space<vmem>>
        %dma_wait3A_113 = arith.constant 0 : i32
        %dma_wait3A_114 = arith.constant 0 : i32
        %dma_wait3A_115 = tpu.memref_slice %arg9[%get3A_104, %dma_wait3A_113, %dma_wait3A_114] : memref<64x1024x512xf32, #tpu.memory_space<hbm>> -> memref<1x1024x512xf32, #tpu.memory_space<hbm>>
        %dma_wait3A_116 = tpu.memref_squeeze %dma_wait3A_115 : memref<1x1024x512xf32, #tpu.memory_space<hbm>> -> memref<1024x512xf32, #tpu.memory_space<hbm>>
        tpu.wait_dma2 semaphore(%dma_wait3A_108 : memref<!tpu.dma_semaphore, #tpu.memory_space<semaphore_mem>>) src(%dma_wait3A_116 : memref<1024x512xf32, #tpu.memory_space<hbm>>) dst(%dma_wait3A_112 : memref<1024x512xf32, #tpu.memory_space<vmem>>)
        %get3A_117 = arith.constant 1 : index
        %get3A_118 = arith.constant 0 : index
        %get3A_119 = arith.constant 0 : index
        %get3A_120 = vector.load %arg12[%get3A_117, %get3A_118, %get3A_119] : memref<3x1024x512xf32, #tpu.memory_space<vmem>>, vector<1x1024x512xf32>
        %get3A_121 = vector.shape_cast %get3A_120 : vector<1x1024x512xf32> to vector<1024x512xf32>
        %dot_general3A_122 = arith.constant dense<0.000000e+00> : vector<64x1024xf32>
        %dot_general3A_123 = tpu.matmul %min3A_102, %get3A_121, %dot_general3A_122 {dimension_numbers = #tpu.dot_dimension_numbers<[1], [1], [0], [0], [0, 0, 1, 0], [], []>, transpose_lhs_hint = false} : vector<64x512xf32>, vector<1024x512xf32>, vector<64x1024xf32> -> vector<64x1024xf32>
        %get3A_124 = arith.index_cast %get3A_62 : i32 to index
        %get3A_125 = memref.load %arg5[%get3A_124] : memref<64xf32, #tpu.memory_space<smem>>
        %mul3A_126 = arith.mulf %get3A_16, %get3A_125 : f32
        %mul3A_127 = vector.broadcast %mul3A_126 : f32 to vector<64x1024xf32>
        %mul3A_128 = arith.mulf %dot_general3A_123, %mul3A_127 : vector<64x1024xf32>
        %eq3A = vector.broadcast %get3A_62 : i32 to vector<64x1xi32>
        %eq3A_129 = arith.cmpi eq, %iota3A, %eq3A : vector<64x1xi32>
        %jit3A_130 = arith.constant 1.000000e+00 : f32
        %jit3A_131 = arith.constant 0.000000e+00 : f32
        %broadcast_in_dim3A_132 = vector.broadcast %jit3A_130 : f32 to vector<64x1xf32>
        %broadcast_in_dim3A_133 = vector.broadcast %jit3A_131 : f32 to vector<64x1xf32>
        %select_n3A = arith.select %eq3A_129, %broadcast_in_dim3A_132, %broadcast_in_dim3A_133 : vector<64x1xi1>, vector<64x1xf32>
        %dot_general3A_134 = arith.constant dense<0.000000e+00> : vector<64x1xf32>
        %dot_general3A_135 = tpu.matmul %get3A_26, %select_n3A, %dot_general3A_134 {dimension_numbers = #tpu.dot_dimension_numbers<[1], [0], [0], [1], [0, 0, 1, 1], [], []>, transpose_lhs_hint = false} : vector<64x64xf32>, vector<64x1xf32>, vector<64x1xf32> -> vector<64x1xf32>
        %get3A_136 = arith.constant 0 : index
        %get3A_137 = arith.constant 0 : index
        %get3A_138 = vector.load %arg10[%get3A_136, %get3A_137] : memref<64x1024xf32, #tpu.memory_space<vmem>>, vector<64x1024xf32>
        %mul3A_139 = vector.broadcast %dot_general3A_135 : vector<64x1xf32> to vector<64x1024xf32>
        %mul3A_140 = arith.mulf %mul3A_139, %mul3A_128 : vector<64x1024xf32>
        %add3A_141 = arith.addf %get3A_138, %mul3A_140 : vector<64x1024xf32>
        %swap3A_142 = arith.constant 0 : index
        %swap3A_143 = arith.constant 0 : index
        %swap3A_144 = vector.load %arg10[%swap3A_142, %swap3A_143] : memref<64x1024xf32, #tpu.memory_space<vmem>>, vector<64x1024xf32>
        tpu.vector_store %arg10[%swap3A_142, %swap3A_143], %add3A_141 {strides = array<i32>} : memref<64x1024xf32, #tpu.memory_space<vmem>>, vector<64x1024xf32>,
        %add3A_145 = arith.constant 3 : i32
        %add3A_146 = arith.addi %add3A_50, %add3A_145 : i32
        %lt3A_147 = arith.cmpi slt, %add3A_146, %get3A_0 : i32
        %convert_element_type3A_148 = arith.extui %lt3A_147 : i1 to i32
        %cond3A_149 = arith.constant 0 : i32
        %cond3A_150 = arith.cmpi ne, %convert_element_type3A_148, %cond3A_149 : i32
        scf.if %cond3A_150 {
          %get3A_151 = arith.index_cast %add3A_146 : i32 to index
          %get3A_152 = memref.load %arg0[%get3A_151] : memref<64xi32, #tpu.memory_space<smem>>
          %dma_start3A = arith.constant 1 : i32
          %dma_start3A_153 = arith.constant 1 : i32
          %dma_start3A_154 = tpu.memref_slice %arg13[%dma_start3A_153] : memref<3x!tpu.dma_semaphore, #tpu.memory_space<semaphore_mem>> -> memref<1x!tpu.dma_semaphore, #tpu.memory_space<semaphore_mem>>
          %dma_start3A_155 = tpu.memref_squeeze %dma_start3A_154 : memref<1x!tpu.dma_semaphore, #tpu.memory_space<semaphore_mem>> -> memref<!tpu.dma_semaphore, #tpu.memory_space<semaphore_mem>>
          %dma_start3A_156 = arith.constant 0 : i32
          %dma_start3A_157 = arith.constant 0 : i32
          %dma_start3A_158 = tpu.memref_slice %arg11[%dma_start3A, %dma_start3A_156, %dma_start3A_157] : memref<3x1024x1024xf32, #tpu.memory_space<vmem>> -> memref<1x1024x1024xf32, #tpu.memory_space<vmem>>
          %dma_start3A_159 = tpu.memref_squeeze %dma_start3A_158 : memref<1x1024x1024xf32, #tpu.memory_space<vmem>> -> memref<1024x1024xf32, #tpu.memory_space<vmem>>
          %dma_start3A_160 = arith.constant 0 : i32
          %dma_start3A_161 = arith.constant 0 : i32
          %dma_start3A_162 = tpu.memref_slice %arg8[%get3A_152, %dma_start3A_160, %dma_start3A_161] : memref<64x1024x1024xf32, #tpu.memory_space<hbm>> -> memref<1x1024x1024xf32, #tpu.memory_space<hbm>>
          %dma_start3A_163 = tpu.memref_squeeze %dma_start3A_162 : memref<1x1024x1024xf32, #tpu.memory_space<hbm>> -> memref<1024x1024xf32, #tpu.memory_space<hbm>>
          tpu.enqueue_dma source(%dma_start3A_163 : memref<1024x1024xf32, #tpu.memory_space<hbm>>) target(%dma_start3A_159 : memref<1024x1024xf32, #tpu.memory_space<vmem>>) target_semaphore(%dma_start3A_155 : memref<!tpu.dma_semaphore, #tpu.memory_space<semaphore_mem>>)
          %dma_start3A_164 = arith.constant 1 : i32
          %dma_start3A_165 = arith.constant 1 : i32
          %dma_start3A_166 = tpu.memref_slice %arg14[%dma_start3A_165] : memref<3x!tpu.dma_semaphore, #tpu.memory_space<semaphore_mem>> -> memref<1x!tpu.dma_semaphore, #tpu.memory_space<semaphore_mem>>
          %dma_start3A_167 = tpu.memref_squeeze %dma_start3A_166 : memref<1x!tpu.dma_semaphore, #tpu.memory_space<semaphore_mem>> -> memref<!tpu.dma_semaphore, #tpu.memory_space<semaphore_mem>>
          %dma_start3A_168 = arith.constant 0 : i32
          %dma_start3A_169 = arith.constant 0 : i32
          %dma_start3A_170 = tpu.memref_slice %arg12[%dma_start3A_164, %dma_start3A_168, %dma_start3A_169] : memref<3x1024x512xf32, #tpu.memory_space<vmem>> -> memref<1x1024x512xf32, #tpu.memory_space<vmem>>
          %dma_start3A_171 = tpu.memref_squeeze %dma_start3A_170 : memref<1x1024x512xf32, #tpu.memory_space<vmem>> -> memref<1024x512xf32, #tpu.memory_space<vmem>>
          %dma_start3A_172 = arith.constant 0 : i32
          %dma_start3A_173 = arith.constant 0 : i32
          %dma_start3A_174 = tpu.memref_slice %arg9[%get3A_152, %dma_start3A_172, %dma_start3A_173] : memref<64x1024x512xf32, #tpu.memory_space<hbm>> -> memref<1x1024x512xf32, #tpu.memory_space<hbm>>
          %dma_start3A_175 = tpu.memref_squeeze %dma_start3A_174 : memref<1x1024x512xf32, #tpu.memory_space<hbm>> -> memref<1024x512xf32, #tpu.memory_space<hbm>>
          tpu.enqueue_dma source(%dma_start3A_175 : memref<1024x512xf32, #tpu.memory_space<hbm>>) target(%dma_start3A_171 : memref<1024x512xf32, #tpu.memory_space<vmem>>) target_semaphore(%dma_start3A_167 : memref<!tpu.dma_semaphore, #tpu.memory_space<semaphore_mem>>)
        } else {
        }
      } else {
      }
      %add3A_55 = arith.constant 2 : i32
      %add3A_56 = arith.addi %mul3A_43, %add3A_55 : i32
      %lt3A_57 = arith.cmpi slt, %add3A_56, %get3A_0 : i32
      %convert_element_type3A_58 = arith.extui %lt3A_57 : i1 to i32
      %cond3A_59 = arith.constant 0 : i32
      %cond3A_60 = arith.cmpi ne, %convert_element_type3A_58, %cond3A_59 : i32
      scf.if %cond3A_60 {
        %get3A_61 = arith.index_cast %add3A_56 : i32 to index
        %get3A_62 = memref.load %arg0[%get3A_61] : memref<64xi32, #tpu.memory_space<smem>>
        %get3A_63 = arith.index_cast %add3A_56 : i32 to index
        %get3A_64 = memref.load %arg0[%get3A_63] : memref<64xi32, #tpu.memory_space<smem>>
        %dma_wait3A = arith.constant 2 : i32
        %dma_wait3A_65 = arith.constant 2 : i32
        %dma_wait3A_66 = tpu.memref_slice %arg13[%dma_wait3A_65] : memref<3x!tpu.dma_semaphore, #tpu.memory_space<semaphore_mem>> -> memref<1x!tpu.dma_semaphore, #tpu.memory_space<semaphore_mem>>
        %dma_wait3A_67 = tpu.memref_squeeze %dma_wait3A_66 : memref<1x!tpu.dma_semaphore, #tpu.memory_space<semaphore_mem>> -> memref<!tpu.dma_semaphore, #tpu.memory_space<semaphore_mem>>
        %dma_wait3A_68 = arith.constant 0 : i32
        %dma_wait3A_69 = arith.constant 0 : i32
        %dma_wait3A_70 = tpu.memref_slice %arg11[%dma_wait3A, %dma_wait3A_68, %dma_wait3A_69] : memref<3x1024x1024xf32, #tpu.memory_space<vmem>> -> memref<1x1024x1024xf32, #tpu.memory_space<vmem>>
        %dma_wait3A_71 = tpu.memref_squeeze %dma_wait3A_70 : memref<1x1024x1024xf32, #tpu.memory_space<vmem>> -> memref<1024x1024xf32, #tpu.memory_space<vmem>>
        %dma_wait3A_72 = arith.constant 0 : i32
        %dma_wait3A_73 = arith.constant 0 : i32
        %dma_wait3A_74 = tpu.memref_slice %arg8[%get3A_64, %dma_wait3A_72, %dma_wait3A_73] : memref<64x1024x1024xf32, #tpu.memory_space<hbm>> -> memref<1x1024x1024xf32, #tpu.memory_space<hbm>>
        %dma_wait3A_75 = tpu.memref_squeeze %dma_wait3A_74 : memref<1x1024x1024xf32, #tpu.memory_space<hbm>> -> memref<1024x1024xf32, #tpu.memory_space<hbm>>
        tpu.wait_dma2 semaphore(%dma_wait3A_67 : memref<!tpu.dma_semaphore, #tpu.memory_space<semaphore_mem>>) src(%dma_wait3A_75 : memref<1024x1024xf32, #tpu.memory_space<hbm>>) dst(%dma_wait3A_71 : memref<1024x1024xf32, #tpu.memory_space<vmem>>)
        %get3A_76 = arith.constant 2 : index
        %get3A_77 = arith.constant 0 : index
        %get3A_78 = arith.constant 0 : index
        %get3A_79 = vector.load %arg11[%get3A_76, %get3A_77, %get3A_78] : memref<3x1024x1024xf32, #tpu.memory_space<vmem>>, vector<1x1024x1024xf32>
        %get3A_80 = vector.shape_cast %get3A_79 : vector<1x1024x1024xf32> to vector<1024x1024xf32>
        %dot_general3A = arith.constant dense<0.000000e+00> : vector<64x1024xf32>
        %dot_general3A_81 = tpu.matmul %min3A_23, %get3A_80, %dot_general3A {dimension_numbers = #tpu.dot_dimension_numbers<[1], [1], [0], [0], [0, 0, 1, 0], [], []>, transpose_lhs_hint = false} : vector<64x1024xf32>, vector<1024x1024xf32>, vector<64x1024xf32> -> vector<64x1024xf32>
        %get3A_82 = arith.index_cast %get3A_62 : i32 to index
        %get3A_83 = memref.load %arg4[%get3A_82] : memref<64xf32, #tpu.memory_space<smem>>
        %mul3A_84 = arith.mulf %get3A_14, %get3A_83 : f32
        %mul3A_85 = vector.broadcast %mul3A_84 : f32 to vector<64x1024xf32>
        %mul3A_86 = arith.mulf %dot_general3A_81, %mul3A_85 : vector<64x1024xf32>
        %slice3A = vector.extract_strided_slice %mul3A_86 {offsets = [0, 0], sizes = [64, 512], strides = [1, 1]} : vector<64x1024xf32> to vector<64x512xf32>
        %slice3A_87 = vector.extract_strided_slice %mul3A_86 {offsets = [0, 512], sizes = [64, 512], strides = [1, 1]} : vector<64x1024xf32> to vector<64x512xf32>
        %logistic3A = arith.negf %slice3A : vector<64x512xf32>
        %logistic3A_88 = math.exp %logistic3A : vector<64x512xf32>
        %logistic3A_89 = arith.constant 1.000000e+00 : f32
        %logistic3A_90 = vector.broadcast %logistic3A_89 : f32 to vector<64x512xf32>
        %logistic3A_91 = arith.addf %logistic3A_90, %logistic3A_88 : vector<64x512xf32>
        %logistic3A_92 = arith.divf %logistic3A_90, %logistic3A_91 : vector<64x512xf32>
        %mul3A_93 = arith.mulf %slice3A, %logistic3A_92 : vector<64x512xf32>
        %mul3A_94 = arith.mulf %mul3A_93, %slice3A_87 : vector<64x512xf32>
        %div3A_95 = vector.broadcast %get3A_16 : f32 to vector<64x512xf32>
        %div3A_96 = arith.divf %mul3A_94, %div3A_95 : vector<64x512xf32>
        %jit3A_97 = arith.constant -4.480000e+02 : f32
        %jit3A_98 = arith.constant 4.480000e+02 : f32
        %max3A_99 = vector.broadcast %jit3A_97 : f32 to vector<64x512xf32>
        %max3A_100 = arith.maximumf %max3A_99, %div3A_96 : vector<64x512xf32>
        %min3A_101 = vector.broadcast %jit3A_98 : f32 to vector<64x512xf32>
        %min3A_102 = arith.minimumf %min3A_101, %max3A_100 : vector<64x512xf32>
        %get3A_103 = arith.index_cast %add3A_56 : i32 to index
        %get3A_104 = memref.load %arg0[%get3A_103] : memref<64xi32, #tpu.memory_space<smem>>
        %dma_wait3A_105 = arith.constant 2 : i32
        %dma_wait3A_106 = arith.constant 2 : i32
        %dma_wait3A_107 = tpu.memref_slice %arg14[%dma_wait3A_106] : memref<3x!tpu.dma_semaphore, #tpu.memory_space<semaphore_mem>> -> memref<1x!tpu.dma_semaphore, #tpu.memory_space<semaphore_mem>>
        %dma_wait3A_108 = tpu.memref_squeeze %dma_wait3A_107 : memref<1x!tpu.dma_semaphore, #tpu.memory_space<semaphore_mem>> -> memref<!tpu.dma_semaphore, #tpu.memory_space<semaphore_mem>>
        %dma_wait3A_109 = arith.constant 0 : i32
        %dma_wait3A_110 = arith.constant 0 : i32
        %dma_wait3A_111 = tpu.memref_slice %arg12[%dma_wait3A_105, %dma_wait3A_109, %dma_wait3A_110] : memref<3x1024x512xf32, #tpu.memory_space<vmem>> -> memref<1x1024x512xf32, #tpu.memory_space<vmem>>
        %dma_wait3A_112 = tpu.memref_squeeze %dma_wait3A_111 : memref<1x1024x512xf32, #tpu.memory_space<vmem>> -> memref<1024x512xf32, #tpu.memory_space<vmem>>
        %dma_wait3A_113 = arith.constant 0 : i32
        %dma_wait3A_114 = arith.constant 0 : i32
        %dma_wait3A_115 = tpu.memref_slice %arg9[%get3A_104, %dma_wait3A_113, %dma_wait3A_114] : memref<64x1024x512xf32, #tpu.memory_space<hbm>> -> memref<1x1024x512xf32, #tpu.memory_space<hbm>>
        %dma_wait3A_116 = tpu.memref_squeeze %dma_wait3A_115 : memref<1x1024x512xf32, #tpu.memory_space<hbm>> -> memref<1024x512xf32, #tpu.memory_space<hbm>>
        tpu.wait_dma2 semaphore(%dma_wait3A_108 : memref<!tpu.dma_semaphore, #tpu.memory_space<semaphore_mem>>) src(%dma_wait3A_116 : memref<1024x512xf32, #tpu.memory_space<hbm>>) dst(%dma_wait3A_112 : memref<1024x512xf32, #tpu.memory_space<vmem>>)
        %get3A_117 = arith.constant 2 : index
        %get3A_118 = arith.constant 0 : index
        %get3A_119 = arith.constant 0 : index
        %get3A_120 = vector.load %arg12[%get3A_117, %get3A_118, %get3A_119] : memref<3x1024x512xf32, #tpu.memory_space<vmem>>, vector<1x1024x512xf32>
        %get3A_121 = vector.shape_cast %get3A_120 : vector<1x1024x512xf32> to vector<1024x512xf32>
        %dot_general3A_122 = arith.constant dense<0.000000e+00> : vector<64x1024xf32>
        %dot_general3A_123 = tpu.matmul %min3A_102, %get3A_121, %dot_general3A_122 {dimension_numbers = #tpu.dot_dimension_numbers<[1], [1], [0], [0], [0, 0, 1, 0], [], []>, transpose_lhs_hint = false} : vector<64x512xf32>, vector<1024x512xf32>, vector<64x1024xf32> -> vector<64x1024xf32>
        %get3A_124 = arith.index_cast %get3A_62 : i32 to index
        %get3A_125 = memref.load %arg5[%get3A_124] : memref<64xf32, #tpu.memory_space<smem>>
        %mul3A_126 = arith.mulf %get3A_16, %get3A_125 : f32
        %mul3A_127 = vector.broadcast %mul3A_126 : f32 to vector<64x1024xf32>
        %mul3A_128 = arith.mulf %dot_general3A_123, %mul3A_127 : vector<64x1024xf32>
        %eq3A = vector.broadcast %get3A_62 : i32 to vector<64x1xi32>
        %eq3A_129 = arith.cmpi eq, %iota3A, %eq3A : vector<64x1xi32>
        %jit3A_130 = arith.constant 1.000000e+00 : f32
        %jit3A_131 = arith.constant 0.000000e+00 : f32
        %broadcast_in_dim3A_132 = vector.broadcast %jit3A_130 : f32 to vector<64x1xf32>
        %broadcast_in_dim3A_133 = vector.broadcast %jit3A_131 : f32 to vector<64x1xf32>
        %select_n3A = arith.select %eq3A_129, %broadcast_in_dim3A_132, %broadcast_in_dim3A_133 : vector<64x1xi1>, vector<64x1xf32>
        %dot_general3A_134 = arith.constant dense<0.000000e+00> : vector<64x1xf32>
        %dot_general3A_135 = tpu.matmul %get3A_26, %select_n3A, %dot_general3A_134 {dimension_numbers = #tpu.dot_dimension_numbers<[1], [0], [0], [1], [0, 0, 1, 1], [], []>, transpose_lhs_hint = false} : vector<64x64xf32>, vector<64x1xf32>, vector<64x1xf32> -> vector<64x1xf32>
        %get3A_136 = arith.constant 0 : index
        %get3A_137 = arith.constant 0 : index
        %get3A_138 = vector.load %arg10[%get3A_136, %get3A_137] : memref<64x1024xf32, #tpu.memory_space<vmem>>, vector<64x1024xf32>
        %mul3A_139 = vector.broadcast %dot_general3A_135 : vector<64x1xf32> to vector<64x1024xf32>
        %mul3A_140 = arith.mulf %mul3A_139, %mul3A_128 : vector<64x1024xf32>
        %add3A_141 = arith.addf %get3A_138, %mul3A_140 : vector<64x1024xf32>
        %swap3A_142 = arith.constant 0 : index
        %swap3A_143 = arith.constant 0 : index
        %swap3A_144 = vector.load %arg10[%swap3A_142, %swap3A_143] : memref<64x1024xf32, #tpu.memory_space<vmem>>, vector<64x1024xf32>
        tpu.vector_store %arg10[%swap3A_142, %swap3A_143], %add3A_141 {strides = array<i32>} : memref<64x1024xf32, #tpu.memory_space<vmem>>, vector<64x1024xf32>,
        %add3A_145 = arith.constant 3 : i32
        %add3A_146 = arith.addi %add3A_56, %add3A_145 : i32
        %lt3A_147 = arith.cmpi slt, %add3A_146, %get3A_0 : i32
        %convert_element_type3A_148 = arith.extui %lt3A_147 : i1 to i32
        %cond3A_149 = arith.constant 0 : i32
        %cond3A_150 = arith.cmpi ne, %convert_element_type3A_148, %cond3A_149 : i32
        scf.if %cond3A_150 {
          %get3A_151 = arith.index_cast %add3A_146 : i32 to index
          %get3A_152 = memref.load %arg0[%get3A_151] : memref<64xi32, #tpu.memory_space<smem>>
          %dma_start3A = arith.constant 2 : i32
          %dma_start3A_153 = arith.constant 2 : i32
          %dma_start3A_154 = tpu.memref_slice %arg13[%dma_start3A_153] : memref<3x!tpu.dma_semaphore, #tpu.memory_space<semaphore_mem>> -> memref<1x!tpu.dma_semaphore, #tpu.memory_space<semaphore_mem>>
          %dma_start3A_155 = tpu.memref_squeeze %dma_start3A_154 : memref<1x!tpu.dma_semaphore, #tpu.memory_space<semaphore_mem>> -> memref<!tpu.dma_semaphore, #tpu.memory_space<semaphore_mem>>
          %dma_start3A_156 = arith.constant 0 : i32
          %dma_start3A_157 = arith.constant 0 : i32
          %dma_start3A_158 = tpu.memref_slice %arg11[%dma_start3A, %dma_start3A_156, %dma_start3A_157] : memref<3x1024x1024xf32, #tpu.memory_space<vmem>> -> memref<1x1024x1024xf32, #tpu.memory_space<vmem>>
          %dma_start3A_159 = tpu.memref_squeeze %dma_start3A_158 : memref<1x1024x1024xf32, #tpu.memory_space<vmem>> -> memref<1024x1024xf32, #tpu.memory_space<vmem>>
          %dma_start3A_160 = arith.constant 0 : i32
          %dma_start3A_161 = arith.constant 0 : i32
          %dma_start3A_162 = tpu.memref_slice %arg8[%get3A_152, %dma_start3A_160, %dma_start3A_161] : memref<64x1024x1024xf32, #tpu.memory_space<hbm>> -> memref<1x1024x1024xf32, #tpu.memory_space<hbm>>
          %dma_start3A_163 = tpu.memref_squeeze %dma_start3A_162 : memref<1x1024x1024xf32, #tpu.memory_space<hbm>> -> memref<1024x1024xf32, #tpu.memory_space<hbm>>
          tpu.enqueue_dma source(%dma_start3A_163 : memref<1024x1024xf32, #tpu.memory_space<hbm>>) target(%dma_start3A_159 : memref<1024x1024xf32, #tpu.memory_space<vmem>>) target_semaphore(%dma_start3A_155 : memref<!tpu.dma_semaphore, #tpu.memory_space<semaphore_mem>>)
          %dma_start3A_164 = arith.constant 2 : i32
          %dma_start3A_165 = arith.constant 2 : i32
          %dma_start3A_166 = tpu.memref_slice %arg14[%dma_start3A_165] : memref<3x!tpu.dma_semaphore, #tpu.memory_space<semaphore_mem>> -> memref<1x!tpu.dma_semaphore, #tpu.memory_space<semaphore_mem>>
          %dma_start3A_167 = tpu.memref_squeeze %dma_start3A_166 : memref<1x!tpu.dma_semaphore, #tpu.memory_space<semaphore_mem>> -> memref<!tpu.dma_semaphore, #tpu.memory_space<semaphore_mem>>
          %dma_start3A_168 = arith.constant 0 : i32
          %dma_start3A_169 = arith.constant 0 : i32
          %dma_start3A_170 = tpu.memref_slice %arg12[%dma_start3A_164, %dma_start3A_168, %dma_start3A_169] : memref<3x1024x512xf32, #tpu.memory_space<vmem>> -> memref<1x1024x512xf32, #tpu.memory_space<vmem>>
          %dma_start3A_171 = tpu.memref_squeeze %dma_start3A_170 : memref<1x1024x512xf32, #tpu.memory_space<vmem>> -> memref<1024x512xf32, #tpu.memory_space<vmem>>
          %dma_start3A_172 = arith.constant 0 : i32
          %dma_start3A_173 = arith.constant 0 : i32
          %dma_start3A_174 = tpu.memref_slice %arg9[%get3A_152, %dma_start3A_172, %dma_start3A_173] : memref<64x1024x512xf32, #tpu.memory_space<hbm>> -> memref<1x1024x512xf32, #tpu.memory_space<hbm>>
          %dma_start3A_175 = tpu.memref_squeeze %dma_start3A_174 : memref<1x1024x512xf32, #tpu.memory_space<hbm>> -> memref<1024x512xf32, #tpu.memory_space<hbm>>
          tpu.enqueue_dma source(%dma_start3A_175 : memref<1024x512xf32, #tpu.memory_space<hbm>>) target(%dma_start3A_171 : memref<1024x512xf32, #tpu.memory_space<vmem>>) target_semaphore(%dma_start3A_167 : memref<!tpu.dma_semaphore, #tpu.memory_space<semaphore_mem>>)
        } else {
        }
      } else {
      }
    }
    return
  }
}

</mosaic_0001>

<sc_bundles>
// kernel: kernel.4.cloned.1.call-start
scs
__scs_entry_jumppad:
0x0: {  	(pc) =	sbr.rel $0x88, $3  }
0x1: {  	(tag) =	ssettag $0x0;
	lr =	simm.s32 $0x1  }
0x2: {  	[smem:$0x3F99] =	sst lr;
	_ =	strace $0xD0000000  }
0x3: {  	_ = 	snop  }
0x4: {  	_ = 	snop  }
0x5: {  	_ = 	snop  }
0x6: {  	_ = 	snop  }
0x7: {  	_ = 	snop  }
__scs_overlays_trampoline_lowered:
0x8: {  	[smem:$0x3FA8] =	sst s0  }
0x9: {  	[smem:$0x3FA9] =	sst s1  }
0xa: {  	[smem:$0x3FAA] =	sst s2  }
0xb: {  	[smem:$0x3FAB] =	sst s3  }
0xc: {  	[smem:$0x3FAC] =	sst s4  }
0xd: {  	[smem:$0x3FAD] =	sst s5  }
0xe: {  	[smem:$0x3FAE] =	sst s6  }
0xf: {  	[smem:$0x3FAF] =	sst s7  }
0x10: {  	[smem:$0x3FB0] =	sst s8  }
0x11: {  	[smem:$0x3FB1] =	sst s9;
	s0 =	simm.s32 @!p0 $0x0  }
0x12: {  	s1 =	sld [smem:$0x3F97];
	s0 =	simm.s32 @p0 $0x1  }
0x13: {  	[smem:$0x3FB2] =	sst s0;
	s0 =	simm.s32 @!p1 $0x0  }
0x14: {  	s2 =	sld [smem:$0x3F96];
	s0 =	simm.s32 @p1 $0x1  }
0x15: {  	[smem:$0x3FB3] =	sst s0;
	s0 =	simm.s32 @!p2 $0x0  }
0x16: {  	s3 =	sld [smem:$0x3FDB];
	s0 =	simm.s32 @p2 $0x1  }
0x17: {  	s4 =	simm.s32 $0x1BF5;
	[smem:$0x3FB5] =	sst s0  }
0x18: {  	s0 =	sld [smem:$0x3F98];
	_ =	swait.ge [sflag:s4], $0x0  }
0x19: {  	s7 =	sld [smem:$0x3F99]  }
0x1a: {  	s8 =	sadd.s32 $0xFFFFE003, lr  }
0x1b: {  	s9 =	sadd.s32 $0xFFFFFEF7, lr;
	s5 =	simm.s32 $0xFFFFFFFF;
	p2 =	slt.u32 s8, $0xFFFFF086  }
0x1c: {  	p1 =	slt.u32 s9, $0xF7A;
	s5 =	simm.s32 @!p2 $0x0  }
0x1d: {  	s5 =	simm.s32 @p1 $0x1;
	p0 =	seq.s32 s7, s2  }
0x1e: {  	s7 =	smul.u32 @!p0 $0xF7A, s2;
	p2 =	seq.s32 @!p0 s5, $0x0  }
0x1f: {  	s9 =	smul.u32 $0xF7A, s1;
	s8 =	simm.s32 @!p0 $0x1BF5;
	p2 =	por !p2, p0  }
0x20: {  	[sflag:s8] =	ssyncset.s32 @!p0 $0xFFFFF086;
	s6 =	sadd.s32 @!p0 s3, s7;
	s7 =	simm.s32 @!p0 $0x108  }
0x21: {  	s3 =	sadd.s32 s3, s9;
	s6 =	sadd.s32 @!p0 $0x88, s6;
	s7 =	simm.s32 @p2 $0x1082  }
0x22: {  	[simem:s7], [sflag:s8] =	dma.local @!p0 [hbm:s6], $0xF7A  }
0x23: {  	s9 =	sor.u32 $0xD0000000, s2;
	s6 =	simm.s32 $0x108;
	_ =	swait.ge @!p0 [sflag:s8], $0x0  }
0x24: {  	s3 =	sadd.s32 $0x88, s3;
	s6 =	simm.s32 @!p1 $0x1082;
	[sflag:s4] =	ssyncset.s32 $0xFFFFF086  }
0x25: {  	[simem:s6], [sflag:s4] =	dma.local [hbm:s3], $0xF7A  }
0x26: {  	[smem:$0x3F99] =	sst s1;
	(tag) =	ssettag s2;
	_ =	strace s9  }
0x27: {  	s1 =	sld [smem:$0x3FA9]  }
0x28: {  	s2 =	sld [smem:$0x3FAA]  }
0x29: {  	s4 =	sld [smem:$0x3FAC]  }
0x2a: {  	p0 =	seq.s32 s5, $0x0;
	s5 =	sld [smem:$0x3FAD]  }
0x2b: {  	s6 =	sld [smem:$0x3FAE]  }
0x2c: {  	s7 =	sld [smem:$0x3FAF]  }
0x2d: {  	s3 =	simm.s32 $0x108;
	s8 =	sld [smem:$0x3FB0]  }
0x2e: {  	s3 =	simm.s32 @!p0 $0x1082;
	s9 =	sld [smem:$0x3FB1]  }
0x2f: {  	lr =	sadd.s32 s0, s3;
	s0 =	sld [smem:$0x3FA8]  }
0x30: {  	s3 =	sld [smem:$0x3FAB]  }
0x31: {  	[smem:$0x3FB4] =	sst s10  }
0x32: {  	s10 =	sld [smem:$0x3FB2];
	_ =	sdelay $0x3  }
0x33: {  	p0 =	seq.s32 s10, $0x1;
	s10 =	sld [smem:$0x3FB4];
	_ =	sdelay $0x3  }
0x34: {  	[smem:$0x3FB4] =	sst s10  }
0x35: {  	s10 =	sld [smem:$0x3FB3];
	_ =	sdelay $0x3  }
0x36: {  	p1 =	seq.s32 s10, $0x1;
	s10 =	sld [smem:$0x3FB4];
	_ =	sdelay $0x3  }
0x37: {  	[smem:$0x3FB4] =	sst s10  }
0x38: {  	s10 =	sld [smem:$0x3FB5]  }
0x39: {  	_ = 	snop;
	(pc) =	sbr.ind lr, $3  }
0x3a: {  	_ = 	snop  }
0x3b: {  	_ = 	snop  }
0x3c: {  	p2 =	seq.s32 s10, $0x1;
	s10 =	sld [smem:$0x3FB4]  }
0x3d: {  	_ =	shalt  }
0x3e: {  	_ =	shalt  }
0x3f: {  	_ =	shalt  }
0x40: {  	_ =	shalt  }
0x41: {  	_ =	shalt  }
0x42: {  	_ =	shalt  }
0x43: {  	_ =	shalt  }
0x44: {  	_ =	shalt  }
0x45: {  	_ =	shalt  }
0x46: {  	_ =	shalt  }
0x47: {  	_ =	shalt  }
0x48: {  	_ =	shalt  }
0x49: {  	_ =	shalt  }
0x4a: {  	_ =	shalt  }
0x4b: {  	_ =	shalt  }
0x4c: {  	_ =	shalt  }
0x4d: {  	_ =	shalt  }
0x4e: {  	_ =	shalt  }
0x4f: {  	_ =	shalt  }
0x50: {  	_ =	shalt  }
0x51: {  	_ =	shalt  }
0x52: {  	_ =	shalt  }
0x53: {  	_ =	shalt  }
0x54: {  	_ =	shalt  }
0x55: {  	_ =	shalt  }
0x56: {  	_ =	shalt  }
0x57: {  	_ =	shalt  }
0x58: {  	_ =	shalt  }
0x59: {  	_ =	shalt  }
0x5a: {  	_ =	shalt  }
0x5b: {  	_ =	shalt  }
0x5c: {  	_ =	shalt  }
0x5d: {  	_ =	shalt  }
0x5e: {  	_ =	shalt  }
0x5f: {  	_ =	shalt  }
0x60: {  	_ =	shalt  }
0x61: {  	_ =	shalt  }
0x62: {  	_ =	shalt  }
0x63: {  	_ =	shalt  }
0x64: {  	_ =	shalt  }
0x65: {  	_ =	shalt  }
0x66: {  	_ =	shalt  }
0x67: {  	_ =	shalt  }
0x68: {  	_ =	shalt  }
0x69: {  	_ =	shalt  }
0x6a: {  	_ =	shalt  }
0x6b: {  	_ =	shalt  }
0x6c: {  	_ =	shalt  }
0x6d: {  	_ =	shalt  }
0x6e: {  	_ =	shalt  }
0x6f: {  	_ =	shalt  }
0x70: {  	_ =	shalt  }
0x71: {  	_ =	shalt  }
0x72: {  	_ =	shalt  }
0x73: {  	_ =	shalt  }
0x74: {  	_ =	shalt  }
0x75: {  	_ =	shalt  }
0x76: {  	_ =	shalt  }
0x77: {  	_ =	shalt  }
0x78: {  	_ =	shalt  }
0x79: {  	_ =	shalt  }
0x7a: {  	_ =	shalt  }
0x7b: {  	_ =	shalt  }
0x7c: {  	_ =	shalt  }
0x7d: {  	_ =	shalt  }
0x7e: {  	_ =	shalt  }
0x7f: {  	_ =	shalt  }
0x80: {  	_ =	shalt  }
0x81: {  	_ =	shalt  }
0x82: {  	_ =	shalt  }
0x83: {  	_ =	shalt  }
0x84: {  	_ =	shalt  }
0x85: {  	_ =	shalt  }
0x86: {  	_ =	shalt  }
0x87: {  	_ =	shalt  }
.Lfunc_end0:
.L_simem_size_0:
called_computation_lowered:
.L_overlay_start_0:
0x88: {  	s2 =	sld [smem:$0x3FD9]  }
0x89: {  	s3 =	sld [smem:$0x3FFE];
	_ =	sdelay $0x1  }
0x8a: {  	s1 =	srdreg.scid  }
0x8b: {  	s0 =	sand.u32 $0x1, s1  }
0x8c: {  	s17 =	sshll.u32 s0, $0xA;
	s2 =	sadd.s32 s3, s2  }
0x8d: {  	s2 =	sadd.s32 s2, s17  }
0x8e: {  	[smem:$0x3FC0] =	sst s2  }
0x8f: {  	_ = 	snop  }
0x90: {  	s2 =	sld [smem:$0x3FD0];
	(tm) =	ssettm $0x1  }
0x91: {  	s18 =	sld [smem:$0x3FFB];
	_ =	sdelay $0x3  }
0x92: {  	_ =	strace s18  }
0x93: {  	s3 =	sld [smem:$0x3FFC];
	_ =	sdelay $0x3  }
0x94: {  	_ =	strace s3  }
0x95: {  	s3 =	sld [smem:$0x3FFD];
	_ =	sdelay $0x3  }
0x96: {  	_ =	strace s3  }
0x97: {  	_ =	strace $0x8FFFFFFF  }
0x98: {  	s19 =	sld [smem:$0x3FDB];
	_ =	sdelay $0x1  }
0x99: {  	s4 =	simm.s32 $_scs_section_size  }
0x9a: {  	s5 =	simm.s32 $_size__tile_overlayer_lowered;
	s6 =	simm.s32 $_tile_overlayer_lowered  }
0x9b: {  	s22 =	simm.s32 $0x1BFF;
	s21 =	sshll.u32 s6, $0x1;
	s3 =	sadd.s32 s4, s19  }
0x9c: {  	s7 =	simm.s32 $0x0;
	s20 =	sshll.u32 s5, $0x1;
	s5 =	sadd.s32 s21, s3  }
0x9d: {  	[timem:s7], [sflag:s22] =	dma.local [hbm:s5], s20  }
0x9e: {  	_ =	swait.ge [sflag:s22], s20  }
0x9f: {  	s4 =	ssub.s32 $0x0, s20;
	[sflag:s22] =	ssyncset.done $0x0  }
0xa0: {  	[sflag:s22] =	ssyncadd.s32 s4;
	_ =	sdelay $0x1  }
0xa1: {  	s23 =	simm.s32 $0x1B8B  }
0xa2: {  	_ =	swait.ge [sflag:s23], $0x1  }
0xa3: {  	[sflag:s23] =	ssyncset.done $0x0  }
0xa4: {  	s25 =	simm.s32 $0x1B8E;
	s24 =	sld [smem:$0x3FFE];
	[sflag:s23] =	ssyncadd.s32 $0xFFFFFFFF  }
0xa5: {  	s26 =	simm.s32 $execute0_lowered;
	[smem:$0x3FD2] =	sst s25  }
0xa6: {  	s5 =	sshll.u32 s26, $0x1;
	_ =	strace $0x80000046;
	[dreg:$0x1] =	wrdreg $0xFFFFFFFF  }
0xa7: {  	s28 =	simm.s32 $_size_execute0_lowered;
	s3 =	sadd.s32 s3, s5;
	[dreg:$0x0] =	wrdreg $0x0  }
0xa8: {  	s5 =	sshll.u32 s28, $0x1;
	[dreg:$0x2] =	wrdreg s3  }
0xa9: {  	[dreg:$0x3] =	wrdreg s5  }
0xaa: {  	[dreg:$0x4] =	wrdreg $0xC0  }
0xab: {  	_ =	task [dreg:s7], $0x5FFFF  }
0xac: {  	[dreg:$0x1] =	wrdreg $0xFFFFFFFF  }
0xad: {  	[dreg:$0x0] =	wrdreg $0x60  }
0xae: {  	[dreg:$0x2] =	wrdreg s2  }
0xaf: {  	[dreg:$0x3] =	wrdreg s24  }
0xb0: {  	[dreg:$0x4] =	wrdreg $0x9  }
0xb1: {  	_ =	task.clear_ibuf [dreg:s7], $0x5FFFF;
	_ =	strace $0x90000046  }
0xb2: {  	s29 =	simm.s32 $0x9;
	_ =	strace $0x80000048  }
0xb3: {  	_ =	swait.ge [sflag:s29], $0x1  }
0xb4: {  	[sflag:s29] =	ssyncadd.s32 $0xFFFFFFFF  }
0xb5: {  	_ =	strace $0x90000048  }
0xb6: {  	_ =	sfence  }
0xb7: {  	s30 =	sld [smem:$0x0];
	_ =	sdelay $0x2  }
0xb8: {  	s31 =	sshll.u32 s1, $0xD;
	s1 =	sshrl.u32 s1, $0x2  }
0xb9: {  	s3 =	sand.u32 $0x4000, s31;
	s1 =	sadd.s32 s1, s30  }
0xba: {  	s0 =	sor.u32 s3, s0;
	s1 =	sshll.u32 s1, $0x11  }
0xbb: {  	s0 =	sor.u32 s1, s0  }
0xbc: {  	s0 =	sadd.s32 $0x8F2B, s0  }
0xbd: {  	[sflag:s0] =	ssyncadd.remote.s32 $0x1  }
0xbe: {  	_ =	sfence.sel $0xFFFF  }
0xbf: {  	[dreg:$0x0] =	wrdreg $0xFFFFFFFF;
	(pc) =	sbr.abs _section_cstart, $3  }
0xc0: {  	[dreg:$0x1] =	wrdreg $0xFFFFFFFF  }
0xc1: {  	_ =	task.clear_ibuf [dreg:s7], $0x2FFFF;
	_ =	strace $0x9FFFFFFF  }
0xc2: {  	(tm) =	ssettm $0x7FFFFFFF  }
0xc3: {  	_ =	shalt  }
tec
execute0_lowered:
.L_overlay_start_1:
0x0: {  	(tag) =	ssettag $0x1  }
0x1: {  	s0 =	srdreg.scid  }
0x2: {  	s3 =	sand.u32 $0x1, s0;
	s0 =	stileid.u32  }
0x3: {  	s4 =	sor.u32 s0, s3  }
0x4: {  	p0 =	sne.s32 s4, $0x0  }
.Ltmp0:
0x5: {  	_ = 	snop;
	(pc) =	sbr.rel @p0 .LBB2_13-.Ltmp0, $4  }
0x6: {  	_ = 	snop  }
0x7: {  	s2 =	rddreg [dreg:$0x0]  }
0x8: {  	s5 =	rddreg [dreg:$0x1]  }
0x9: {  	s1 =	rddreg [dreg:$0x2];
	_ =	strace $0x80000047  }
0xa: {  	s6 =	ssub.s32 $0x2, s3  }
0xb: {  	s3 =	sadd.s32 $0x800, s5;
	s4 =	sadd.s32 $0xA00, s5;
	s5 =	sadd.s32 $0xC00, s5  }
0xc: {  	s8 =	simm.s32 $0x1;
	s9 =	simm.s32 $0x2000;
	s10 =	simm.s32 $0x3000  }
0xd: {  	v0 =	vimm.f32 $0.0e+00;
	v1 =	vlaneseq.u32;
	s11 =	simm.s32 $0x3080;
	s12 =	simm.s32 $0x3100;
	s7 =	sshrl.u32 s6, $0x1  }
0xe: {  	v3 =	vimm.s32 $0x1;
	v4 =	vimm.s32 $0x0;
	s13 =	simm.s32 $0x0;
	v2 =	vmul.u32 $0x40, v1;
	s6 =	ssub.s32 s6, s7;
	s7 =	simm.s32 $0x0  }
.LBB2_2:
0xf: {  	[tilespmem:s7], [sflag:$0x1] =	stream.linear.gather [hbm4b:s2+s7], $0x2000, $0x38;
	[tilespmem:$0x3180] =	vst v63  }
0x10: {  	_ =	swait.ge [sflag:s8], $0x2000  }
0x11: {  	[sflag:s8] =	ssyncset.done $0x0  }
0x12: {  	s14 =	simm.s32 $0x0;
	s15 =	simm.s32 $0x400;
	[sflag:s8] =	ssyncadd.s32 $0xFFFFE000  }
.LBB2_3:
0x13: {  	p0 =	sne.s32 s15, $0x3C00;
	[tilespmem:s14+$0x20F0] =	vst v0  }
0x14: {  	[tilespmem:s14+$0x2000] =	vst v0  }
0x15: {  	[tilespmem:s14+$0x2010] =	vst v0  }
0x16: {  	[tilespmem:s14+$0x2020] =	vst v0  }
0x17: {  	[tilespmem:s14+$0x2030] =	vst v0  }
0x18: {  	[tilespmem:s14+$0x2040] =	vst v0  }
0x19: {  	[tilespmem:s14+$0x2050] =	vst v0  }
0x1a: {  	[tilespmem:s14+$0x2060] =	vst v0  }
0x1b: {  	[tilespmem:s14+$0x2070] =	vst v0  }
0x1c: {  	[tilespmem:s14+$0x2080] =	vst v0  }
0x1d: {  	[tilespmem:s14+$0x2090] =	vst v0  }
.Ltmp1:
0x1e: {  	[tilespmem:s14+$0x20A0] =	vst v0;
	(pc) =	sbr.rel @p0 .LBB2_3-.Ltmp1, $4  }
0x1f: {  	[tilespmem:s14+$0x20B0] =	vst v0  }
0x20: {  	[tilespmem:s14+$0x20C0] =	vst v0  }
0x21: {  	[tilespmem:s14+$0x20D0] =	vst v0  }
0x22: {  	[tilespmem:s14+$0x20E0] =	vst v0;
	s14 =	sshra.s32 s15, $0x2;
	s15 =	sadd.s32 $0x400, s15  }
0x23: {  	[tilespmem:s14+$0x20F0] =	vst v0  }
0x24: {  	[tilespmem:s14+$0x2000] =	vst v0  }
0x25: {  	[tilespmem:s14+$0x2010] =	vst v0  }
0x26: {  	[tilespmem:s14+$0x2020] =	vst v0  }
0x27: {  	[tilespmem:s14+$0x2030] =	vst v0  }
0x28: {  	[tilespmem:s14+$0x2040] =	vst v0  }
0x29: {  	[tilespmem:s14+$0x2050] =	vst v0  }
0x2a: {  	[tilespmem:s14+$0x2060] =	vst v0  }
0x2b: {  	[tilespmem:s14+$0x2070] =	vst v0  }
0x2c: {  	[tilespmem:s14+$0x2080] =	vst v0  }
0x2d: {  	[tilespmem:s14+$0x2090] =	vst v0  }
0x2e: {  	[tilespmem:s14+$0x20A0] =	vst v0  }
0x2f: {  	[tilespmem:s14+$0x20B0] =	vst v0  }
0x30: {  	[tilespmem:s14+$0x20C0] =	vst v0  }
0x31: {  	[tilespmem:s14+$0x20D0] =	vst v0  }
0x32: {  	[tilespmem:s14+$0x20E0] =	vst v0;
	v5 =	vimm.s32 $0x0  }
0x33: {  	[tilespmem:$0x3000] =	vst v5  }
0x34: {  	[tilespmem:$0x3080] =	vst v5  }
0x35: {  	[tilespmem:$0x3010] =	vst v5  }
0x36: {  	[tilespmem:$0x3090] =	vst v5  }
0x37: {  	[tilespmem:$0x3020] =	vst v5  }
0x38: {  	[tilespmem:$0x30A0] =	vst v5  }
0x39: {  	[tilespmem:$0x3030] =	vst v5  }
0x3a: {  	s25 =	simm.s32 $0x200;
	[tilespmem:$0x30B0] =	vst v5  }
0x3b: {  	v6 =	vld [tilespmem:s25+$0xFFFFFE00];
	_ =	sdelay $0x3  }
0x3c: {  	v7 =	vimm.f32 $-Inf;
	v8 =	vld [tilespmem:s25+$0xFFFFFE80]  }
0x3d: {  	vm0 =	vgt.f32 v6, v7  }
0x3e: {  	vm1 =	vmneg vm0  }
0x3f: {  	vm0 =	vmand vm1, vm0  }
0x40: {  	v10 =	vld [tilespmem:s25+$0xFFFFFF00];
	v9 =	vsel vm1, v7, v6;
	v6 =	vsel vm0, v6, v7  }
0x41: {  	vm2 =	vgt.f32 v8, v9;
	v6 =	vsel vm1, v6, v7  }
0x42: {  	vm2 =	vmneg vm2;
	vm3 =	vgt.f32 v8, v6  }
0x43: {  	vm3 =	vmand vm2, vm3  }
0x44: {  	v11 =	vld [tilespmem:s25+$0xFFFFFF80];
	v7 =	vsel vm2, v9, v8;
	v6 =	vsel vm3, v8, v6  }
0x45: {  	vm4 =	vgt.f32 v10, v7;
	v6 =	vsel vm2, v6, v9  }
0x46: {  	vm4 =	vmneg vm4;
	vm5 =	vgt.f32 v10, v6  }
0x47: {  	vm5 =	vmand vm4, vm5  }
0x48: {  	s15 =	simm.s32 $0x0;
	v8 =	vsel vm4, v7, v10;
	v9 =	vld [tilespmem:s25+$0x0];
	v6 =	vsel vm5, v10, v6  }
0x49: {  	v10 =	vsel vm0, s15, v5;
	vm0 =	vgt.f32 v11, v8;
	v6 =	vsel vm4, v6, v7  }
0x4a: {  	s16 =	simm.s32 $0x1;
	v7 =	vsel vm1, v10, v5;
	vm0 =	vmneg vm0;
	vm6 =	vgt.f32 v11, v6  }
0x4b: {  	v5 =	vnsel vm1, s15, v5;
	v7 =	vsel vm3, s16, v7;
	vm1 =	vmand vm0, vm6  }
0x4c: {  	v10 =	vld [tilespmem:s25+$0x80];
	v7 =	vsel vm2, v7, v5;
	v6 =	vsel vm1, v11, v6;
	v11 =	vsel vm0, v8, v11  }
0x4d: {  	s26 =	simm.s32 $0x2;
	v5 =	vnsel vm2, s16, v5;
	v6 =	vsel vm0, v6, v8;
	vm2 =	vgt.f32 v9, v11  }
0x4e: {  	v7 =	vsel vm5, s26, v7;
	vm2 =	vmneg vm2;
	vm3 =	vgt.f32 v9, v6  }
0x4f: {  	v7 =	vsel vm4, v7, v5;
	vm3 =	vmand vm2, vm3  }
0x50: {  	s28 =	simm.s32 $0x3;
	v5 =	vnsel vm4, s26, v5;
	v8 =	vsel vm2, v11, v9;
	v6 =	vsel vm3, v9, v6;
	v9 =	vld [tilespmem:s25+$0x100]  }
0x51: {  	v7 =	vsel vm1, s28, v7;
	vm1 =	vgt.f32 v10, v8;
	v6 =	vsel vm2, v6, v11  }
0x52: {  	s29 =	simm.s32 $0x4;
	v7 =	vsel vm0, v7, v5;
	vm1 =	vmneg vm1;
	vm15 =	vgt.f32 v10, v6  }
0x53: {  	v5 =	vnsel vm0, s28, v5;
	v7 =	vsel vm3, s29, v7;
	vm0 =	vmand vm1, vm15  }
0x54: {  	v13 =	vld [tilespmem:s25+$0x180];
	v11 =	vnsel vm2, s29, v5;
	v12 =	vsel vm1, v8, v10;
	v6 =	vsel vm0, v10, v6  }
0x55: {  	s30 =	simm.s32 $0x5;
	v5 =	vsel vm2, v7, v5;
	v6 =	vsel vm1, v6, v8;
	vm2 =	vgt.f32 v9, v12  }
0x56: {  	v5 =	vsel vm0, s30, v5;
	vm2 =	vmneg vm2;
	vm0 =	vgt.f32 v9, v6  }
0x57: {  	s15 =	simm.s32 $0x600;
	v7 =	vnsel vm1, s30, v11;
	vm0 =	vmand vm2, vm0  }
0x58: {  	s31 =	simm.s32 $0x6;
	v5 =	vsel vm1, v5, v11;
	v10 =	vsel vm2, v12, v9;
	v6 =	vsel vm0, v9, v6;
	v9 =	vld [tilespmem:s15+$0xFFFFFE00]  }
0x59: {  	v5 =	vsel vm0, s31, v5;
	vm0 =	vgt.f32 v13, v10;
	v12 =	vsel vm2, v6, v12  }
0x5a: {  	s17 =	simm.s32 $0x7;
	v6 =	vnsel vm2, s31, v7;
	vm0 =	vmneg vm0;
	vm1 =	vgt.f32 v13, v12  }
0x5b: {  	v8 =	vld [tilespmem:s15+$0xFFFFFE80];
	v7 =	vsel vm2, v5, v7;
	v5 =	vnsel vm0, s17, v6;
	vm1 =	vmand vm0, vm1  }
0x5c: {  	s14 =	simm.s32 $0xF;
	s16 =	simm.s32 $0x17;
	v11 =	vsel vm0, v10, v13;
	v12 =	vsel vm1, v13, v12;
	v7 =	vsel vm1, s17, v7  }
.LBB2_5:
0x5d: {  	p0 =	sne.s32 s16, $0x3F;
	vm1 =	vgt.f32 v9, v11;
	v10 =	vsel vm0, v12, v10;
	v6 =	vsel vm0, v7, v6;
	s17 =	smov.u32 s16;
	s16 =	sadd.s32 $0x8, s16  }
0x5e: {  	vm0 =	vmneg vm1;
	vm1 =	vgt.f32 v9, v10  }
0x5f: {  	vm1 =	vmand vm0, vm1;
	v7 =	vsel vm0, v11, v9;
	v12 =	vld [tilespmem:s15+$0xFFFFFF00]  }
0x60: {  	s18 =	sadd.s32 $0xFFFFFFF9, s14;
	v9 =	vsel vm1, v9, v10;
	vm2 =	vgt.f32 v8, v7  }
0x61: {  	v6 =	vsel vm1, s18, v6;
	v9 =	vsel vm0, v9, v11  }
0x62: {  	v10 =	vnsel vm0, s18, v5;
	vm1 =	vmneg vm2;
	vm2 =	vgt.f32 v8, v9  }
0x63: {  	s18 =	sadd.s32 $0xFFFFFFFA, s14;
	v5 =	vsel vm0, v6, v5;
	v6 =	vsel vm1, v7, v8;
	vm0 =	vmand vm1, vm2;
	v11 =	vld [tilespmem:s15+$0xFFFFFF80]  }
0x64: {  	v8 =	vsel vm0, v8, v9;
	v5 =	vsel vm0, s18, v5;
	vm0 =	vgt.f32 v12, v6  }
0x65: {  	v7 =	vsel vm1, v8, v7;
	v5 =	vsel vm1, v5, v10  }
0x66: {  	vm0 =	vmneg vm0;
	vm2 =	vgt.f32 v12, v7  }
0x67: {  	v8 =	vnsel vm1, s18, v10;
	s18 =	sadd.s32 $0xFFFFFFFB, s14;
	v9 =	vsel vm0, v6, v12;
	vm1 =	vmand vm0, vm2  }
0x68: {  	v7 =	vsel vm1, v12, v7;
	v5 =	vsel vm1, s18, v5;
	vm1 =	vgt.f32 v11, v9;
	v10 =	vld [tilespmem:s15+$0x0]  }
0x69: {  	v6 =	vsel vm0, v7, v6;
	v5 =	vsel vm0, v5, v8  }
0x6a: {  	vm1 =	vmneg vm1;
	vm2 =	vgt.f32 v11, v6  }
0x6b: {  	v7 =	vnsel vm0, s18, v8;
	s18 =	sadd.s32 $0xFFFFFFFC, s14;
	vm0 =	vmand vm1, vm2;
	v8 =	vld [tilespmem:s15+$0x80]  }
0x6c: {  	v6 =	vsel vm0, v11, v6;
	v5 =	vsel vm0, s18, v5;
	v11 =	vsel vm1, v9, v11  }
0x6d: {  	v6 =	vsel vm1, v6, v9;
	v5 =	vsel vm1, v5, v7;
	vm0 =	vgt.f32 v10, v11  }
0x6e: {  	v7 =	vnsel vm1, s18, v7;
	s18 =	sadd.s32 $0xFFFFFFFD, s14;
	vm0 =	vmneg vm0;
	vm1 =	vgt.f32 v10, v6  }
0x6f: {  	vm1 =	vmand vm0, vm1;
	v9 =	vnsel vm0, s18, v7;
	v12 =	vsel vm0, v11, v10  }
0x70: {  	v6 =	vsel vm1, v10, v6;
	v5 =	vsel vm1, s18, v5;
	vm1 =	vgt.f32 v8, v12;
	v10 =	vld [tilespmem:s15+$0x100]  }
0x71: {  	v6 =	vsel vm0, v6, v11;
	v5 =	vsel vm0, v5, v7  }
0x72: {  	vm0 =	vmneg vm1;
	vm1 =	vgt.f32 v8, v6  }
0x73: {  	s18 =	sadd.s32 $0xFFFFFFFE, s14;
	vm1 =	vmand vm0, vm1  }
0x74: {  	v7 =	vsel vm0, v12, v8;
	v6 =	vsel vm1, v8, v6;
	v5 =	vsel vm1, s18, v5;
	v13 =	vld [tilespmem:s15+$0x180]  }
0x75: {  	v6 =	vsel vm0, v6, v12;
	v5 =	vsel vm0, v5, v9;
	vm1 =	vgt.f32 v10, v7  }
0x76: {  	vm1 =	vmneg vm1;
	vm2 =	vgt.f32 v10, v6  }
0x77: {  	v8 =	vnsel vm0, s18, v9;
	s18 =	sadd.s32 $0xFFFFFFFF, s14;
	s15 =	sadd.s32 $0x400, s15;
	vm0 =	vmand vm1, vm2  }
.Ltmp2:
0x78: {  	v9 =	vld [tilespmem:s15+$0xFFFFFE00];
	v6 =	vsel vm0, v10, v6;
	v5 =	vsel vm0, s18, v5;
	v10 =	vsel vm1, v7, v10;
	(pc) =	sbr.rel @p0 .LBB2_5-.Ltmp2, $4  }
0x79: {  	v7 =	vsel vm1, v6, v7;
	v14 =	vsel vm1, v5, v8;
	vm0 =	vgt.f32 v13, v10  }
0x7a: {  	v6 =	vnsel vm1, s18, v8;
	vm0 =	vmneg vm0;
	vm1 =	vgt.f32 v13, v7  }
0x7b: {  	v8 =	vld [tilespmem:s15+$0xFFFFFE80];
	vm1 =	vmand vm0, vm1;
	v5 =	vnsel vm0, s14, v6;
	v11 =	vsel vm0, v10, v13  }
0x7c: {  	v12 =	vsel vm1, v13, v7;
	v7 =	vsel vm1, s14, v14;
	s14 =	smov.u32 s17  }
0x7d: {  	vm1 =	vgt.f32 v9, v11;
	v10 =	vsel vm0, v12, v10  }
0x7e: {  	vm1 =	vmneg vm1;
	vm2 =	vgt.f32 v9, v10  }
0x7f: {  	v12 =	vimm.s32 $0x0;
	vm2 =	vmand vm1, vm2  }
0x80: {  	v12 =	vsel vm2, $0xFFFFFFFF, v12  }
0x81: {  	v13 =	vld [tilespmem:s15+$0xFFFFFF00];
	[tilespmem:$0x1FFF0] =	vst v12;
	v12 =	vsel vm1, v11, v9;
	v9 =	vsel vm2, v9, v10  }
0x82: {  	vm2 =	vgt.f32 v8, v12;
	v9 =	vsel vm1, v9, v11  }
0x83: {  	vm2 =	vmneg vm2;
	vm3 =	vgt.f32 v8, v9  }
0x84: {  	vm5 =	vmand vm2, vm3  }
0x85: {  	v11 =	vld [tilespmem:s15+$0xFFFFFF80];
	v10 =	vsel vm2, v12, v8;
	v8 =	vsel vm5, v8, v9  }
0x86: {  	vm3 =	vgt.f32 v13, v10;
	v8 =	vsel vm2, v8, v12  }
0x87: {  	vm4 =	vmneg vm3;
	vm3 =	vgt.f32 v13, v8  }
0x88: {  	vm7 =	vmand vm4, vm3  }
0x89: {  	v12 =	vld [tilespmem:s15+$0x0];
	v9 =	vsel vm4, v10, v13;
	v8 =	vsel vm7, v13, v8  }
0x8a: {  	vm3 =	vgt.f32 v11, v9;
	v8 =	vsel vm4, v8, v10  }
0x8b: {  	vm6 =	vmneg vm3;
	vm3 =	vgt.f32 v11, v8  }
0x8c: {  	vm9 =	vmand vm6, vm3  }
0x8d: {  	v10 =	vld [tilespmem:s15+$0x80];
	v8 =	vsel vm9, v11, v8;
	v11 =	vsel vm6, v9, v11  }
0x8e: {  	v8 =	vsel vm6, v8, v9;
	vm3 =	vgt.f32 v12, v11  }
0x8f: {  	vm8 =	vmneg vm3;
	vm3 =	vgt.f32 v12, v8  }
0x90: {  	vm11 =	vmand vm8, vm3  }
0x91: {  	v9 =	vsel vm8, v11, v12;
	v8 =	vsel vm11, v12, v8;
	v12 =	vld [tilespmem:s15+$0x100]  }
0x92: {  	vm3 =	vgt.f32 v10, v9;
	v8 =	vsel vm8, v8, v11  }
0x93: {  	vm10 =	vmneg vm3;
	vm3 =	vgt.f32 v10, v8  }
0x94: {  	vm12 =	vmand vm10, vm3  }
0x95: {  	v11 =	vld [tilespmem:s15+$0x180];
	v8 =	vsel vm12, v10, v8;
	v10 =	vsel vm10, v9, v10  }
0x96: {  	v8 =	vsel vm10, v8, v9;
	vm3 =	vgt.f32 v12, v10  }
0x97: {  	vm13 =	vmneg vm3;
	vm3 =	vgt.f32 v12, v8  }
0x98: {  	vm14 =	vmand vm13, vm3  }
0x99: {  	v9 =	vsel vm13, v10, v12;
	v8 =	vsel vm14, v12, v8  }
0x9a: {  	vm3 =	vgt.f32 v11, v9;
	v8 =	vsel vm13, v8, v10  }
0x9b: {  	vm15 =	vmneg vm3;
	vm3 =	vgt.f32 v11, v8  }
0x9c: {  	vm3 =	vmand vm15, vm3  }
0x9d: {  	v8 =	vsel vm3, v11, v8  }
0x9e: {  	v10 =	vsel vm15, v9, v11;
	v8 =	vsel vm15, v8, v9  }
0x9f: {  	v8 =	vsub.f32 v8, v10  }
0xa0: {  	v6 =	vsel vm0, v7, v6;
	v7 =	vld [tilespmem:$0x1FFF0]  }
0xa1: {  	v8 =	vmul.f32 $1.442695020e+00, v8;
	_ =	sdelay $0x1  }
0xa2: {  	(erf) = vpow2.f32 v8;
	_ =	sdelay $0x1  }
0xa3: {  	s17 =	sadd.s32 $0xFFFFFFF9, s14;
	vm0 =	vnez.u8 v7  }
0xa4: {  	v6 =	vsel vm0, s17, v6  }
0xa5: {  	s16 =	sadd.s32 $0xFFFFFFFA, s14;
	v6 =	vsel vm1, v6, v5  }
0xa6: {  	v5 =	vnsel vm1, s17, v5;
	v6 =	vsel vm5, s16, v6  }
0xa7: {  	s18 =	sadd.s32 $0xFFFFFFFB, s14;
	v6 =	vsel vm2, v6, v5  }
0xa8: {  	v5 =	vnsel vm2, s16, v5;
	v6 =	vsel vm7, s18, v6  }
0xa9: {  	s19 =	sadd.s32 $0xFFFFFFFC, s14;
	v6 =	vsel vm4, v6, v5  }
0xaa: {  	v5 =	vnsel vm4, s18, v5;
	v6 =	vsel vm9, s19, v6;
	v7 =	vpop (erf)  }
0xab: {  	s20 =	sadd.s32 $0xFFFFFFFD, s14;
	v6 =	vsel vm6, v6, v5;
	v8 =	vadd.f32 $1.000000000e+00, v7  }
0xac: {  	v5 =	vnsel vm6, s19, v5;
	v6 =	vsel vm11, s20, v6  }
0xad: {  	s21 =	sadd.s32 $0xFFFFFFFE, s14;
	v6 =	vsel vm8, v6, v5;
	(erf) = vrcp.f32 v8  }
0xae: {  	v5 =	vnsel vm8, s20, v5;
	v6 =	vsel vm12, s21, v6  }
0xaf: {  	s22 =	sadd.s32 $0xFFFFFFFF, s14;
	v6 =	vsel vm10, v6, v5  }
0xb0: {  	v5 =	vnsel vm10, s21, v5;
	v6 =	vsel vm14, s22, v6  }
0xb1: {  	v6 =	vsel vm13, v6, v5;
	v5 =	vnsel vm13, s22, v5  }
0xb2: {  	v6 =	vsel vm3, s14, v6;
	v8 =	vnsel vm15, s14, v5  }
0xb3: {  	v5 =	vsel vm15, v6, v5;
	v6 =	vadd.s32 v2, v8  }
0xb4: {  	v9 =	vadd.s32 v2, v5;
	_ =	sdelay $0x1  }
0xb5: {  	v10 =	vpop (erf)  }
0xb6: {  	v7 =	vmul.f32 v10, v7  }
0xb7: {  	[tilespmem:v6+s9+$0x0] =	vst.idx.msk $0xffff, v10  }
0xb8: {  	[tilespmem:v9+s9+$0x0] =	vst.idx.msk $0xffff, v7  }
0xb9: {  	[tilespmem:v8+s10+$0x0] =	vst.idx.msk $0xffff, v3  }
0xba: {  	s23 =	simm.s32 $0x210;
	[tilespmem:v5+s10+$0x0] =	vst.idx.msk $0xffff, v3  }
0xbb: {  	v5 =	vld [tilespmem:s23+$0xFFFFFE00];
	_ =	sdelay $0x3  }
0xbc: {  	v6 =	vimm.f32 $-Inf;
	v7 =	vld [tilespmem:s23+$0xFFFFFE80]  }
0xbd: {  	vm0 =	vgt.f32 v5, v6  }
0xbe: {  	vm1 =	vmneg vm0  }
0xbf: {  	vm0 =	vmand vm1, vm0  }
0xc0: {  	v9 =	vld [tilespmem:s23+$0xFFFFFF00];
	v8 =	vsel vm1, v6, v5;
	v5 =	vsel vm0, v5, v6  }
0xc1: {  	vm2 =	vgt.f32 v7, v8;
	v5 =	vsel vm1, v5, v6  }
0xc2: {  	vm2 =	vmneg vm2;
	vm3 =	vgt.f32 v7, v5  }
0xc3: {  	vm3 =	vmand vm2, vm3  }
0xc4: {  	v10 =	vld [tilespmem:s23+$0xFFFFFF80];
	v6 =	vsel vm2, v8, v7;
	v5 =	vsel vm3, v7, v5  }
0xc5: {  	vm12 =	vgt.f32 v9, v6;
	v5 =	vsel vm2, v5, v8  }
0xc6: {  	vm4 =	vmneg vm12;
	vm13 =	vgt.f32 v9, v5  }
0xc7: {  	vm5 =	vmand vm4, vm13  }
0xc8: {  	s24 =	simm.s32 $0x0;
	v7 =	vimm.s32 $0x0;
	v8 =	vsel vm4, v6, v9;
	v5 =	vsel vm5, v9, v5;
	v9 =	vld [tilespmem:s23+$0x0]  }
0xc9: {  	v11 =	vsel vm0, s24, v7;
	vm0 =	vgt.f32 v10, v8;
	v5 =	vsel vm4, v5, v6  }
0xca: {  	s25 =	simm.s32 $0x1;
	vm0 =	vmneg vm0;
	v6 =	vsel vm1, v11, v7;
	vm14 =	vgt.f32 v10, v5  }
0xcb: {  	v7 =	vnsel vm1, s24, v7;
	v6 =	vsel vm3, s25, v6;
	vm1 =	vmand vm0, vm14  }
0xcc: {  	v11 =	vld [tilespmem:s23+$0x80];
	v6 =	vsel vm2, v6, v7;
	v5 =	vsel vm1, v10, v5;
	v10 =	vsel vm0, v8, v10  }
0xcd: {  	s26 =	simm.s32 $0x2;
	v7 =	vnsel vm2, s25, v7;
	v5 =	vsel vm0, v5, v8;
	vm2 =	vgt.f32 v9, v10  }
0xce: {  	v6 =	vsel vm5, s26, v6;
	vm2 =	vmneg vm2;
	vm3 =	vgt.f32 v9, v5  }
0xcf: {  	v6 =	vsel vm4, v6, v7;
	vm3 =	vmand vm2, vm3  }
0xd0: {  	s28 =	simm.s32 $0x3;
	v7 =	vnsel vm4, s26, v7;
	v8 =	vsel vm2, v10, v9;
	v5 =	vsel vm3, v9, v5;
	v9 =	vld [tilespmem:s23+$0x100]  }
0xd1: {  	v6 =	vsel vm1, s28, v6;
	vm1 =	vgt.f32 v11, v8;
	v5 =	vsel vm2, v5, v10  }
0xd2: {  	s29 =	simm.s32 $0x4;
	v6 =	vsel vm0, v6, v7;
	vm1 =	vmneg vm1;
	vm15 =	vgt.f32 v11, v5  }
0xd3: {  	v7 =	vnsel vm0, s28, v7;
	v6 =	vsel vm3, s29, v6;
	vm0 =	vmand vm1, vm15  }
0xd4: {  	v12 =	vld [tilespmem:s23+$0x180];
	v10 =	vnsel vm2, s29, v7;
	v5 =	vsel vm0, v11, v5;
	v11 =	vsel vm1, v8, v11  }
0xd5: {  	s30 =	simm.s32 $0x5;
	v6 =	vsel vm2, v6, v7;
	v5 =	vsel vm1, v5, v8;
	vm2 =	vgt.f32 v9, v11  }
0xd6: {  	v6 =	vsel vm0, s30, v6;
	vm2 =	vmneg vm2;
	vm0 =	vgt.f32 v9, v5  }
0xd7: {  	s15 =	simm.s32 $0x610;
	v7 =	vnsel vm1, s30, v10;
	vm0 =	vmand vm2, vm0  }
0xd8: {  	s31 =	simm.s32 $0x6;
	v6 =	vsel vm1, v6, v10;
	v10 =	vsel vm2, v11, v9;
	v5 =	vsel vm0, v9, v5;
	v9 =	vld [tilespmem:s15+$0xFFFFFE00]  }
0xd9: {  	v8 =	vsel vm0, s31, v6;
	vm0 =	vgt.f32 v12, v10;
	v13 =	vsel vm2, v5, v11  }
0xda: {  	s17 =	simm.s32 $0x7;
	v6 =	vnsel vm2, s31, v7;
	vm0 =	vmneg vm0;
	vm1 =	vgt.f32 v12, v13  }
0xdb: {  	v7 =	vsel vm2, v8, v7;
	v8 =	vld [tilespmem:s15+$0xFFFFFE80];
	v5 =	vnsel vm0, s17, v6;
	vm1 =	vmand vm0, vm1  }
0xdc: {  	s16 =	simm.s32 $0x17;
	s14 =	simm.s32 $0xF;
	v11 =	vsel vm0, v10, v12;
	v12 =	vsel vm1, v12, v13;
	v7 =	vsel vm1, s17, v7  }
.LBB2_7:
0xdd: {  	p0 =	sne.s32 s16, $0x3F;
	vm1 =	vgt.f32 v9, v11;
	v10 =	vsel vm0, v12, v10;
	v6 =	vsel vm0, v7, v6;
	s17 =	smov.u32 s16;
	s16 =	sadd.s32 $0x8, s16  }
0xde: {  	vm0 =	vmneg vm1;
	vm1 =	vgt.f32 v9, v10  }
0xdf: {  	vm1 =	vmand vm0, vm1;
	v7 =	vsel vm0, v11, v9;
	v12 =	vld [tilespmem:s15+$0xFFFFFF00]  }
0xe0: {  	s18 =	sadd.s32 $0xFFFFFFF9, s14;
	v9 =	vsel vm1, v9, v10;
	vm2 =	vgt.f32 v8, v7  }
0xe1: {  	v6 =	vsel vm1, s18, v6;
	v9 =	vsel vm0, v9, v11  }
0xe2: {  	v10 =	vnsel vm0, s18, v5;
	vm1 =	vmneg vm2;
	vm2 =	vgt.f32 v8, v9  }
0xe3: {  	s18 =	sadd.s32 $0xFFFFFFFA, s14;
	v5 =	vsel vm0, v6, v5;
	v6 =	vsel vm1, v7, v8;
	vm0 =	vmand vm1, vm2;
	v11 =	vld [tilespmem:s15+$0xFFFFFF80]  }
0xe4: {  	v8 =	vsel vm0, v8, v9;
	v5 =	vsel vm0, s18, v5;
	vm0 =	vgt.f32 v12, v6  }
0xe5: {  	v7 =	vsel vm1, v8, v7;
	v5 =	vsel vm1, v5, v10  }
0xe6: {  	vm0 =	vmneg vm0;
	vm2 =	vgt.f32 v12, v7  }
0xe7: {  	v8 =	vnsel vm1, s18, v10;
	s18 =	sadd.s32 $0xFFFFFFFB, s14;
	v9 =	vsel vm0, v6, v12;
	vm1 =	vmand vm0, vm2  }
0xe8: {  	v7 =	vsel vm1, v12, v7;
	v5 =	vsel vm1, s18, v5;
	vm1 =	vgt.f32 v11, v9;
	v10 =	vld [tilespmem:s15+$0x0]  }
0xe9: {  	v6 =	vsel vm0, v7, v6;
	v5 =	vsel vm0, v5, v8  }
0xea: {  	vm1 =	vmneg vm1;
	vm2 =	vgt.f32 v11, v6  }
0xeb: {  	v7 =	vnsel vm0, s18, v8;
	s18 =	sadd.s32 $0xFFFFFFFC, s14;
	vm0 =	vmand vm1, vm2;
	v8 =	vld [tilespmem:s15+$0x80]  }
0xec: {  	v6 =	vsel vm0, v11, v6;
	v5 =	vsel vm0, s18, v5;
	v11 =	vsel vm1, v9, v11  }
0xed: {  	v6 =	vsel vm1, v6, v9;
	v5 =	vsel vm1, v5, v7;
	vm0 =	vgt.f32 v10, v11  }
0xee: {  	v7 =	vnsel vm1, s18, v7;
	s18 =	sadd.s32 $0xFFFFFFFD, s14;
	vm0 =	vmneg vm0;
	vm1 =	vgt.f32 v10, v6  }
0xef: {  	vm1 =	vmand vm0, vm1;
	v9 =	vnsel vm0, s18, v7;
	v12 =	vsel vm0, v11, v10  }
0xf0: {  	v6 =	vsel vm1, v10, v6;
	v5 =	vsel vm1, s18, v5;
	vm1 =	vgt.f32 v8, v12;
	v10 =	vld [tilespmem:s15+$0x100]  }
0xf1: {  	v6 =	vsel vm0, v6, v11;
	v5 =	vsel vm0, v5, v7  }
0xf2: {  	vm0 =	vmneg vm1;
	vm1 =	vgt.f32 v8, v6  }
0xf3: {  	s18 =	sadd.s32 $0xFFFFFFFE, s14;
	vm1 =	vmand vm0, vm1  }
0xf4: {  	v7 =	vsel vm0, v12, v8;
	v6 =	vsel vm1, v8, v6;
	v5 =	vsel vm1, s18, v5;
	v13 =	vld [tilespmem:s15+$0x180]  }
0xf5: {  	v6 =	vsel vm0, v6, v12;
	v5 =	vsel vm0, v5, v9;
	vm1 =	vgt.f32 v10, v7  }
0xf6: {  	vm1 =	vmneg vm1;
	vm2 =	vgt.f32 v10, v6  }
0xf7: {  	v8 =	vnsel vm0, s18, v9;
	s18 =	sadd.s32 $0xFFFFFFFF, s14;
	s15 =	sadd.s32 $0x400, s15;
	vm0 =	vmand vm1, vm2  }
.Ltmp3:
0xf8: {  	v9 =	vld [tilespmem:s15+$0xFFFFFE00];
	v6 =	vsel vm0, v10, v6;
	v5 =	vsel vm0, s18, v5;
	v10 =	vsel vm1, v7, v10;
	(pc) =	sbr.rel @p0 .LBB2_7-.Ltmp3, $4  }
0xf9: {  	v7 =	vsel vm1, v6, v7;
	v14 =	vsel vm1, v5, v8;
	vm0 =	vgt.f32 v13, v10  }
0xfa: {  	v6 =	vnsel vm1, s18, v8;
	vm0 =	vmneg vm0;
	vm1 =	vgt.f32 v13, v7  }
0xfb: {  	v8 =	vld [tilespmem:s15+$0xFFFFFE80];
	vm1 =	vmand vm0, vm1;
	v5 =	vnsel vm0, s14, v6;
	v11 =	vsel vm0, v10, v13  }
0xfc: {  	v12 =	vsel vm1, v13, v7;
	v7 =	vsel vm1, s14, v14;
	s14 =	smov.u32 s17  }
0xfd: {  	vm1 =	vgt.f32 v9, v11;
	v10 =	vsel vm0, v12, v10  }
0xfe: {  	vm1 =	vmneg vm1;
	vm2 =	vgt.f32 v9, v10  }
0xff: {  	v12 =	vimm.s32 $0x0;
	vm2 =	vmand vm1, vm2  }
0x100: {  	v12 =	vsel vm2, $0xFFFFFFFF, v12  }
0x101: {  	v13 =	vld [tilespmem:s15+$0xFFFFFF00];
	[tilespmem:$0x1FFE0] =	vst v12;
	v12 =	vsel vm1, v11, v9;
	v9 =	vsel vm2, v9, v10  }
0x102: {  	vm2 =	vgt.f32 v8, v12;
	v9 =	vsel vm1, v9, v11  }
0x103: {  	vm2 =	vmneg vm2;
	vm3 =	vgt.f32 v8, v9  }
0x104: {  	vm5 =	vmand vm2, vm3  }
0x105: {  	v11 =	vld [tilespmem:s15+$0xFFFFFF80];
	v10 =	vsel vm2, v12, v8;
	v8 =	vsel vm5, v8, v9  }
0x106: {  	vm3 =	vgt.f32 v13, v10;
	v8 =	vsel vm2, v8, v12  }
0x107: {  	vm4 =	vmneg vm3;
	vm3 =	vgt.f32 v13, v8  }
0x108: {  	vm7 =	vmand vm4, vm3  }
0x109: {  	v12 =	vld [tilespmem:s15+$0x0];
	v9 =	vsel vm4, v10, v13;
	v8 =	vsel vm7, v13, v8  }
0x10a: {  	vm3 =	vgt.f32 v11, v9;
	v8 =	vsel vm4, v8, v10  }
0x10b: {  	vm6 =	vmneg vm3;
	vm3 =	vgt.f32 v11, v8  }
0x10c: {  	vm9 =	vmand vm6, vm3  }
0x10d: {  	v10 =	vld [tilespmem:s15+$0x80];
	v8 =	vsel vm9, v11, v8;
	v11 =	vsel vm6, v9, v11  }
0x10e: {  	v8 =	vsel vm6, v8, v9;
	vm3 =	vgt.f32 v12, v11  }
0x10f: {  	vm8 =	vmneg vm3;
	vm3 =	vgt.f32 v12, v8  }
0x110: {  	vm11 =	vmand vm8, vm3  }
0x111: {  	v9 =	vsel vm8, v11, v12;
	v8 =	vsel vm11, v12, v8;
	v12 =	vld [tilespmem:s15+$0x100]  }
0x112: {  	vm3 =	vgt.f32 v10, v9;
	v8 =	vsel vm8, v8, v11  }
0x113: {  	vm10 =	vmneg vm3;
	vm3 =	vgt.f32 v10, v8  }
0x114: {  	vm12 =	vmand vm10, vm3  }
0x115: {  	v11 =	vld [tilespmem:s15+$0x180];
	v8 =	vsel vm12, v10, v8;
	v10 =	vsel vm10, v9, v10  }
0x116: {  	v8 =	vsel vm10, v8, v9;
	vm3 =	vgt.f32 v12, v10  }
0x117: {  	vm13 =	vmneg vm3;
	vm3 =	vgt.f32 v12, v8  }
0x118: {  	vm15 =	vmand vm13, vm3  }
0x119: {  	v9 =	vsel vm13, v10, v12;
	v8 =	vsel vm15, v12, v8  }
0x11a: {  	vm3 =	vgt.f32 v11, v9;
	v8 =	vsel vm13, v8, v10  }
0x11b: {  	vm14 =	vmneg vm3;
	vm3 =	vgt.f32 v11, v8  }
0x11c: {  	vm3 =	vmand vm14, vm3  }
0x11d: {  	v8 =	vsel vm3, v11, v8  }
0x11e: {  	v10 =	vsel vm14, v9, v11;
	v8 =	vsel vm14, v8, v9  }
0x11f: {  	v8 =	vsub.f32 v8, v10  }
0x120: {  	v6 =	vsel vm0, v7, v6;
	v7 =	vld [tilespmem:$0x1FFE0]  }
0x121: {  	v8 =	vmul.f32 $1.442695020e+00, v8;
	_ =	sdelay $0x1  }
0x122: {  	(erf) = vpow2.f32 v8;
	_ =	sdelay $0x1  }
0x123: {  	s17 =	sadd.s32 $0xFFFFFFF9, s14;
	vm0 =	vnez.u8 v7  }
0x124: {  	v6 =	vsel vm0, s17, v6  }
0x125: {  	s16 =	sadd.s32 $0xFFFFFFFA, s14;
	v6 =	vsel vm1, v6, v5  }
0x126: {  	v5 =	vnsel vm1, s17, v5;
	v6 =	vsel vm5, s16, v6  }
0x127: {  	s18 =	sadd.s32 $0xFFFFFFFB, s14;
	v6 =	vsel vm2, v6, v5  }
0x128: {  	v5 =	vnsel vm2, s16, v5;
	v6 =	vsel vm7, s18, v6  }
0x129: {  	s19 =	sadd.s32 $0xFFFFFFFC, s14;
	v6 =	vsel vm4, v6, v5  }
0x12a: {  	v5 =	vnsel vm4, s18, v5;
	v6 =	vsel vm9, s19, v6;
	v7 =	vpop (erf)  }
0x12b: {  	s20 =	sadd.s32 $0xFFFFFFFD, s14;
	v6 =	vsel vm6, v6, v5;
	v8 =	vadd.f32 $1.000000000e+00, v7  }
0x12c: {  	v5 =	vnsel vm6, s19, v5;
	v6 =	vsel vm11, s20, v6  }
0x12d: {  	s21 =	sadd.s32 $0xFFFFFFFE, s14;
	v6 =	vsel vm8, v6, v5;
	(erf) = vrcp.f32 v8  }
0x12e: {  	v5 =	vnsel vm8, s20, v5;
	v6 =	vsel vm12, s21, v6  }
0x12f: {  	s22 =	sadd.s32 $0xFFFFFFFF, s14;
	v6 =	vsel vm10, v6, v5  }
0x130: {  	v5 =	vnsel vm10, s21, v5;
	v6 =	vsel vm15, s22, v6  }
0x131: {  	v6 =	vsel vm13, v6, v5;
	v5 =	vnsel vm13, s22, v5  }
0x132: {  	v6 =	vsel vm3, s14, v6;
	v9 =	vor.u32 $0x400, v2;
	v8 =	vnsel vm14, s14, v5  }
0x133: {  	v5 =	vsel vm14, v6, v5;
	v6 =	vadd.s32 v9, v8  }
0x134: {  	v9 =	vadd.s32 v9, v5;
	_ =	sdelay $0x1  }
0x135: {  	v10 =	vpop (erf)  }
0x136: {  	v7 =	vmul.f32 v10, v7  }
0x137: {  	[tilespmem:v6+s9+$0x0] =	vst.idx.msk $0xffff, v10  }
0x138: {  	[tilespmem:v9+s9+$0x0] =	vst.idx.msk $0xffff, v7  }
0x139: {  	[tilespmem:v8+s10+$0x0] =	vst.idx.msk $0xffff, v3  }
0x13a: {  	s23 =	simm.s32 $0x220;
	[tilespmem:v5+s10+$0x0] =	vst.idx.msk $0xffff, v3  }
0x13b: {  	v5 =	vld [tilespmem:s23+$0xFFFFFE00];
	_ =	sdelay $0x3  }
0x13c: {  	v6 =	vimm.f32 $-Inf;
	v7 =	vld [tilespmem:s23+$0xFFFFFE80]  }
0x13d: {  	vm0 =	vgt.f32 v5, v6  }
0x13e: {  	vm1 =	vmneg vm0  }
0x13f: {  	vm0 =	vmand vm1, vm0  }
0x140: {  	v9 =	vld [tilespmem:s23+$0xFFFFFF00];
	v8 =	vsel vm1, v6, v5;
	v5 =	vsel vm0, v5, v6  }
0x141: {  	vm2 =	vgt.f32 v7, v8;
	v5 =	vsel vm1, v5, v6  }
0x142: {  	vm2 =	vmneg vm2;
	vm3 =	vgt.f32 v7, v5  }
0x143: {  	vm3 =	vmand vm2, vm3  }
0x144: {  	v10 =	vld [tilespmem:s23+$0xFFFFFF80];
	v6 =	vsel vm2, v8, v7;
	v5 =	vsel vm3, v7, v5  }
0x145: {  	vm12 =	vgt.f32 v9, v6;
	v5 =	vsel vm2, v5, v8  }
0x146: {  	vm4 =	vmneg vm12;
	vm13 =	vgt.f32 v9, v5  }
0x147: {  	vm5 =	vmand vm4, vm13  }
0x148: {  	s24 =	simm.s32 $0x0;
	v7 =	vimm.s32 $0x0;
	v8 =	vsel vm4, v6, v9;
	v5 =	vsel vm5, v9, v5;
	v9 =	vld [tilespmem:s23+$0x0]  }
0x149: {  	v11 =	vsel vm0, s24, v7;
	vm0 =	vgt.f32 v10, v8;
	v5 =	vsel vm4, v5, v6  }
0x14a: {  	s25 =	simm.s32 $0x1;
	vm0 =	vmneg vm0;
	v6 =	vsel vm1, v11, v7;
	vm14 =	vgt.f32 v10, v5  }
0x14b: {  	v7 =	vnsel vm1, s24, v7;
	v6 =	vsel vm3, s25, v6;
	vm1 =	vmand vm0, vm14  }
0x14c: {  	v11 =	vld [tilespmem:s23+$0x80];
	v6 =	vsel vm2, v6, v7;
	v5 =	vsel vm1, v10, v5;
	v10 =	vsel vm0, v8, v10  }
0x14d: {  	s26 =	simm.s32 $0x2;
	v7 =	vnsel vm2, s25, v7;
	v5 =	vsel vm0, v5, v8;
	vm2 =	vgt.f32 v9, v10  }
0x14e: {  	v6 =	vsel vm5, s26, v6;
	vm2 =	vmneg vm2;
	vm3 =	vgt.f32 v9, v5  }
0x14f: {  	v6 =	vsel vm4, v6, v7;
	vm3 =	vmand vm2, vm3  }
0x150: {  	s28 =	simm.s32 $0x3;
	v7 =	vnsel vm4, s26, v7;
	v8 =	vsel vm2, v10, v9;
	v5 =	vsel vm3, v9, v5;
	v9 =	vld [tilespmem:s23+$0x100]  }
0x151: {  	v6 =	vsel vm1, s28, v6;
	vm1 =	vgt.f32 v11, v8;
	v5 =	vsel vm2, v5, v10  }
0x152: {  	s29 =	simm.s32 $0x4;
	v6 =	vsel vm0, v6, v7;
	vm1 =	vmneg vm1;
	vm15 =	vgt.f32 v11, v5  }
0x153: {  	v7 =	vnsel vm0, s28, v7;
	v6 =	vsel vm3, s29, v6;
	vm0 =	vmand vm1, vm15  }
0x154: {  	v12 =	vld [tilespmem:s23+$0x180];
	v10 =	vnsel vm2, s29, v7;
	v5 =	vsel vm0, v11, v5;
	v11 =	vsel vm1, v8, v11  }
0x155: {  	s30 =	simm.s32 $0x5;
	v6 =	vsel vm2, v6, v7;
	v5 =	vsel vm1, v5, v8;
	vm2 =	vgt.f32 v9, v11  }
0x156: {  	v6 =	vsel vm0, s30, v6;
	vm2 =	vmneg vm2;
	vm0 =	vgt.f32 v9, v5  }
0x157: {  	s15 =	simm.s32 $0x620;
	v7 =	vnsel vm1, s30, v10;
	vm0 =	vmand vm2, vm0  }
0x158: {  	s31 =	simm.s32 $0x6;
	v6 =	vsel vm1, v6, v10;
	v10 =	vsel vm2, v11, v9;
	v5 =	vsel vm0, v9, v5;
	v9 =	vld [tilespmem:s15+$0xFFFFFE00]  }
0x159: {  	v8 =	vsel vm0, s31, v6;
	vm0 =	vgt.f32 v12, v10;
	v13 =	vsel vm2, v5, v11  }
0x15a: {  	s17 =	simm.s32 $0x7;
	v6 =	vnsel vm2, s31, v7;
	vm0 =	vmneg vm0;
	vm1 =	vgt.f32 v12, v13  }
0x15b: {  	v7 =	vsel vm2, v8, v7;
	v8 =	vld [tilespmem:s15+$0xFFFFFE80];
	v5 =	vnsel vm0, s17, v6;
	vm1 =	vmand vm0, vm1  }
0x15c: {  	s16 =	simm.s32 $0x17;
	s14 =	simm.s32 $0xF;
	v11 =	vsel vm0, v10, v12;
	v12 =	vsel vm1, v12, v13;
	v7 =	vsel vm1, s17, v7  }
.LBB2_9:
0x15d: {  	p0 =	sne.s32 s16, $0x3F;
	vm1 =	vgt.f32 v9, v11;
	v10 =	vsel vm0, v12, v10;
	v6 =	vsel vm0, v7, v6;
	s17 =	smov.u32 s16;
	s16 =	sadd.s32 $0x8, s16  }
0x15e: {  	vm0 =	vmneg vm1;
	vm1 =	vgt.f32 v9, v10  }
0x15f: {  	vm1 =	vmand vm0, vm1;
	v7 =	vsel vm0, v11, v9;
	v12 =	vld [tilespmem:s15+$0xFFFFFF00]  }
0x160: {  	s18 =	sadd.s32 $0xFFFFFFF9, s14;
	v9 =	vsel vm1, v9, v10;
	vm2 =	vgt.f32 v8, v7  }
0x161: {  	v6 =	vsel vm1, s18, v6;
	v9 =	vsel vm0, v9, v11  }
0x162: {  	v10 =	vnsel vm0, s18, v5;
	vm1 =	vmneg vm2;
	vm2 =	vgt.f32 v8, v9  }
0x163: {  	s18 =	sadd.s32 $0xFFFFFFFA, s14;
	v5 =	vsel vm0, v6, v5;
	v6 =	vsel vm1, v7, v8;
	vm0 =	vmand vm1, vm2;
	v11 =	vld [tilespmem:s15+$0xFFFFFF80]  }
0x164: {  	v8 =	vsel vm0, v8, v9;
	v5 =	vsel vm0, s18, v5;
	vm0 =	vgt.f32 v12, v6  }
0x165: {  	v7 =	vsel vm1, v8, v7;
	v5 =	vsel vm1, v5, v10  }
0x166: {  	vm0 =	vmneg vm0;
	vm2 =	vgt.f32 v12, v7  }
0x167: {  	v8 =	vnsel vm1, s18, v10;
	s18 =	sadd.s32 $0xFFFFFFFB, s14;
	v9 =	vsel vm0, v6, v12;
	vm1 =	vmand vm0, vm2  }
0x168: {  	v7 =	vsel vm1, v12, v7;
	v5 =	vsel vm1, s18, v5;
	vm1 =	vgt.f32 v11, v9;
	v10 =	vld [tilespmem:s15+$0x0]  }
0x169: {  	v6 =	vsel vm0, v7, v6;
	v5 =	vsel vm0, v5, v8  }
0x16a: {  	vm1 =	vmneg vm1;
	vm2 =	vgt.f32 v11, v6  }
0x16b: {  	v7 =	vnsel vm0, s18, v8;
	s18 =	sadd.s32 $0xFFFFFFFC, s14;
	vm0 =	vmand vm1, vm2;
	v8 =	vld [tilespmem:s15+$0x80]  }
0x16c: {  	v6 =	vsel vm0, v11, v6;
	v5 =	vsel vm0, s18, v5;
	v11 =	vsel vm1, v9, v11  }
0x16d: {  	v6 =	vsel vm1, v6, v9;
	v5 =	vsel vm1, v5, v7;
	vm0 =	vgt.f32 v10, v11  }
0x16e: {  	v7 =	vnsel vm1, s18, v7;
	s18 =	sadd.s32 $0xFFFFFFFD, s14;
	vm0 =	vmneg vm0;
	vm1 =	vgt.f32 v10, v6  }
0x16f: {  	vm1 =	vmand vm0, vm1;
	v9 =	vnsel vm0, s18, v7;
	v12 =	vsel vm0, v11, v10  }
0x170: {  	v6 =	vsel vm1, v10, v6;
	v5 =	vsel vm1, s18, v5;
	vm1 =	vgt.f32 v8, v12;
	v10 =	vld [tilespmem:s15+$0x100]  }
0x171: {  	v6 =	vsel vm0, v6, v11;
	v5 =	vsel vm0, v5, v7  }
0x172: {  	vm0 =	vmneg vm1;
	vm1 =	vgt.f32 v8, v6  }
0x173: {  	s18 =	sadd.s32 $0xFFFFFFFE, s14;
	vm1 =	vmand vm0, vm1  }
0x174: {  	v7 =	vsel vm0, v12, v8;
	v6 =	vsel vm1, v8, v6;
	v5 =	vsel vm1, s18, v5;
	v13 =	vld [tilespmem:s15+$0x180]  }
0x175: {  	v6 =	vsel vm0, v6, v12;
	v5 =	vsel vm0, v5, v9;
	vm1 =	vgt.f32 v10, v7  }
0x176: {  	vm1 =	vmneg vm1;
	vm2 =	vgt.f32 v10, v6  }
0x177: {  	v8 =	vnsel vm0, s18, v9;
	s18 =	sadd.s32 $0xFFFFFFFF, s14;
	s15 =	sadd.s32 $0x400, s15;
	vm0 =	vmand vm1, vm2  }
.Ltmp4:
0x178: {  	v9 =	vld [tilespmem:s15+$0xFFFFFE00];
	v6 =	vsel vm0, v10, v6;
	v5 =	vsel vm0, s18, v5;
	v10 =	vsel vm1, v7, v10;
	(pc) =	sbr.rel @p0 .LBB2_9-.Ltmp4, $4  }
0x179: {  	v7 =	vsel vm1, v6, v7;
	v14 =	vsel vm1, v5, v8;
	vm0 =	vgt.f32 v13, v10  }
0x17a: {  	v6 =	vnsel vm1, s18, v8;
	vm0 =	vmneg vm0;
	vm1 =	vgt.f32 v13, v7  }
0x17b: {  	v8 =	vld [tilespmem:s15+$0xFFFFFE80];
	vm1 =	vmand vm0, vm1;
	v5 =	vnsel vm0, s14, v6;
	v11 =	vsel vm0, v10, v13  }
0x17c: {  	v12 =	vsel vm1, v13, v7;
	v7 =	vsel vm1, s14, v14;
	s14 =	smov.u32 s17  }
0x17d: {  	vm1 =	vgt.f32 v9, v11;
	v10 =	vsel vm0, v12, v10  }
0x17e: {  	vm1 =	vmneg vm1;
	vm2 =	vgt.f32 v9, v10  }
0x17f: {  	v12 =	vimm.s32 $0x0;
	vm2 =	vmand vm1, vm2  }
0x180: {  	v12 =	vsel vm2, $0xFFFFFFFF, v12  }
0x181: {  	v13 =	vld [tilespmem:s15+$0xFFFFFF00];
	[tilespmem:$0x1FFD0] =	vst v12;
	v12 =	vsel vm1, v11, v9;
	v9 =	vsel vm2, v9, v10  }
0x182: {  	vm2 =	vgt.f32 v8, v12;
	v9 =	vsel vm1, v9, v11  }
0x183: {  	vm2 =	vmneg vm2;
	vm3 =	vgt.f32 v8, v9  }
0x184: {  	vm5 =	vmand vm2, vm3  }
0x185: {  	v11 =	vld [tilespmem:s15+$0xFFFFFF80];
	v10 =	vsel vm2, v12, v8;
	v8 =	vsel vm5, v8, v9  }
0x186: {  	vm3 =	vgt.f32 v13, v10;
	v8 =	vsel vm2, v8, v12  }
0x187: {  	vm4 =	vmneg vm3;
	vm3 =	vgt.f32 v13, v8  }
0x188: {  	vm7 =	vmand vm4, vm3  }
0x189: {  	v12 =	vld [tilespmem:s15+$0x0];
	v9 =	vsel vm4, v10, v13;
	v8 =	vsel vm7, v13, v8  }
0x18a: {  	vm3 =	vgt.f32 v11, v9;
	v8 =	vsel vm4, v8, v10  }
0x18b: {  	vm6 =	vmneg vm3;
	vm3 =	vgt.f32 v11, v8  }
0x18c: {  	vm9 =	vmand vm6, vm3  }
0x18d: {  	v10 =	vld [tilespmem:s15+$0x80];
	v8 =	vsel vm9, v11, v8;
	v11 =	vsel vm6, v9, v11  }
0x18e: {  	v8 =	vsel vm6, v8, v9;
	vm3 =	vgt.f32 v12, v11  }
0x18f: {  	vm8 =	vmneg vm3;
	vm3 =	vgt.f32 v12, v8  }
0x190: {  	vm11 =	vmand vm8, vm3  }
0x191: {  	v9 =	vsel vm8, v11, v12;
	v8 =	vsel vm11, v12, v8;
	v12 =	vld [tilespmem:s15+$0x100]  }
0x192: {  	vm3 =	vgt.f32 v10, v9;
	v8 =	vsel vm8, v8, v11  }
0x193: {  	vm10 =	vmneg vm3;
	vm3 =	vgt.f32 v10, v8  }
0x194: {  	vm12 =	vmand vm10, vm3  }
0x195: {  	v11 =	vld [tilespmem:s15+$0x180];
	v8 =	vsel vm12, v10, v8;
	v10 =	vsel vm10, v9, v10  }
0x196: {  	v8 =	vsel vm10, v8, v9;
	vm3 =	vgt.f32 v12, v10  }
0x197: {  	vm13 =	vmneg vm3;
	vm3 =	vgt.f32 v12, v8  }
0x198: {  	vm15 =	vmand vm13, vm3  }
0x199: {  	v9 =	vsel vm13, v10, v12;
	v8 =	vsel vm15, v12, v8  }
0x19a: {  	vm3 =	vgt.f32 v11, v9;
	v8 =	vsel vm13, v8, v10  }
0x19b: {  	vm14 =	vmneg vm3;
	vm3 =	vgt.f32 v11, v8  }
0x19c: {  	vm3 =	vmand vm14, vm3  }
0x19d: {  	v8 =	vsel vm3, v11, v8  }
0x19e: {  	v10 =	vsel vm14, v9, v11;
	v8 =	vsel vm14, v8, v9  }
0x19f: {  	v8 =	vsub.f32 v8, v10  }
0x1a0: {  	v6 =	vsel vm0, v7, v6;
	v7 =	vld [tilespmem:$0x1FFD0]  }
0x1a1: {  	v8 =	vmul.f32 $1.442695020e+00, v8;
	_ =	sdelay $0x1  }
0x1a2: {  	(erf) = vpow2.f32 v8;
	_ =	sdelay $0x1  }
0x1a3: {  	s17 =	sadd.s32 $0xFFFFFFF9, s14;
	vm0 =	vnez.u8 v7  }
0x1a4: {  	v6 =	vsel vm0, s17, v6  }
0x1a5: {  	s16 =	sadd.s32 $0xFFFFFFFA, s14;
	v6 =	vsel vm1, v6, v5  }
0x1a6: {  	v5 =	vnsel vm1, s17, v5;
	v6 =	vsel vm5, s16, v6  }
0x1a7: {  	s18 =	sadd.s32 $0xFFFFFFFB, s14;
	v6 =	vsel vm2, v6, v5  }
0x1a8: {  	v5 =	vnsel vm2, s16, v5;
	v6 =	vsel vm7, s18, v6  }
0x1a9: {  	s19 =	sadd.s32 $0xFFFFFFFC, s14;
	v6 =	vsel vm4, v6, v5  }
0x1aa: {  	v5 =	vnsel vm4, s18, v5;
	v6 =	vsel vm9, s19, v6;
	v7 =	vpop (erf)  }
0x1ab: {  	s20 =	sadd.s32 $0xFFFFFFFD, s14;
	v6 =	vsel vm6, v6, v5;
	v8 =	vadd.f32 $1.000000000e+00, v7  }
0x1ac: {  	v5 =	vnsel vm6, s19, v5;
	v6 =	vsel vm11, s20, v6  }
0x1ad: {  	s21 =	sadd.s32 $0xFFFFFFFE, s14;
	v6 =	vsel vm8, v6, v5;
	(erf) = vrcp.f32 v8  }
0x1ae: {  	v5 =	vnsel vm8, s20, v5;
	v6 =	vsel vm12, s21, v6  }
0x1af: {  	s22 =	sadd.s32 $0xFFFFFFFF, s14;
	v6 =	vsel vm10, v6, v5  }
0x1b0: {  	v5 =	vnsel vm10, s21, v5;
	v6 =	vsel vm15, s22, v6  }
0x1b1: {  	v6 =	vsel vm13, v6, v5;
	v5 =	vnsel vm13, s22, v5  }
0x1b2: {  	v6 =	vsel vm3, s14, v6;
	v9 =	vor.u32 $0x800, v2;
	v8 =	vnsel vm14, s14, v5  }
0x1b3: {  	v5 =	vsel vm14, v6, v5;
	v6 =	vadd.s32 v9, v8  }
0x1b4: {  	v9 =	vadd.s32 v9, v5;
	_ =	sdelay $0x1  }
0x1b5: {  	v10 =	vpop (erf)  }
0x1b6: {  	v7 =	vmul.f32 v10, v7  }
0x1b7: {  	[tilespmem:v6+s9+$0x0] =	vst.idx.msk $0xffff, v10  }
0x1b8: {  	[tilespmem:v9+s9+$0x0] =	vst.idx.msk $0xffff, v7  }
0x1b9: {  	[tilespmem:v8+s10+$0x0] =	vst.idx.msk $0xffff, v3  }
0x1ba: {  	s23 =	simm.s32 $0x230;
	[tilespmem:v5+s10+$0x0] =	vst.idx.msk $0xffff, v3  }
0x1bb: {  	v5 =	vld [tilespmem:s23+$0xFFFFFE00];
	_ =	sdelay $0x3  }
0x1bc: {  	v6 =	vimm.f32 $-Inf;
	v7 =	vld [tilespmem:s23+$0xFFFFFE80]  }
0x1bd: {  	vm0 =	vgt.f32 v5, v6  }
0x1be: {  	vm1 =	vmneg vm0  }
0x1bf: {  	vm0 =	vmand vm1, vm0  }
0x1c0: {  	v9 =	vld [tilespmem:s23+$0xFFFFFF00];
	v8 =	vsel vm1, v6, v5;
	v5 =	vsel vm0, v5, v6  }
0x1c1: {  	vm2 =	vgt.f32 v7, v8;
	v5 =	vsel vm1, v5, v6  }
0x1c2: {  	vm2 =	vmneg vm2;
	vm3 =	vgt.f32 v7, v5  }
0x1c3: {  	vm3 =	vmand vm2, vm3  }
0x1c4: {  	v10 =	vld [tilespmem:s23+$0xFFFFFF80];
	v6 =	vsel vm2, v8, v7;
	v5 =	vsel vm3, v7, v5  }
0x1c5: {  	vm12 =	vgt.f32 v9, v6;
	v5 =	vsel vm2, v5, v8  }
0x1c6: {  	vm4 =	vmneg vm12;
	vm13 =	vgt.f32 v9, v5  }
0x1c7: {  	vm5 =	vmand vm4, vm13  }
0x1c8: {  	s24 =	simm.s32 $0x0;
	v7 =	vimm.s32 $0x0;
	v8 =	vsel vm4, v6, v9;
	v5 =	vsel vm5, v9, v5;
	v9 =	vld [tilespmem:s23+$0x0]  }
0x1c9: {  	v11 =	vsel vm0, s24, v7;
	vm0 =	vgt.f32 v10, v8;
	v5 =	vsel vm4, v5, v6  }
0x1ca: {  	s25 =	simm.s32 $0x1;
	vm0 =	vmneg vm0;
	v6 =	vsel vm1, v11, v7;
	vm14 =	vgt.f32 v10, v5  }
0x1cb: {  	v7 =	vnsel vm1, s24, v7;
	v6 =	vsel vm3, s25, v6;
	vm1 =	vmand vm0, vm14  }
0x1cc: {  	v11 =	vld [tilespmem:s23+$0x80];
	v6 =	vsel vm2, v6, v7;
	v5 =	vsel vm1, v10, v5;
	v10 =	vsel vm0, v8, v10  }
0x1cd: {  	s26 =	simm.s32 $0x2;
	v7 =	vnsel vm2, s25, v7;
	v5 =	vsel vm0, v5, v8;
	vm2 =	vgt.f32 v9, v10  }
0x1ce: {  	v6 =	vsel vm5, s26, v6;
	vm2 =	vmneg vm2;
	vm3 =	vgt.f32 v9, v5  }
0x1cf: {  	v6 =	vsel vm4, v6, v7;
	vm3 =	vmand vm2, vm3  }
0x1d0: {  	s28 =	simm.s32 $0x3;
	v7 =	vnsel vm4, s26, v7;
	v8 =	vsel vm2, v10, v9;
	v5 =	vsel vm3, v9, v5;
	v9 =	vld [tilespmem:s23+$0x100]  }
0x1d1: {  	v6 =	vsel vm1, s28, v6;
	vm1 =	vgt.f32 v11, v8;
	v5 =	vsel vm2, v5, v10  }
0x1d2: {  	s29 =	simm.s32 $0x4;
	v6 =	vsel vm0, v6, v7;
	vm1 =	vmneg vm1;
	vm15 =	vgt.f32 v11, v5  }
0x1d3: {  	v7 =	vnsel vm0, s28, v7;
	v6 =	vsel vm3, s29, v6;
	vm0 =	vmand vm1, vm15  }
0x1d4: {  	v12 =	vld [tilespmem:s23+$0x180];
	v10 =	vnsel vm2, s29, v7;
	v5 =	vsel vm0, v11, v5;
	v11 =	vsel vm1, v8, v11  }
0x1d5: {  	s30 =	simm.s32 $0x5;
	v6 =	vsel vm2, v6, v7;
	v5 =	vsel vm1, v5, v8;
	vm2 =	vgt.f32 v9, v11  }
0x1d6: {  	v6 =	vsel vm0, s30, v6;
	vm2 =	vmneg vm2;
	vm0 =	vgt.f32 v9, v5  }
0x1d7: {  	s15 =	simm.s32 $0x630;
	v7 =	vnsel vm1, s30, v10;
	vm0 =	vmand vm2, vm0  }
0x1d8: {  	s31 =	simm.s32 $0x6;
	v6 =	vsel vm1, v6, v10;
	v10 =	vsel vm2, v11, v9;
	v5 =	vsel vm0, v9, v5;
	v9 =	vld [tilespmem:s15+$0xFFFFFE00]  }
0x1d9: {  	v8 =	vsel vm0, s31, v6;
	vm0 =	vgt.f32 v12, v10;
	v13 =	vsel vm2, v5, v11  }
0x1da: {  	s17 =	simm.s32 $0x7;
	v6 =	vnsel vm2, s31, v7;
	vm0 =	vmneg vm0;
	vm1 =	vgt.f32 v12, v13  }
0x1db: {  	v7 =	vsel vm2, v8, v7;
	v8 =	vld [tilespmem:s15+$0xFFFFFE80];
	v5 =	vnsel vm0, s17, v6;
	vm1 =	vmand vm0, vm1  }
0x1dc: {  	s16 =	simm.s32 $0x17;
	s14 =	simm.s32 $0xF;
	v11 =	vsel vm0, v10, v12;
	v12 =	vsel vm1, v12, v13;
	v7 =	vsel vm1, s17, v7  }
.LBB2_11:
0x1dd: {  	p0 =	sne.s32 s16, $0x3F;
	vm1 =	vgt.f32 v9, v11;
	v10 =	vsel vm0, v12, v10;
	v6 =	vsel vm0, v7, v6;
	s17 =	smov.u32 s16;
	s16 =	sadd.s32 $0x8, s16  }
0x1de: {  	vm0 =	vmneg vm1;
	vm1 =	vgt.f32 v9, v10  }
0x1df: {  	vm1 =	vmand vm0, vm1;
	v7 =	vsel vm0, v11, v9;
	v12 =	vld [tilespmem:s15+$0xFFFFFF00]  }
0x1e0: {  	s18 =	sadd.s32 $0xFFFFFFF9, s14;
	v9 =	vsel vm1, v9, v10;
	vm2 =	vgt.f32 v8, v7  }
0x1e1: {  	v6 =	vsel vm1, s18, v6;
	v9 =	vsel vm0, v9, v11  }
0x1e2: {  	v10 =	vnsel vm0, s18, v5;
	vm1 =	vmneg vm2;
	vm2 =	vgt.f32 v8, v9  }
0x1e3: {  	s18 =	sadd.s32 $0xFFFFFFFA, s14;
	v5 =	vsel vm0, v6, v5;
	v6 =	vsel vm1, v7, v8;
	vm0 =	vmand vm1, vm2;
	v11 =	vld [tilespmem:s15+$0xFFFFFF80]  }
0x1e4: {  	v8 =	vsel vm0, v8, v9;
	v5 =	vsel vm0, s18, v5;
	vm0 =	vgt.f32 v12, v6  }
0x1e5: {  	v7 =	vsel vm1, v8, v7;
	v5 =	vsel vm1, v5, v10  }
0x1e6: {  	vm0 =	vmneg vm0;
	vm2 =	vgt.f32 v12, v7  }
0x1e7: {  	v8 =	vnsel vm1, s18, v10;
	s18 =	sadd.s32 $0xFFFFFFFB, s14;
	v9 =	vsel vm0, v6, v12;
	vm1 =	vmand vm0, vm2  }
0x1e8: {  	v7 =	vsel vm1, v12, v7;
	v5 =	vsel vm1, s18, v5;
	vm1 =	vgt.f32 v11, v9;
	v10 =	vld [tilespmem:s15+$0x0]  }
0x1e9: {  	v6 =	vsel vm0, v7, v6;
	v5 =	vsel vm0, v5, v8  }
0x1ea: {  	vm1 =	vmneg vm1;
	vm2 =	vgt.f32 v11, v6  }
0x1eb: {  	v7 =	vnsel vm0, s18, v8;
	s18 =	sadd.s32 $0xFFFFFFFC, s14;
	vm0 =	vmand vm1, vm2;
	v8 =	vld [tilespmem:s15+$0x80]  }
0x1ec: {  	v6 =	vsel vm0, v11, v6;
	v5 =	vsel vm0, s18, v5;
	v11 =	vsel vm1, v9, v11  }
0x1ed: {  	v6 =	vsel vm1, v6, v9;
	v5 =	vsel vm1, v5, v7;
	vm0 =	vgt.f32 v10, v11  }
0x1ee: {  	v7 =	vnsel vm1, s18, v7;
	s18 =	sadd.s32 $0xFFFFFFFD, s14;
	vm0 =	vmneg vm0;
	vm1 =	vgt.f32 v10, v6  }
0x1ef: {  	vm1 =	vmand vm0, vm1;
	v9 =	vnsel vm0, s18, v7;
	v12 =	vsel vm0, v11, v10  }
0x1f0: {  	v6 =	vsel vm1, v10, v6;
	v5 =	vsel vm1, s18, v5;
	vm1 =	vgt.f32 v8, v12;
	v10 =	vld [tilespmem:s15+$0x100]  }
0x1f1: {  	v6 =	vsel vm0, v6, v11;
	v5 =	vsel vm0, v5, v7  }
0x1f2: {  	vm0 =	vmneg vm1;
	vm1 =	vgt.f32 v8, v6  }
0x1f3: {  	s18 =	sadd.s32 $0xFFFFFFFE, s14;
	vm1 =	vmand vm0, vm1  }
0x1f4: {  	v7 =	vsel vm0, v12, v8;
	v6 =	vsel vm1, v8, v6;
	v5 =	vsel vm1, s18, v5;
	v13 =	vld [tilespmem:s15+$0x180]  }
0x1f5: {  	v6 =	vsel vm0, v6, v12;
	v5 =	vsel vm0, v5, v9;
	vm1 =	vgt.f32 v10, v7  }
0x1f6: {  	vm1 =	vmneg vm1;
	vm2 =	vgt.f32 v10, v6  }
0x1f7: {  	v8 =	vnsel vm0, s18, v9;
	s18 =	sadd.s32 $0xFFFFFFFF, s14;
	s15 =	sadd.s32 $0x400, s15;
	vm0 =	vmand vm1, vm2  }
.Ltmp5:
0x1f8: {  	v9 =	vld [tilespmem:s15+$0xFFFFFE00];
	v6 =	vsel vm0, v10, v6;
	v5 =	vsel vm0, s18, v5;
	v10 =	vsel vm1, v7, v10;
	(pc) =	sbr.rel @p0 .LBB2_11-.Ltmp5, $4  }
0x1f9: {  	v7 =	vsel vm1, v6, v7;
	v14 =	vsel vm1, v5, v8;
	vm0 =	vgt.f32 v13, v10  }
0x1fa: {  	v6 =	vnsel vm1, s18, v8;
	vm0 =	vmneg vm0;
	vm1 =	vgt.f32 v13, v7  }
0x1fb: {  	v8 =	vld [tilespmem:s15+$0xFFFFFE80];
	vm1 =	vmand vm0, vm1;
	v5 =	vnsel vm0, s14, v6;
	v11 =	vsel vm0, v10, v13  }
0x1fc: {  	v12 =	vsel vm1, v13, v7;
	v7 =	vsel vm1, s14, v14;
	s14 =	smov.u32 s17  }
0x1fd: {  	vm1 =	vgt.f32 v9, v11;
	v10 =	vsel vm0, v12, v10  }
0x1fe: {  	vm1 =	vmneg vm1;
	vm2 =	vgt.f32 v9, v10  }
0x1ff: {  	vm2 =	vmand vm1, vm2  }
0x200: {  	v48 =	vld [tilespmem:s15+$0xFFFFFF00];
	v46 =	vsel vm1, v11, v9;
	v47 =	vsel vm2, v9, v10  }
0x201: {  	v45 =	vimm.s32 $0x0;
	vm5 =	vgt.f32 v8, v46;
	v9 =	vsel vm1, v47, v11  }
0x202: {  	v12 =	vsel vm2, $0xFFFFFFFF, v45;
	vm2 =	vmneg vm5;
	vm3 =	vgt.f32 v8, v9  }
0x203: {  	vm5 =	vmand vm2, vm3  }
0x204: {  	v51 =	vld [tilespmem:s15+$0xFFFFFF80];
	v49 =	vsel vm2, v46, v8;
	v50 =	vsel vm5, v8, v9  }
0x205: {  	vm6 =	vgt.f32 v48, v49;
	v8 =	vsel vm2, v50, v46  }
0x206: {  	vm4 =	vmneg vm6;
	vm7 =	vgt.f32 v48, v8  }
0x207: {  	vm7 =	vmand vm4, vm7  }
0x208: {  	v53 =	vld [tilespmem:s15+$0x0];
	v52 =	vsel vm4, v49, v48;
	v8 =	vsel vm7, v48, v8  }
0x209: {  	vm8 =	vgt.f32 v51, v52;
	v8 =	vsel vm4, v8, v49  }
0x20a: {  	vm6 =	vmneg vm8;
	vm9 =	vgt.f32 v51, v8  }
0x20b: {  	vm9 =	vmand vm6, vm9  }
0x20c: {  	v54 =	vld [tilespmem:s15+$0x80];
	v9 =	vsel vm6, v52, v51;
	v8 =	vsel vm9, v51, v8  }
0x20d: {  	vm10 =	vgt.f32 v53, v9;
	v8 =	vsel vm6, v8, v52  }
0x20e: {  	vm8 =	vmneg vm10;
	vm11 =	vgt.f32 v53, v8  }
0x20f: {  	vm11 =	vmand vm8, vm11  }
0x210: {  	v56 =	vld [tilespmem:s15+$0x100];
	v55 =	vsel vm8, v9, v53;
	v8 =	vsel vm11, v53, v8  }
0x211: {  	vm12 =	vgt.f32 v54, v55;
	v8 =	vsel vm8, v8, v9  }
0x212: {  	vm10 =	vmneg vm12;
	vm13 =	vgt.f32 v54, v8  }
0x213: {  	vm12 =	vmand vm10, vm13  }
0x214: {  	v58 =	vld [tilespmem:s15+$0x180];
	v57 =	vsel vm10, v55, v54;
	v8 =	vsel vm12, v54, v8  }
0x215: {  	vm14 =	vgt.f32 v56, v57;
	v8 =	vsel vm10, v8, v55  }
0x216: {  	vm13 =	vmneg vm14;
	vm15 =	vgt.f32 v56, v8  }
0x217: {  	vm15 =	vmand vm13, vm15  }
0x218: {  	v10 =	vsel vm13, v57, v56;
	v8 =	vsel vm15, v56, v8  }
0x219: {  	vm14 =	vgt.f32 v58, v10;
	v8 =	vsel vm13, v8, v57  }
0x21a: {  	vm14 =	vmneg vm14;
	vm3 =	vgt.f32 v58, v8  }
0x21b: {  	vm3 =	vmand vm14, vm3  }
0x21c: {  	v8 =	vsel vm3, v58, v8  }
0x21d: {  	v59 =	vsel vm14, v10, v58;
	v8 =	vsel vm14, v8, v10  }
0x21e: {  	[tilespmem:$0x1FFC0] =	vst v12;
	v8 =	vsub.f32 v8, v59  }
0x21f: {  	v6 =	vsel vm0, v7, v6;
	v7 =	vld [tilespmem:$0x1FFC0]  }
0x220: {  	v8 =	vmul.f32 $1.442695020e+00, v8;
	_ =	sdelay $0x1  }
0x221: {  	(erf) = vpow2.f32 v8;
	_ =	sdelay $0x1  }
0x222: {  	s21 =	sadd.s32 $0xFFFFFFF9, s14;
	vm0 =	vnez.u8 v7  }
0x223: {  	v6 =	vsel vm0, s21, v6  }
0x224: {  	s16 =	sadd.s32 $0xFFFFFFFA, s14;
	v6 =	vsel vm1, v6, v5  }
0x225: {  	v5 =	vnsel vm1, s21, v5;
	v6 =	vsel vm5, s16, v6  }
0x226: {  	s22 =	sadd.s32 $0xFFFFFFFB, s14;
	v6 =	vsel vm2, v6, v5  }
0x227: {  	v5 =	vnsel vm2, s16, v5;
	v6 =	vsel vm7, s22, v6  }
0x228: {  	s23 =	sadd.s32 $0xFFFFFFFC, s14;
	v6 =	vsel vm4, v6, v5  }
0x229: {  	v5 =	vnsel vm4, s22, v5;
	v6 =	vsel vm9, s23, v6;
	v7 =	vpop (erf)  }
0x22a: {  	s24 =	sadd.s32 $0xFFFFFFFD, s14;
	v6 =	vsel vm6, v6, v5;
	v60 =	vadd.f32 $1.000000000e+00, v7  }
0x22b: {  	v5 =	vnsel vm6, s23, v5;
	v6 =	vsel vm11, s24, v6  }
0x22c: {  	s25 =	sadd.s32 $0xFFFFFFFE, s14;
	v6 =	vsel vm8, v6, v5;
	(erf) = vrcp.f32 v60  }
0x22d: {  	v5 =	vnsel vm8, s24, v5;
	v6 =	vsel vm12, s25, v6  }
0x22e: {  	s26 =	sadd.s32 $0xFFFFFFFF, s14;
	v6 =	vsel vm10, v6, v5  }
0x22f: {  	v5 =	vnsel vm10, s25, v5;
	v6 =	vsel vm15, s26, v6  }
0x230: {  	v6 =	vsel vm13, v6, v5;
	v5 =	vnsel vm13, s26, v5  }
0x231: {  	v62 =	vor.u32 $0xC00, v2;
	v61 =	vnsel vm14, s14, v5;
	v6 =	vsel vm3, s14, v6  }
0x232: {  	v5 =	vsel vm14, v6, v5;
	v6 =	vadd.s32 v62, v61  }
0x233: {  	v9 =	vadd.s32 v62, v5;
	_ =	sdelay $0x1  }
0x234: {  	v63 =	vpop (erf)  }
0x235: {  	v7 =	vmul.f32 v63, v7  }
0x236: {  	[tilespmem:v6+s9+$0x0] =	vst.idx.msk $0xffff, v63  }
0x237: {  	[tilespmem:v9+s9+$0x0] =	vst.idx.msk $0xffff, v7  }
0x238: {  	[tilespmem:v61+s10+$0x0] =	vst.idx.msk $0xffff, v3  }
0x239: {  	[tilespmem:v5+s10+$0x0] =	vst.idx.msk $0xffff, v3  }
0x23a: {  	v5 =	vld [tilespmem:$0x3000];
	_ =	sdelay $0x4  }
0x23b: {  	vm12 =	vgt.s32 v5, $0x0  }
0x23c: {  	v5 =	vsel vm12, $0x1, v4  }
0x23d: {  	(xrf0) =	vadd.scan.msk.s32 $0xffff, v5;
	_ =	sdelay $0x5  }
0x23e: {  	v5, _, _ =	vpop (xrf0)  }
0x23f: {  	v6 =	vadd.s32 $0xFFFFFFFF, v5;
	_ =	sdelay $0x4  }
0x240: {  	[tilespmem:v6+s11+$0x0] =	vst.idx.msk vm12, v1  }
0x241: {  	v7 =	vld [tilespmem:$0x3010];
	_ =	sdelay $0x4  }
0x242: {  	vm13 =	vgt.s32 v7, $0x0  }
0x243: {  	v7 =	vsel vm13, $0x1, v4  }
0x244: {  	(xrf0) =	vadd.scan.msk.s32 $0xffff, v7;
	_ =	sdelay $0x5  }
0x245: {  	(v2sf) =	vpush v5, $0xF;
	v6 =	vbroadcast v6, $0xF;
	v5, _, _ =	vpop (xrf0)  }
0x246: {  	(v2sf) =	vpush v5, $0xF  }
0x247: {  	v5 =	vadd.s32 v5, v6;
	_ =	sdelay $0x3  }
0x248: {  	v6 =	vor.u32 $0x10, v1  }
0x249: {  	[tilespmem:v5+s11+$0x0] =	vst.idx.msk vm13, v6  }
0x24a: {  	v5 =	vld [tilespmem:$0x3020];
	_ =	sdelay $0x4  }
0x24b: {  	vm14 =	vgt.s32 v5, $0x0  }
0x24c: {  	v5 =	vsel vm14, $0x1, v4  }
0x24d: {  	s28 =	spop (v2sf);
	(xrf0) =	vadd.scan.msk.s32 $0xffff, v5  }
0x24e: {  	s29 =	spop (v2sf)  }
0x24f: {  	s14 =	sadd.s32 s28, s29  }
0x250: {  	v5 =	vmov s14  }
0x251: {  	v5 =	vadd.s32 $0xFFFFFFFF, v5  }
0x252: {  	v5 =	vbroadcast v5, $0x0  }
0x253: {  	v6, _, _ =	vpop (xrf0)  }
0x254: {  	v5 =	vadd.s32 v6, v5;
	_ =	sdelay $0x3  }
0x255: {  	v7 =	vor.u32 $0x20, v1  }
0x256: {  	[tilespmem:v5+s11+$0x0] =	vst.idx.msk vm14, v7  }
0x257: {  	v5 =	vld [tilespmem:$0x3030];
	_ =	sdelay $0x4  }
0x258: {  	(v2sf) =	vpush v6, $0xF;
	vm15 =	vgt.s32 v5, $0x0  }
0x259: {  	v5 =	vsel vm15, $0x1, v4  }
0x25a: {  	(xrf0) =	vadd.scan.msk.s32 $0xffff, v5;
	_ =	sdelay $0x5  }
0x25b: {  	v5, _, _ =	vpop (xrf0)  }
0x25c: {  	(v2sf) =	vpush v5, $0xF;
	_ =	sdelay $0x5  }
0x25d: {  	s30 =	spop (v2sf)  }
0x25e: {  	s14 =	sadd.s32 s14, s30  }
0x25f: {  	v6 =	vmov s14  }
0x260: {  	v6 =	vadd.s32 $0xFFFFFFFF, v6  }
0x261: {  	v6 =	vbroadcast v6, $0x0;
	_ =	sdelay $0x1  }
0x262: {  	v5 =	vadd.s32 v5, v6;
	_ =	sdelay $0x2  }
0x263: {  	s31 =	spop (v2sf)  }
0x264: {  	v6 =	vor.u32 $0x30, v1;
	s14 =	sadd.s32 s14, s31  }
0x265: {  	[tilespmem:v5+s11+$0x0] =	vst.idx.msk vm15, v6;
	v5 =	vmov s14  }
0x266: {  	[tilespmem:$0x3100] =	vst v5  }
0x267: {  	[hbm4b:s3+s7] =	stream.linear.scatter [tilespmem:s9], [sflag:$0x1], $0x1000, $0x38;
	[tilespmem:$0x3180] =	vst v63  }
0x268: {  	_ =	swait.ge [sflag:s8], $0x1000  }
0x269: {  	[sflag:s8] =	ssyncset.done $0x0  }
0x26a: {  	[sflag:s8] =	ssyncadd.s32 $0xFFFFF000  }
0x26b: {  	[hbm4b:s4+s7] =	stream.linear.scatter [tilespmem:s11], [sflag:$0x1], $0x80, $0x38;
	[tilespmem:$0x3180] =	vst v63  }
0x26c: {  	s13 =	sadd.s32 $0x1, s13;
	_ =	swait.ge [sflag:s8], $0x80  }
0x26d: {  	p0 =	sne.s32 s13, s6;
	[sflag:s8] =	ssyncset.done $0x0  }
.Ltmp6:
0x26e: {  	[sflag:s8] =	ssyncadd.s32 $0xFFFFFF80;
	(pc) =	sbr.rel @p0 .LBB2_2-.Ltmp6, $4  }
0x26f: {  	[hbm4b:s5+s7] =	stream.linear.scatter [tilespmem:s12], [sflag:$0x1], $0x80, $0x38;
	[tilespmem:$0x3180] =	vst v63  }
0x270: {  	_ =	swait.ge [sflag:s8], $0x80  }
0x271: {  	[sflag:s8] =	ssyncset.done $0x0  }
0x272: {  	[sflag:s8] =	ssyncadd.s32 $0xFFFFFF80  }
.LBB2_13:
0x273: {  	_ =	sfence.sel $0x180000  }
0x274: {  	[bflag:$0x0] =	sbarrier.arrive $0xFFFF  }
0x275: {  	p0 =	sne.s32 s0, $0x0;
	_ =	strace $0x90000047  }
0x276: {  	s0 =	sadd.s32 @!p0 $0x100000, s1;
	[bflag:$0x2] =	sbarrier.arrive $0xFFFF  }
0x277: {  	[sflag:s0] =	ssyncadd.tile.s32 @!p0 $0x1;
	_ =	shalt  }
.Lfunc_end2:
_tile_overlayer_lowered:
.L_overlay_start_2:
0x278: {  	(tag) =	ssettag $0x2  }
0x279: {  	s0 =	rddreg [dreg:$0x0];
	s2 =	stileid.u32  }
0x27a: {  	s1 =	rddreg [dreg:$0x1];
	p0 =	sne.s32 s2, $0x0  }
0x27b: {  	s3 =	rddreg [dreg:$0x2];
	[bflag:$0x3] =	sbarrier.arrive $0xFFFF;
	s2 =	simm.s32 @!p0 $0x1C01  }
0x27c: {  	[timem:s3], [sflag:s2] =	dma.local @!p0 [hbm:s0], s1  }
0x27d: {  	s0 =	simm.s32 @!p0 $0x1  }
0x27e: {  	_ =	swait.ge @!p0 [sflag:s0], s1  }
0x27f: {  	s1 =	ssub.s32 @!p0 $0x0, s1;
	[sflag:s0] =	ssyncset.done @!p0 $0x0  }
0x280: {  	[sflag:s0] =	ssyncadd.s32 @!p0 s1  }
0x281: {  	[bflag:$0x3] =	sbarrier.arrive $0xFFFF  }
0x282: {  	_ =	shalt  }

</sc_bundles>
